<compile_context>
chip_gen: v7x
topology: tpu7x:2x2x1
jax: 0.10.2.dev20260603
libtpu: 0.0.44.dev20260713+nightly
codegen_flags: <defaults>
</compile_context>

<pallas_src>
import functools

import jax
import jax.numpy as jnp
from jax import lax
from jax.experimental import pallas as pl
from jax.experimental.pallas import tpu as pltpu
from jax.experimental.pallas import tpu_sc as plsc

_B, _N, _D = 8, 4096, 256
_S = 512
_K = 32
_R2 = 0.2 * 0.2

_NC, _NS = 2, 16
_NW = _NC * _NS
_RPW = (_B * _S) // _NW
_IDXCAP = 160


def _fps_body(xyz3_ref, nx_ref, ny_ref, nz_ref, ci_ref):
    xyz3 = xyz3_ref[...]
    x = xyz3[0:_B]
    y = xyz3[_B:2 * _B]
    z = xyz3[2 * _B:3 * _B]
    col_iota = lax.broadcasted_iota(jnp.int32, (_B, _S), 1)

    def body(i, st):
        dist, far = st
        onehot = iota_n == far
        cx = jnp.max(jnp.where(onehot, x, -1.0), axis=1, keepdims=True)
        cy = jnp.max(jnp.where(onehot, y, -1.0), axis=1, keepdims=True)
        cz = jnp.max(jnp.where(onehot, z, -1.0), axis=1, keepdims=True)
        sel = col_iota == i
        nx_ref[...] = jnp.where(sel, cx, nx_ref[...])
        ny_ref[...] = jnp.where(sel, cy, ny_ref[...])
        nz_ref[...] = jnp.where(sel, cz, nz_ref[...])
        ci_ref[...] = jnp.where(sel, far, ci_ref[...])
        dx = x - cx
        dy = y - cy
        dz = z - cz
        d = dx * dx + dy * dy + dz * dz
        dist = jnp.minimum(dist, d)
        m = jnp.max(dist, axis=1, keepdims=True)
        far = jnp.min(jnp.where(dist == m, iota_n, _N), axis=1, keepdims=True)
        return (dist, far)

    iota_n = lax.broadcasted_iota(jnp.int32, (_B, _N), 1)
    row_n = lax.broadcasted_iota(jnp.int32, (_B, _N), 0)
    init = (
        (iota_n + row_n).astype(jnp.float32) + 1e10,
        jnp.zeros((_B, 1), jnp.int32),
    )
    lax.fori_loop(0, _S, body, init)


_fps_call = pl.pallas_call(
    _fps_body,
    out_shape=[
        jax.ShapeDtypeStruct((_B, _S), jnp.float32),
        jax.ShapeDtypeStruct((_B, _S), jnp.float32),
        jax.ShapeDtypeStruct((_B, _S), jnp.float32),
        jax.ShapeDtypeStruct((_B, _S), jnp.int32),
    ],
)


def _sc_body(x_hbm, y_hbm, z_hbm, nx_hbm, ny_hbm, nz_hbm, ci_hbm, feat_hbm,
             out_hbm, xb, yb, zb, nsqb, nxb, nyb, nzb, cib, idxb,
             ig0a, ig0b, ig1a, ig1b, r0a, r0b, r1a, r1b, outblk, semg0,
             semg1):
    c = lax.axis_index("c")
    s = lax.axis_index("s")
    w = s * _NC + c
    b = w // 4
    lane4 = w % 4
    base = b * _N

    pltpu.sync_copy(x_hbm.at[b], xb)
    pltpu.sync_copy(y_hbm.at[b], yb)
    pltpu.sync_copy(z_hbm.at[b], zb)
    pltpu.sync_copy(nx_hbm.at[pl.ds(b * _S, _S)], nxb)
    pltpu.sync_copy(ny_hbm.at[pl.ds(b * _S, _S)], nyb)
    pltpu.sync_copy(nz_hbm.at[pl.ds(b * _S, _S)], nzb)
    pltpu.sync_copy(ci_hbm.at[pl.ds(b * _S, _S)], cib)

    lane = lax.broadcasted_iota(jnp.int32, (16,), 0)

    def bf16_round(v):
        u = plsc.bitcast(v, jnp.int32)
        u = u + (jnp.int32(0x7FFF) + ((u >> 16) & jnp.int32(1)))
        u = u & jnp.int32(-65536)
        return plsc.bitcast(u, jnp.float32)

    def prep_body(i, carry):
        off = i * 16
        xv = xb[pl.ds(off, 16)]
        yv = yb[pl.ds(off, 16)]
        zv = zb[pl.ds(off, 16)]
        nsqb[pl.ds(off, 16)] = (xv * xv + yv * yv) + zv * zv
        xb[pl.ds(off, 16)] = bf16_round(xv)
        yb[pl.ds(off, 16)] = bf16_round(yv)
        zb[pl.ds(off, 16)] = bf16_round(zv)
        return carry

    lax.fori_loop(0, _N // 16, prep_body, 0)

    def scan_row(j):
        js = jnp.full((16,), lane4 + 4 * j, jnp.int32)
        cx = plsc.load_gather(nxb, [js])
        cy = plsc.load_gather(nyb, [js])
        cz = plsc.load_gather(nzb, [js])
        pidx = plsc.load_gather(cib, [js]) + base
        ssq = (cx * cx + cy * cy) + cz * cz
        cxb = bf16_round(cx)
        cyb = bf16_round(cy)
        czb = bf16_round(cz)

        idxb[pl.ds(0, 16)] = pidx
        idxb[pl.ds(16, 16)] = pidx
        idxb[pl.ds(32, 16)] = pidx

        def cond(st):
            i, cnt_vec = st
            return jnp.logical_and(i < _N // 16, jnp.max(cnt_vec) < _K)

        def sbody(st):
            i, cnt_vec = st
            U = 4
            for rep in range(2):
                offs = [(i + rep * U + u) * 16 for u in range(U)]
                xs = [xb[pl.ds(o, 16)] for o in offs]
                ys = [yb[pl.ds(o, 16)] for o in offs]
                zs = [zb[pl.ds(o, 16)] for o in offs]
                ns = [nsqb[pl.ds(o, 16)] for o in offs]
                t1 = [xs[u] * cxb for u in range(U)]
                t2 = [ys[u] * cyb for u in range(U)]
                t3 = [zs[u] * czb for u in range(U)]
                inn = [(t1[u] + t2[u]) + t3[u] for u in range(U)]
                ds = [(jnp.float32(-2.0) * inn[u] + ssq) + ns[u]
                      for u in range(U)]
                ms = [ds[u] <= _R2 for u in range(U)]
                rks = [plsc.cumsum(ms[u].astype(jnp.int32)) for u in range(U)]
                pcs = [plsc.all_reduce_population_count(ms[u])
                       for u in range(U)]
                cbase = []
                for u in range(U):
                    cbase.append(cnt_vec)
                    cnt_vec = cnt_vec + pcs[u]
                for u in range(U):
                    pos = (cbase[u] - 1) + rks[u]
                    plsc.store_scatter(idxb, [pos], lane + (offs[u] + base),
                                       mask=ms[u])
            return (i + 2 * U, cnt_vec)

        lax.while_loop(cond, sbody, (jnp.int32(0), jnp.zeros((16,), jnp.int32)))

    def stage_idx(iga, igb):
        iga[...] = idxb[pl.ds(0, 16)]
        igb[...] = idxb[pl.ds(16, 16)]

    def gather(iga, igb, ra, rb, sem):
        pltpu.async_copy(feat_hbm.at[iga], ra, sem)
        pltpu.async_copy(feat_hbm.at[igb], rb, sem)

    def drain(ra, rb, sem):
        pltpu.make_async_copy(feat_hbm.at[pl.ds(0, _K // 2)], ra, sem).wait()
        pltpu.make_async_copy(feat_hbm.at[pl.ds(0, _K // 2)], rb, sem).wait()

    def maxrow(j, ra, rb):
        def mk(kk, accs):
            return tuple(
                jnp.maximum(jnp.maximum(accs[dc], ra[kk, pl.ds(dc * 16, 16)]),
                            rb[kk, pl.ds(dc * 16, 16)])
                for dc in range(_D // 16)
            )

        accs = lax.fori_loop(
            1, _K // 2, mk,
            tuple(jnp.maximum(ra[0, pl.ds(dc * 16, 16)],
                              rb[0, pl.ds(dc * 16, 16)])
                  for dc in range(_D // 16)),
        )
        for dc in range(_D // 16):
            outblk[j, pl.ds(dc * 16, 16)] = accs[dc]

    scan_row(jnp.int32(0))
    stage_idx(ig0a, ig0b)
    gather(ig0a, ig0b, r0a, r0b, semg0)

    def pipe_body(g, carry):
        j0 = 2 * g
        j1 = j0 + 1
        scan_row(j1)
        stage_idx(ig1a, ig1b)
        gather(ig1a, ig1b, r1a, r1b, semg1)
        drain(r0a, r0b, semg0)
        maxrow(j0, r0a, r0b)

        @pl.when(j1 + 1 < _RPW)
        def _():
            scan_row(j1 + 1)
            stage_idx(ig0a, ig0b)
            gather(ig0a, ig0b, r0a, r0b, semg0)

        drain(r1a, r1b, semg1)
        maxrow(j1, r1a, r1b)
        return carry

    lax.fori_loop(0, _RPW // 2, pipe_body, 0)
    pltpu.sync_copy(outblk, out_hbm.at[pl.ds(w * _RPW, _RPW)])


@functools.lru_cache(maxsize=None)
def _get_sc_pool():
  return pl.kernel(
    _sc_body,
    out_type=jax.ShapeDtypeStruct((_B * _S, _D), jnp.float32),
    mesh=plsc.VectorSubcoreMesh(core_axis_name="c", subcore_axis_name="s",
                                num_cores=_NC, num_subcores=_NS),
    scratch_types=[
        pltpu.VMEM((_N,), jnp.float32),
        pltpu.VMEM((_N,), jnp.float32),
        pltpu.VMEM((_N,), jnp.float32),
        pltpu.VMEM((_N,), jnp.float32),
        pltpu.VMEM((_S,), jnp.float32),
        pltpu.VMEM((_S,), jnp.float32),
        pltpu.VMEM((_S,), jnp.float32),
        pltpu.VMEM((_S,), jnp.int32),
        pltpu.VMEM((_IDXCAP,), jnp.int32),
        pltpu.VMEM((16,), jnp.int32),
        pltpu.VMEM((16,), jnp.int32),
        pltpu.VMEM((16,), jnp.int32),
        pltpu.VMEM((16,), jnp.int32),
        pltpu.VMEM((_K // 2, _D), jnp.float32),
        pltpu.VMEM((_K // 2, _D), jnp.float32),
        pltpu.VMEM((_K // 2, _D), jnp.float32),
        pltpu.VMEM((_K // 2, _D), jnp.float32),
        pltpu.VMEM((_RPW, _D), jnp.float32),
        pltpu.SemaphoreType.DMA,
        pltpu.SemaphoreType.DMA,
    ],
    compiler_params=pltpu.CompilerParams(needs_layout_passes=False),
  )


@jax.jit
def kernel(xyz, features):
    xyz3 = jnp.transpose(xyz, (2, 0, 1))
    x = xyz3[0]
    y = xyz3[1]
    z = xyz3[2]
    nx, ny, nz, ci = _fps_call(xyz3.reshape(3 * _B, _N))
    new_xyz = jnp.stack([nx, ny, nz], axis=-1)
    feat_t = jnp.transpose(features, (0, 2, 1)).reshape(_B * _N, _D)
    out = _get_sc_pool()(x, y, z, nx.reshape(-1), ny.reshape(-1), nz.reshape(-1),
                         ci.reshape(-1), feat_t)
    out = out.reshape(_B, 4, _RPW, _D).transpose(0, 2, 1, 3).reshape(_B, _S, _D)
    sub_features = jnp.transpose(out, (0, 2, 1))
    return (new_xyz, sub_features)

# --- scband reference (transcript-rebuilt; emitter-appended) ---
"""Pipeline reference for scband-masked-max-pool-51780125721460 (READ-ONLY COPY).

The authoritative reference and input builder live on the scoring server;
editing this copy changes nothing except your own understanding.
"""

import jax, jax.numpy as jnp
import numpy as np

NPOINT = 512
RADIUS = 0.2
K = 32


def square_distance(src, dst):
    # src: [B, S, 3], dst: [B, N, 3] -> [B, S, N]
    d = -2.0 * jnp.einsum('bsc,bnc->bsn', src, dst)
    d = d + jnp.sum(src ** 2, axis=-1)[:, :, None]
    d = d + jnp.sum(dst ** 2, axis=-1)[:, None, :]
    return d


def index_points(points, idx):
    # points: [B, N, C], idx: [B, ...] -> [B, ..., C]
    return jax.vmap(lambda p, i: p[i])(points, idx)


def farthest_point_sample(xyz, npoint):
    # start_with_first_point=True -> initial farthest index is 0
    B, N, _ = xyz.shape

    def body(i, state):
        centroids, distance, farthest = state
        centroids = centroids.at[:, i].set(farthest)
        centroid = jnp.take_along_axis(xyz, farthest[:, None, None], axis=1)  # [B,1,3]
        dist = jnp.sum((xyz - centroid) ** 2, axis=-1)
        distance = jnp.minimum(distance, dist)
        farthest = jnp.argmax(distance, axis=-1).astype(jnp.int32)
        return (centroids, distance, farthest)

    centroids = jnp.zeros((B, npoint), dtype=jnp.int32)
    distance = jnp.full((B, N), 1e10, dtype=xyz.dtype)
    farthest = jnp.zeros((B,), dtype=jnp.int32)
    centroids, _, _ = jax.lax.fori_loop(0, npoint, body, (centroids, distance, farthest))
    return centroids


def query_ball_point(radius, nsample, xyz, new_xyz):
    B, N, _ = xyz.shape
    S = new_xyz.shape[1]
    sqrdists = square_distance(new_xyz, xyz)  # [B,S,N]
    group_idx = jnp.broadcast_to(jnp.arange(N, dtype=jnp.int32), (B, S, N))
    group_idx = jnp.where(sqrdists > radius ** 2, N, group_idx)
    group_idx = jnp.sort(group_idx, axis=-1)[:, :, :nsample]
    group_first = group_idx[:, :, 0:1]
    group_idx = jnp.where(group_idx == N, group_first, group_idx)
    return group_idx


def setup_inputs(seed: int = 0) -> dict:
    key = jax.random.key(seed)
    k1, k2 = jax.random.split(key)
    xyz = jax.random.uniform(k1, (8, 4096, 3), dtype=jnp.float32)
    features = jax.random.normal(k2, (8, 256, 4096), dtype=jnp.float32)
    return {"xyz": xyz, "features": features}


def reference(xyz, features):
    # sample_and_group(npoint, radius, k, xyz, features.transpose(1,2))
    fps_idx = farthest_point_sample(xyz, NPOINT)              # [B, S]
    new_xyz = index_points(xyz, fps_idx)                      # [B, S, 3]
    idx = query_ball_point(RADIUS, K, xyz, new_xyz)           # [B, S, K]
    points = jnp.transpose(features, (0, 2, 1))               # [B, N, D]
    new_points = index_points(points, idx)                    # [B, S, K, D]
    # permute(0,3,1,2) -> [B, D, S, K]; max_pool2d over last dim -> max over K
    sub_features = jnp.transpose(jnp.max(new_points, axis=2), (0, 2, 1))  # [B, D, S]
    return (new_xyz, sub_features)

if __name__ == "__main__":
    import jax
    _d = setup_inputs()
    print(jax.jit(kernel)(*tuple(_d.values())))

</pallas_src>

<mosaic_0001>
#map = affine_map<(d0, d1) -> (0, 0)>
#map1 = affine_map<(d0, d1) -> (0)>
module attributes {stable_mosaic.version = 14 : i64} {
  func.func @_sc_body(%arg0: i32, %arg1: i32, %arg2: memref<8x4096xf32, #tpu.memory_space<hbm>>, %arg3: memref<8x4096xf32, #tpu.memory_space<hbm>>, %arg4: memref<8x4096xf32, #tpu.memory_space<hbm>>, %arg5: memref<4096xf32, #tpu.memory_space<hbm>>, %arg6: memref<4096xf32, #tpu.memory_space<hbm>>, %arg7: memref<4096xf32, #tpu.memory_space<hbm>>, %arg8: memref<4096xi32, #tpu.memory_space<hbm>>, %arg9: memref<32768x256xf32, #tpu.memory_space<hbm>>, %arg10: memref<4096x256xf32, #tpu.memory_space<hbm>>, %arg11: memref<4096xf32, #tpu.memory_space<vmem>>, %arg12: memref<4096xf32, #tpu.memory_space<vmem>>, %arg13: memref<4096xf32, #tpu.memory_space<vmem>>, %arg14: memref<4096xf32, #tpu.memory_space<vmem>>, %arg15: memref<512xf32, #tpu.memory_space<vmem>>, %arg16: memref<512xf32, #tpu.memory_space<vmem>>, %arg17: memref<512xf32, #tpu.memory_space<vmem>>, %arg18: memref<512xi32, #tpu.memory_space<vmem>>, %arg19: memref<160xi32, #tpu.memory_space<vmem>>, %arg20: memref<16xi32, #tpu.memory_space<vmem>>, %arg21: memref<16xi32, #tpu.memory_space<vmem>>, %arg22: memref<16xi32, #tpu.memory_space<vmem>>, %arg23: memref<16xi32, #tpu.memory_space<vmem>>, %arg24: memref<16x256xf32, #tpu.memory_space<vmem>>, %arg25: memref<16x256xf32, #tpu.memory_space<vmem>>, %arg26: memref<16x256xf32, #tpu.memory_space<vmem>>, %arg27: memref<16x256xf32, #tpu.memory_space<vmem>>, %arg28: memref<128x256xf32, #tpu.memory_space<vmem>>, %arg29: memref<!tpu.dma_semaphore, #tpu.memory_space<semaphore_mem>>, %arg30: memref<!tpu.dma_semaphore, #tpu.memory_space<semaphore_mem>>) attributes {dimension_semantics = [#tpu.dimension_semantics<core_parallel>, #tpu.dimension_semantics<subcore_parallel>], iteration_bounds = array<i64: 2, 16>, scalar_prefetch = 0 : i64, scratch_operands = 20 : i64, tpu.core_type = #tpu.core_type<sc_vector_subcore>, window_params = [{transform_indices = #map}, {transform_indices = #map}, {transform_indices = #map}, {transform_indices = #map1}, {transform_indices = #map1}, {transform_indices = #map1}, {transform_indices = #map1}, {transform_indices = #map}, {transform_indices = #map}]} {
    %mul3A = arith.constant 2 : i32
    %mul3A_0 = arith.muli %arg1, %mul3A : i32
    %add3A = arith.addi %mul3A_0, %arg0 : i32
    %jit3A = arith.constant 4 : i32
    %div3A = arith.divsi %add3A, %jit3A : i32
    %sign3A = arith.constant 0 : i32
    %sign3A_1 = arith.cmpi sgt, %add3A, %sign3A : i32
    %sign3A_2 = arith.extui %sign3A_1 : i1 to i32
    %sign3A_3 = arith.constant 0 : i32
    %sign3A_4 = arith.cmpi slt, %add3A, %sign3A_3 : i32
    %sign3A_5 = arith.extui %sign3A_4 : i1 to i32
    %sign3A_6 = arith.subi %sign3A_2, %sign3A_5 : i32
    %sign3A_7 = arith.constant 0 : i32
    %sign3A_8 = arith.cmpi sgt, %jit3A, %sign3A_7 : i32
    %sign3A_9 = arith.extui %sign3A_8 : i1 to i32
    %sign3A_10 = arith.constant 0 : i32
    %sign3A_11 = arith.cmpi slt, %jit3A, %sign3A_10 : i32
    %sign3A_12 = arith.extui %sign3A_11 : i1 to i32
    %sign3A_13 = arith.subi %sign3A_9, %sign3A_12 : i32
    %ne3A = arith.cmpi ne, %sign3A_6, %sign3A_13 : i32
    %rem3A = arith.remsi %add3A, %jit3A : i32
    %ne3A_14 = arith.constant 0 : i32
    %ne3A_15 = arith.cmpi ne, %rem3A, %ne3A_14 : i32
    %and3A = arith.andi %ne3A, %ne3A_15 : i1
    %sub3A = arith.constant 1 : i32
    %sub3A_16 = arith.subi %div3A, %sub3A : i32
    %select_n3A = arith.select %and3A, %sub3A_16, %div3A : i32
    %jit3A_17 = arith.constant 4 : i32
    %eq3A = arith.constant 0 : i32
    %eq3A_18 = arith.cmpi eq, %jit3A_17, %eq3A : i32
    %jit3A_19 = arith.constant 1 : i32
    %select_n3A_20 = arith.select %eq3A_18, %jit3A_19, %jit3A_17 : i32
    %rem3A_21 = arith.remsi %add3A, %select_n3A_20 : i32
    %ne3A_22 = arith.constant 0 : i32
    %ne3A_23 = arith.cmpi ne, %rem3A_21, %ne3A_22 : i32
    %lt3A = arith.constant 0 : i32
    %lt3A_24 = arith.cmpi slt, %rem3A_21, %lt3A : i32
    %lt3A_25 = arith.constant 0 : i32
    %lt3A_26 = arith.cmpi slt, %select_n3A_20, %lt3A_25 : i32
    %ne3A_27 = arith.xori %lt3A_24, %lt3A_26 : i1
    %and3A_28 = arith.andi %ne3A_27, %ne3A_23 : i1
    %add3A_29 = arith.addi %rem3A_21, %select_n3A_20 : i32
    %select_n3A_30 = arith.select %and3A_28, %add3A_29, %rem3A_21 : i32
    %mul3A_31 = arith.constant 4096 : i32
    %mul3A_32 = arith.muli %select_n3A, %mul3A_31 : i32
    "tpu.region"() ({
      %run_scoped3A = tpu.sem_alloc : memref<!tpu.dma_semaphore, #tpu.memory_space<semaphore_mem>>
      %dma_start3A_131 = arith.constant 0 : i32
      %dma_start3A_132 = tpu.memref_slice %arg2[%select_n3A, %dma_start3A_131] : memref<8x4096xf32, #tpu.memory_space<hbm>> -> memref<1x4096xf32, #tpu.memory_space<hbm>>
      %dma_start3A_133 = tpu.memref_squeeze %dma_start3A_132 : memref<1x4096xf32, #tpu.memory_space<hbm>> -> memref<4096xf32, #tpu.memory_space<hbm>>
      %dma_start3A_134 = arith.constant 0 : i32
      %dma_start3A_135 = tpu.memref_slice %arg2[%select_n3A, %dma_start3A_134] : memref<8x4096xf32, #tpu.memory_space<hbm>> -> memref<1x4096xf32, #tpu.memory_space<hbm>>
      %dma_start3A_136 = tpu.memref_squeeze %dma_start3A_135 : memref<1x4096xf32, #tpu.memory_space<hbm>> -> memref<4096xf32, #tpu.memory_space<hbm>>
      tpu.enqueue_dma source(%dma_start3A_136 : memref<4096xf32, #tpu.memory_space<hbm>>) target(%arg11 : memref<4096xf32, #tpu.memory_space<vmem>>) target_semaphore(%run_scoped3A : memref<!tpu.dma_semaphore, #tpu.memory_space<semaphore_mem>>)
      %dma_wait3A = arith.constant 0 : i32
      %dma_wait3A_137 = tpu.memref_slice %arg2[%select_n3A, %dma_wait3A] : memref<8x4096xf32, #tpu.memory_space<hbm>> -> memref<1x4096xf32, #tpu.memory_space<hbm>>
      %dma_wait3A_138 = tpu.memref_squeeze %dma_wait3A_137 : memref<1x4096xf32, #tpu.memory_space<hbm>> -> memref<4096xf32, #tpu.memory_space<hbm>>
      %dma_wait3A_139 = arith.constant 0 : i32
      %dma_wait3A_140 = tpu.memref_slice %arg2[%select_n3A, %dma_wait3A_139] : memref<8x4096xf32, #tpu.memory_space<hbm>> -> memref<1x4096xf32, #tpu.memory_space<hbm>>
      %dma_wait3A_141 = tpu.memref_squeeze %dma_wait3A_140 : memref<1x4096xf32, #tpu.memory_space<hbm>> -> memref<4096xf32, #tpu.memory_space<hbm>>
      tpu.wait_dma2 semaphore(%run_scoped3A : memref<!tpu.dma_semaphore, #tpu.memory_space<semaphore_mem>>) src(%dma_wait3A_141 : memref<4096xf32, #tpu.memory_space<hbm>>) dst(%arg11 : memref<4096xf32, #tpu.memory_space<vmem>>)
      tpu.yield
    }) : () -> ()
    "tpu.region"() ({
      %run_scoped3A = tpu.sem_alloc : memref<!tpu.dma_semaphore, #tpu.memory_space<semaphore_mem>>
      %dma_start3A_131 = arith.constant 0 : i32
      %dma_start3A_132 = tpu.memref_slice %arg3[%select_n3A, %dma_start3A_131] : memref<8x4096xf32, #tpu.memory_space<hbm>> -> memref<1x4096xf32, #tpu.memory_space<hbm>>
      %dma_start3A_133 = tpu.memref_squeeze %dma_start3A_132 : memref<1x4096xf32, #tpu.memory_space<hbm>> -> memref<4096xf32, #tpu.memory_space<hbm>>
      %dma_start3A_134 = arith.constant 0 : i32
      %dma_start3A_135 = tpu.memref_slice %arg3[%select_n3A, %dma_start3A_134] : memref<8x4096xf32, #tpu.memory_space<hbm>> -> memref<1x4096xf32, #tpu.memory_space<hbm>>
      %dma_start3A_136 = tpu.memref_squeeze %dma_start3A_135 : memref<1x4096xf32, #tpu.memory_space<hbm>> -> memref<4096xf32, #tpu.memory_space<hbm>>
      tpu.enqueue_dma source(%dma_start3A_136 : memref<4096xf32, #tpu.memory_space<hbm>>) target(%arg12 : memref<4096xf32, #tpu.memory_space<vmem>>) target_semaphore(%run_scoped3A : memref<!tpu.dma_semaphore, #tpu.memory_space<semaphore_mem>>)
      %dma_wait3A = arith.constant 0 : i32
      %dma_wait3A_137 = tpu.memref_slice %arg3[%select_n3A, %dma_wait3A] : memref<8x4096xf32, #tpu.memory_space<hbm>> -> memref<1x4096xf32, #tpu.memory_space<hbm>>
      %dma_wait3A_138 = tpu.memref_squeeze %dma_wait3A_137 : memref<1x4096xf32, #tpu.memory_space<hbm>> -> memref<4096xf32, #tpu.memory_space<hbm>>
      %dma_wait3A_139 = arith.constant 0 : i32
      %dma_wait3A_140 = tpu.memref_slice %arg3[%select_n3A, %dma_wait3A_139] : memref<8x4096xf32, #tpu.memory_space<hbm>> -> memref<1x4096xf32, #tpu.memory_space<hbm>>
      %dma_wait3A_141 = tpu.memref_squeeze %dma_wait3A_140 : memref<1x4096xf32, #tpu.memory_space<hbm>> -> memref<4096xf32, #tpu.memory_space<hbm>>
      tpu.wait_dma2 semaphore(%run_scoped3A : memref<!tpu.dma_semaphore, #tpu.memory_space<semaphore_mem>>) src(%dma_wait3A_141 : memref<4096xf32, #tpu.memory_space<hbm>>) dst(%arg12 : memref<4096xf32, #tpu.memory_space<vmem>>)
      tpu.yield
    }) : () -> ()
    "tpu.region"() ({
      %run_scoped3A = tpu.sem_alloc : memref<!tpu.dma_semaphore, #tpu.memory_space<semaphore_mem>>
      %dma_start3A_131 = arith.constant 0 : i32
      %dma_start3A_132 = tpu.memref_slice %arg4[%select_n3A, %dma_start3A_131] : memref<8x4096xf32, #tpu.memory_space<hbm>> -> memref<1x4096xf32, #tpu.memory_space<hbm>>
      %dma_start3A_133 = tpu.memref_squeeze %dma_start3A_132 : memref<1x4096xf32, #tpu.memory_space<hbm>> -> memref<4096xf32, #tpu.memory_space<hbm>>
      %dma_start3A_134 = arith.constant 0 : i32
      %dma_start3A_135 = tpu.memref_slice %arg4[%select_n3A, %dma_start3A_134] : memref<8x4096xf32, #tpu.memory_space<hbm>> -> memref<1x4096xf32, #tpu.memory_space<hbm>>
      %dma_start3A_136 = tpu.memref_squeeze %dma_start3A_135 : memref<1x4096xf32, #tpu.memory_space<hbm>> -> memref<4096xf32, #tpu.memory_space<hbm>>
      tpu.enqueue_dma source(%dma_start3A_136 : memref<4096xf32, #tpu.memory_space<hbm>>) target(%arg13 : memref<4096xf32, #tpu.memory_space<vmem>>) target_semaphore(%run_scoped3A : memref<!tpu.dma_semaphore, #tpu.memory_space<semaphore_mem>>)
      %dma_wait3A = arith.constant 0 : i32
      %dma_wait3A_137 = tpu.memref_slice %arg4[%select_n3A, %dma_wait3A] : memref<8x4096xf32, #tpu.memory_space<hbm>> -> memref<1x4096xf32, #tpu.memory_space<hbm>>
      %dma_wait3A_138 = tpu.memref_squeeze %dma_wait3A_137 : memref<1x4096xf32, #tpu.memory_space<hbm>> -> memref<4096xf32, #tpu.memory_space<hbm>>
      %dma_wait3A_139 = arith.constant 0 : i32
      %dma_wait3A_140 = tpu.memref_slice %arg4[%select_n3A, %dma_wait3A_139] : memref<8x4096xf32, #tpu.memory_space<hbm>> -> memref<1x4096xf32, #tpu.memory_space<hbm>>
      %dma_wait3A_141 = tpu.memref_squeeze %dma_wait3A_140 : memref<1x4096xf32, #tpu.memory_space<hbm>> -> memref<4096xf32, #tpu.memory_space<hbm>>
      tpu.wait_dma2 semaphore(%run_scoped3A : memref<!tpu.dma_semaphore, #tpu.memory_space<semaphore_mem>>) src(%dma_wait3A_141 : memref<4096xf32, #tpu.memory_space<hbm>>) dst(%arg13 : memref<4096xf32, #tpu.memory_space<vmem>>)
      tpu.yield
    }) : () -> ()
    %mul3A_33 = arith.constant 512 : i32
    %mul3A_34 = arith.muli %select_n3A, %mul3A_33 : i32
    "tpu.region"() ({
      %run_scoped3A = tpu.sem_alloc : memref<!tpu.dma_semaphore, #tpu.memory_space<semaphore_mem>>
      %dma_start3A_131 = tpu.memref_slice %arg5[%mul3A_34] : memref<4096xf32, #tpu.memory_space<hbm>> -> memref<512xf32, #tpu.memory_space<hbm>>
      %dma_start3A_132 = tpu.memref_slice %arg5[%mul3A_34] : memref<4096xf32, #tpu.memory_space<hbm>> -> memref<512xf32, #tpu.memory_space<hbm>>
      tpu.enqueue_dma source(%dma_start3A_132 : memref<512xf32, #tpu.memory_space<hbm>>) target(%arg15 : memref<512xf32, #tpu.memory_space<vmem>>) target_semaphore(%run_scoped3A : memref<!tpu.dma_semaphore, #tpu.memory_space<semaphore_mem>>)
      %dma_wait3A = tpu.memref_slice %arg5[%mul3A_34] : memref<4096xf32, #tpu.memory_space<hbm>> -> memref<512xf32, #tpu.memory_space<hbm>>
      %dma_wait3A_133 = tpu.memref_slice %arg5[%mul3A_34] : memref<4096xf32, #tpu.memory_space<hbm>> -> memref<512xf32, #tpu.memory_space<hbm>>
      tpu.wait_dma2 semaphore(%run_scoped3A : memref<!tpu.dma_semaphore, #tpu.memory_space<semaphore_mem>>) src(%dma_wait3A_133 : memref<512xf32, #tpu.memory_space<hbm>>) dst(%arg15 : memref<512xf32, #tpu.memory_space<vmem>>)
      tpu.yield
    }) : () -> ()
    %mul3A_35 = arith.constant 512 : i32
    %mul3A_36 = arith.muli %select_n3A, %mul3A_35 : i32
    "tpu.region"() ({
      %run_scoped3A = tpu.sem_alloc : memref<!tpu.dma_semaphore, #tpu.memory_space<semaphore_mem>>
      %dma_start3A_131 = tpu.memref_slice %arg6[%mul3A_36] : memref<4096xf32, #tpu.memory_space<hbm>> -> memref<512xf32, #tpu.memory_space<hbm>>
      %dma_start3A_132 = tpu.memref_slice %arg6[%mul3A_36] : memref<4096xf32, #tpu.memory_space<hbm>> -> memref<512xf32, #tpu.memory_space<hbm>>
      tpu.enqueue_dma source(%dma_start3A_132 : memref<512xf32, #tpu.memory_space<hbm>>) target(%arg16 : memref<512xf32, #tpu.memory_space<vmem>>) target_semaphore(%run_scoped3A : memref<!tpu.dma_semaphore, #tpu.memory_space<semaphore_mem>>)
      %dma_wait3A = tpu.memref_slice %arg6[%mul3A_36] : memref<4096xf32, #tpu.memory_space<hbm>> -> memref<512xf32, #tpu.memory_space<hbm>>
      %dma_wait3A_133 = tpu.memref_slice %arg6[%mul3A_36] : memref<4096xf32, #tpu.memory_space<hbm>> -> memref<512xf32, #tpu.memory_space<hbm>>
      tpu.wait_dma2 semaphore(%run_scoped3A : memref<!tpu.dma_semaphore, #tpu.memory_space<semaphore_mem>>) src(%dma_wait3A_133 : memref<512xf32, #tpu.memory_space<hbm>>) dst(%arg16 : memref<512xf32, #tpu.memory_space<vmem>>)
      tpu.yield
    }) : () -> ()
    %mul3A_37 = arith.constant 512 : i32
    %mul3A_38 = arith.muli %select_n3A, %mul3A_37 : i32
    "tpu.region"() ({
      %run_scoped3A = tpu.sem_alloc : memref<!tpu.dma_semaphore, #tpu.memory_space<semaphore_mem>>
      %dma_start3A_131 = tpu.memref_slice %arg7[%mul3A_38] : memref<4096xf32, #tpu.memory_space<hbm>> -> memref<512xf32, #tpu.memory_space<hbm>>
      %dma_start3A_132 = tpu.memref_slice %arg7[%mul3A_38] : memref<4096xf32, #tpu.memory_space<hbm>> -> memref<512xf32, #tpu.memory_space<hbm>>
      tpu.enqueue_dma source(%dma_start3A_132 : memref<512xf32, #tpu.memory_space<hbm>>) target(%arg17 : memref<512xf32, #tpu.memory_space<vmem>>) target_semaphore(%run_scoped3A : memref<!tpu.dma_semaphore, #tpu.memory_space<semaphore_mem>>)
      %dma_wait3A = tpu.memref_slice %arg7[%mul3A_38] : memref<4096xf32, #tpu.memory_space<hbm>> -> memref<512xf32, #tpu.memory_space<hbm>>
      %dma_wait3A_133 = tpu.memref_slice %arg7[%mul3A_38] : memref<4096xf32, #tpu.memory_space<hbm>> -> memref<512xf32, #tpu.memory_space<hbm>>
      tpu.wait_dma2 semaphore(%run_scoped3A : memref<!tpu.dma_semaphore, #tpu.memory_space<semaphore_mem>>) src(%dma_wait3A_133 : memref<512xf32, #tpu.memory_space<hbm>>) dst(%arg17 : memref<512xf32, #tpu.memory_space<vmem>>)
      tpu.yield
    }) : () -> ()
    %mul3A_39 = arith.constant 512 : i32
    %mul3A_40 = arith.muli %select_n3A, %mul3A_39 : i32
    "tpu.region"() ({
      %run_scoped3A = tpu.sem_alloc : memref<!tpu.dma_semaphore, #tpu.memory_space<semaphore_mem>>
      %dma_start3A_131 = tpu.memref_slice %arg8[%mul3A_40] : memref<4096xi32, #tpu.memory_space<hbm>> -> memref<512xi32, #tpu.memory_space<hbm>>
      %dma_start3A_132 = tpu.memref_slice %arg8[%mul3A_40] : memref<4096xi32, #tpu.memory_space<hbm>> -> memref<512xi32, #tpu.memory_space<hbm>>
      tpu.enqueue_dma source(%dma_start3A_132 : memref<512xi32, #tpu.memory_space<hbm>>) target(%arg18 : memref<512xi32, #tpu.memory_space<vmem>>) target_semaphore(%run_scoped3A : memref<!tpu.dma_semaphore, #tpu.memory_space<semaphore_mem>>)
      %dma_wait3A = tpu.memref_slice %arg8[%mul3A_40] : memref<4096xi32, #tpu.memory_space<hbm>> -> memref<512xi32, #tpu.memory_space<hbm>>
      %dma_wait3A_133 = tpu.memref_slice %arg8[%mul3A_40] : memref<4096xi32, #tpu.memory_space<hbm>> -> memref<512xi32, #tpu.memory_space<hbm>>
      tpu.wait_dma2 semaphore(%run_scoped3A : memref<!tpu.dma_semaphore, #tpu.memory_space<semaphore_mem>>) src(%dma_wait3A_133 : memref<512xi32, #tpu.memory_space<hbm>>) dst(%arg18 : memref<512xi32, #tpu.memory_space<vmem>>)
      tpu.yield
    }) : () -> ()
    %iota3A = tpu.iota {dimensions = array<i32: 0>} : vector<16xi32>
    %scan3A = arith.constant 0 : i32
    %scan3A_41 = arith.constant 0 : i32
    %scan3A_42 = arith.constant 256 : i32
    %scan3A_43 = arith.addi %scan3A_41, %scan3A_42 : i32
    %scan3A_44 = arith.constant 1 : i32
    scf.for %scan3A_131 = %scan3A_41 to %scan3A_43 step %scan3A_44  : i32 {
      %mul3A_132 = arith.constant 16 : i32
      %mul3A_133 = arith.muli %scan3A_131, %mul3A_132 : i32
      %get3A_134 = arith.index_cast %mul3A_133 : i32 to index
      %get3A_135 = tpu.vector_load %arg11[%get3A_134] {strides = array<i32>} : memref<4096xf32, #tpu.memory_space<vmem>>, vector<16xf32>,
      %get3A_136 = arith.index_cast %mul3A_133 : i32 to index
      %get3A_137 = tpu.vector_load %arg12[%get3A_136] {strides = array<i32>} : memref<4096xf32, #tpu.memory_space<vmem>>, vector<16xf32>,
      %get3A_138 = arith.index_cast %mul3A_133 : i32 to index
      %get3A_139 = tpu.vector_load %arg13[%get3A_138] {strides = array<i32>} : memref<4096xf32, #tpu.memory_space<vmem>>, vector<16xf32>,
      %mul3A_140 = arith.mulf %get3A_135, %get3A_135 : vector<16xf32>
      %mul3A_141 = arith.mulf %get3A_137, %get3A_137 : vector<16xf32>
      %add3A_142 = arith.addf %mul3A_140, %mul3A_141 : vector<16xf32>
      %mul3A_143 = arith.mulf %get3A_139, %get3A_139 : vector<16xf32>
      %add3A_144 = arith.addf %add3A_142, %mul3A_143 : vector<16xf32>
      %swap3A_145 = arith.index_cast %mul3A_133 : i32 to index
      %swap3A_146 = tpu.vector_load %arg14[%swap3A_145] {strides = array<i32>} : memref<4096xf32, #tpu.memory_space<vmem>>, vector<16xf32>,
      tpu.vector_store %arg14[%swap3A_145], %add3A_144 {strides = array<i32>} : memref<4096xf32, #tpu.memory_space<vmem>>, vector<16xf32>,
      %bitcast3A_147 = vector.bitcast %get3A_135 : vector<16xf32> to vector<16xi32>
      %shift_right_arithmetic3A_148 = arith.constant 16 : i32
      %shift_right_arithmetic3A_149 = vector.broadcast %shift_right_arithmetic3A_148 : i32 to vector<16xi32>
      %shift_right_arithmetic3A_150 = arith.shrsi %bitcast3A_147, %shift_right_arithmetic3A_149 : vector<16xi32>
      %and3A_151 = arith.constant 1 : i32
      %and3A_152 = vector.broadcast %and3A_151 : i32 to vector<16xi32>
      %and3A_153 = arith.andi %shift_right_arithmetic3A_150, %and3A_152 : vector<16xi32>
      %add3A_154 = arith.constant 32767 : i32
      %add3A_155 = vector.broadcast %add3A_154 : i32 to vector<16xi32>
      %add3A_156 = arith.addi %add3A_155, %and3A_153 : vector<16xi32>
      %add3A_157 = arith.addi %bitcast3A_147, %add3A_156 : vector<16xi32>
      %and3A_158 = arith.constant -65536 : i32
      %and3A_159 = vector.broadcast %and3A_158 : i32 to vector<16xi32>
      %and3A_160 = arith.andi %add3A_157, %and3A_159 : vector<16xi32>
      %bitcast3A_161 = vector.bitcast %and3A_160 : vector<16xi32> to vector<16xf32>
      %swap3A_162 = arith.index_cast %mul3A_133 : i32 to index
      %swap3A_163 = tpu.vector_load %arg11[%swap3A_162] {strides = array<i32>} : memref<4096xf32, #tpu.memory_space<vmem>>, vector<16xf32>,
      tpu.vector_store %arg11[%swap3A_162], %bitcast3A_161 {strides = array<i32>} : memref<4096xf32, #tpu.memory_space<vmem>>, vector<16xf32>,
      %bitcast3A_164 = vector.bitcast %get3A_137 : vector<16xf32> to vector<16xi32>
      %shift_right_arithmetic3A_165 = arith.constant 16 : i32
      %shift_right_arithmetic3A_166 = vector.broadcast %shift_right_arithmetic3A_165 : i32 to vector<16xi32>
      %shift_right_arithmetic3A_167 = arith.shrsi %bitcast3A_164, %shift_right_arithmetic3A_166 : vector<16xi32>
      %and3A_168 = arith.constant 1 : i32
      %and3A_169 = vector.broadcast %and3A_168 : i32 to vector<16xi32>
      %and3A_170 = arith.andi %shift_right_arithmetic3A_167, %and3A_169 : vector<16xi32>
      %add3A_171 = arith.constant 32767 : i32
      %add3A_172 = vector.broadcast %add3A_171 : i32 to vector<16xi32>
      %add3A_173 = arith.addi %add3A_172, %and3A_170 : vector<16xi32>
      %add3A_174 = arith.addi %bitcast3A_164, %add3A_173 : vector<16xi32>
      %and3A_175 = arith.constant -65536 : i32
      %and3A_176 = vector.broadcast %and3A_175 : i32 to vector<16xi32>
      %and3A_177 = arith.andi %add3A_174, %and3A_176 : vector<16xi32>
      %bitcast3A_178 = vector.bitcast %and3A_177 : vector<16xi32> to vector<16xf32>
      %swap3A_179 = arith.index_cast %mul3A_133 : i32 to index
      %swap3A_180 = tpu.vector_load %arg12[%swap3A_179] {strides = array<i32>} : memref<4096xf32, #tpu.memory_space<vmem>>, vector<16xf32>,
      tpu.vector_store %arg12[%swap3A_179], %bitcast3A_178 {strides = array<i32>} : memref<4096xf32, #tpu.memory_space<vmem>>, vector<16xf32>,
      %bitcast3A_181 = vector.bitcast %get3A_139 : vector<16xf32> to vector<16xi32>
      %shift_right_arithmetic3A_182 = arith.constant 16 : i32
      %shift_right_arithmetic3A_183 = vector.broadcast %shift_right_arithmetic3A_182 : i32 to vector<16xi32>
      %shift_right_arithmetic3A_184 = arith.shrsi %bitcast3A_181, %shift_right_arithmetic3A_183 : vector<16xi32>
      %and3A_185 = arith.constant 1 : i32
      %and3A_186 = vector.broadcast %and3A_185 : i32 to vector<16xi32>
      %and3A_187 = arith.andi %shift_right_arithmetic3A_184, %and3A_186 : vector<16xi32>
      %add3A_188 = arith.constant 32767 : i32
      %add3A_189 = vector.broadcast %add3A_188 : i32 to vector<16xi32>
      %add3A_190 = arith.addi %add3A_189, %and3A_187 : vector<16xi32>
      %add3A_191 = arith.addi %bitcast3A_181, %add3A_190 : vector<16xi32>
      %and3A_192 = arith.constant -65536 : i32
      %and3A_193 = vector.broadcast %and3A_192 : i32 to vector<16xi32>
      %and3A_194 = arith.andi %add3A_191, %and3A_193 : vector<16xi32>
      %bitcast3A_195 = vector.bitcast %and3A_194 : vector<16xi32> to vector<16xf32>
      %swap3A_196 = arith.index_cast %mul3A_133 : i32 to index
      %swap3A_197 = tpu.vector_load %arg13[%swap3A_196] {strides = array<i32>} : memref<4096xf32, #tpu.memory_space<vmem>>, vector<16xf32>,
      tpu.vector_store %arg13[%swap3A_196], %bitcast3A_195 {strides = array<i32>} : memref<4096xf32, #tpu.memory_space<vmem>>, vector<16xf32>,
    }
    %scan3A_45 = arith.constant 256 : i32
    %mul3A_46 = arith.constant 4 : i32
    %mul3A_47 = arith.constant 0 : i32
    %mul3A_48 = arith.muli %mul3A_46, %mul3A_47 : i32
    %add3A_49 = arith.addi %select_n3A_30, %mul3A_48 : i32
    %broadcast_in_dim3A = vector.broadcast %add3A_49 : i32 to vector<16xi32>
    %gather3A = tpu.vector_load_idx %arg15[%broadcast_in_dim3A] : memref<512xf32, #tpu.memory_space<vmem>>[vector<16xi32>], vector<16xf32>,
    %gather3A_50 = tpu.vector_load_idx %arg16[%broadcast_in_dim3A] : memref<512xf32, #tpu.memory_space<vmem>>[vector<16xi32>], vector<16xf32>,
    %gather3A_51 = tpu.vector_load_idx %arg17[%broadcast_in_dim3A] : memref<512xf32, #tpu.memory_space<vmem>>[vector<16xi32>], vector<16xf32>,
    %gather3A_52 = tpu.vector_load_idx %arg18[%broadcast_in_dim3A] : memref<512xi32, #tpu.memory_space<vmem>>[vector<16xi32>], vector<16xi32>,
    %add3A_53 = vector.broadcast %mul3A_32 : i32 to vector<16xi32>
    %add3A_54 = arith.addi %gather3A_52, %add3A_53 : vector<16xi32>
    %mul3A_55 = arith.mulf %gather3A, %gather3A : vector<16xf32>
    %mul3A_56 = arith.mulf %gather3A_50, %gather3A_50 : vector<16xf32>
    %add3A_57 = arith.addf %mul3A_55, %mul3A_56 : vector<16xf32>
    %mul3A_58 = arith.mulf %gather3A_51, %gather3A_51 : vector<16xf32>
    %add3A_59 = arith.addf %add3A_57, %mul3A_58 : vector<16xf32>
    %bitcast3A = vector.bitcast %gather3A : vector<16xf32> to vector<16xi32>
    %shift_right_arithmetic3A = arith.constant 16 : i32
    %shift_right_arithmetic3A_60 = vector.broadcast %shift_right_arithmetic3A : i32 to vector<16xi32>
    %shift_right_arithmetic3A_61 = arith.shrsi %bitcast3A, %shift_right_arithmetic3A_60 : vector<16xi32>
    %and3A_62 = arith.constant 1 : i32
    %and3A_63 = vector.broadcast %and3A_62 : i32 to vector<16xi32>
    %and3A_64 = arith.andi %shift_right_arithmetic3A_61, %and3A_63 : vector<16xi32>
    %add3A_65 = arith.constant 32767 : i32
    %add3A_66 = vector.broadcast %add3A_65 : i32 to vector<16xi32>
    %add3A_67 = arith.addi %add3A_66, %and3A_64 : vector<16xi32>
    %add3A_68 = arith.addi %bitcast3A, %add3A_67 : vector<16xi32>
    %and3A_69 = arith.constant -65536 : i32
    %and3A_70 = vector.broadcast %and3A_69 : i32 to vector<16xi32>
    %and3A_71 = arith.andi %add3A_68, %and3A_70 : vector<16xi32>
    %bitcast3A_72 = vector.bitcast %and3A_71 : vector<16xi32> to vector<16xf32>
    %bitcast3A_73 = vector.bitcast %gather3A_50 : vector<16xf32> to vector<16xi32>
    %shift_right_arithmetic3A_74 = arith.constant 16 : i32
    %shift_right_arithmetic3A_75 = vector.broadcast %shift_right_arithmetic3A_74 : i32 to vector<16xi32>
    %shift_right_arithmetic3A_76 = arith.shrsi %bitcast3A_73, %shift_right_arithmetic3A_75 : vector<16xi32>
    %and3A_77 = arith.constant 1 : i32
    %and3A_78 = vector.broadcast %and3A_77 : i32 to vector<16xi32>
    %and3A_79 = arith.andi %shift_right_arithmetic3A_76, %and3A_78 : vector<16xi32>
    %add3A_80 = arith.constant 32767 : i32
    %add3A_81 = vector.broadcast %add3A_80 : i32 to vector<16xi32>
    %add3A_82 = arith.addi %add3A_81, %and3A_79 : vector<16xi32>
    %add3A_83 = arith.addi %bitcast3A_73, %add3A_82 : vector<16xi32>
    %and3A_84 = arith.constant -65536 : i32
    %and3A_85 = vector.broadcast %and3A_84 : i32 to vector<16xi32>
    %and3A_86 = arith.andi %add3A_83, %and3A_85 : vector<16xi32>
    %bitcast3A_87 = vector.bitcast %and3A_86 : vector<16xi32> to vector<16xf32>
    %bitcast3A_88 = vector.bitcast %gather3A_51 : vector<16xf32> to vector<16xi32>
    %shift_right_arithmetic3A_89 = arith.constant 16 : i32
    %shift_right_arithmetic3A_90 = vector.broadcast %shift_right_arithmetic3A_89 : i32 to vector<16xi32>
    %shift_right_arithmetic3A_91 = arith.shrsi %bitcast3A_88, %shift_right_arithmetic3A_90 : vector<16xi32>
    %and3A_92 = arith.constant 1 : i32
    %and3A_93 = vector.broadcast %and3A_92 : i32 to vector<16xi32>
    %and3A_94 = arith.andi %shift_right_arithmetic3A_91, %and3A_93 : vector<16xi32>
    %add3A_95 = arith.constant 32767 : i32
    %add3A_96 = vector.broadcast %add3A_95 : i32 to vector<16xi32>
    %add3A_97 = arith.addi %add3A_96, %and3A_94 : vector<16xi32>
    %add3A_98 = arith.addi %bitcast3A_88, %add3A_97 : vector<16xi32>
    %and3A_99 = arith.constant -65536 : i32
    %and3A_100 = vector.broadcast %and3A_99 : i32 to vector<16xi32>
    %and3A_101 = arith.andi %add3A_98, %and3A_100 : vector<16xi32>
    %bitcast3A_102 = vector.bitcast %and3A_101 : vector<16xi32> to vector<16xf32>
    %swap3A = arith.constant 0 : index
    %swap3A_103 = tpu.vector_load %arg19[%swap3A] {strides = array<i32>} : memref<160xi32, #tpu.memory_space<vmem>>, vector<16xi32>,
    tpu.vector_store %arg19[%swap3A], %add3A_54 {strides = array<i32>} : memref<160xi32, #tpu.memory_space<vmem>>, vector<16xi32>,
    %swap3A_104 = arith.constant 16 : index
    %swap3A_105 = tpu.vector_load %arg19[%swap3A_104] {strides = array<i32>} : memref<160xi32, #tpu.memory_space<vmem>>, vector<16xi32>,
    tpu.vector_store %arg19[%swap3A_104], %add3A_54 {strides = array<i32>} : memref<160xi32, #tpu.memory_space<vmem>>, vector<16xi32>,
    %swap3A_106 = arith.constant 32 : index
    %swap3A_107 = tpu.vector_load %arg19[%swap3A_106] {strides = array<i32>} : memref<160xi32, #tpu.memory_space<vmem>>, vector<16xi32>,
    tpu.vector_store %arg19[%swap3A_106], %add3A_54 {strides = array<i32>} : memref<160xi32, #tpu.memory_space<vmem>>, vector<16xi32>,
    %broadcast_in_dim3A_108 = arith.constant 0 : i32
    %broadcast_in_dim3A_109 = vector.broadcast %broadcast_in_dim3A_108 : i32 to vector<16xi32>
    %while3A = arith.constant 0 : i32
    %while3A_110:2 = scf.while (%while3A_131 = %while3A, %while3A_132 = %broadcast_in_dim3A_109) : (i32, vector<16xi32>) -> (i32, vector<16xi32>) {
      %lt3A_133 = arith.constant 256 : i32
      %lt3A_134 = arith.cmpi slt, %while3A_131, %lt3A_133 : i32
      %reduce_max3A = arith.constant true
      %reduce_max3A_135 = vector.broadcast %reduce_max3A : i1 to vector<16xi1>
      %reduce_max3A_136 = arith.constant -2147483648 : i32
      %reduce_max3A_137 = vector.broadcast %reduce_max3A_136 : i32 to vector<16xi32>
      %reduce_max3A_138 = arith.xori %while3A_132, %reduce_max3A_137 : vector<16xi32>
      %reduce_max3A_139 = tpu.scan <max>, %reduce_max3A_138 masked %reduce_max3A_135 : vector<16xi32>, vector<16xi1> -> vector<16xi32>
      %reduce_max3A_140 = arith.xori %reduce_max3A_139, %reduce_max3A_137 : vector<16xi32>
      %reduce_max3A_141 = vector.extract %reduce_max3A_140[15] : i32 from vector<16xi32>
      %lt3A_142 = arith.constant 32 : i32
      %lt3A_143 = arith.cmpi slt, %reduce_max3A_141, %lt3A_142 : i32
      %and3A_144 = arith.andi %lt3A_134, %lt3A_143 : i1
      scf.condition(%and3A_144) %while3A_131, %while3A_132 : i32, vector<16xi32>
    } do {
    ^bb0(%while3A_131: i32, %while3A_132: vector<16xi32>):
      %add3A_133 = arith.constant 0 : i32
      %add3A_134 = arith.addi %while3A_131, %add3A_133 : i32
      %add3A_135 = arith.constant 0 : i32
      %add3A_136 = arith.addi %add3A_134, %add3A_135 : i32
      %mul3A_137 = arith.constant 16 : i32
      %mul3A_138 = arith.muli %add3A_136, %mul3A_137 : i32
      %add3A_139 = arith.constant 0 : i32
      %add3A_140 = arith.addi %while3A_131, %add3A_139 : i32
      %add3A_141 = arith.constant 1 : i32
      %add3A_142 = arith.addi %add3A_140, %add3A_141 : i32
      %mul3A_143 = arith.constant 16 : i32
      %mul3A_144 = arith.muli %add3A_142, %mul3A_143 : i32
      %add3A_145 = arith.constant 0 : i32
      %add3A_146 = arith.addi %while3A_131, %add3A_145 : i32
      %add3A_147 = arith.constant 2 : i32
      %add3A_148 = arith.addi %add3A_146, %add3A_147 : i32
      %mul3A_149 = arith.constant 16 : i32
      %mul3A_150 = arith.muli %add3A_148, %mul3A_149 : i32
      %add3A_151 = arith.constant 0 : i32
      %add3A_152 = arith.addi %while3A_131, %add3A_151 : i32
      %add3A_153 = arith.constant 3 : i32
      %add3A_154 = arith.addi %add3A_152, %add3A_153 : i32
      %mul3A_155 = arith.constant 16 : i32
      %mul3A_156 = arith.muli %add3A_154, %mul3A_155 : i32
      %get3A_157 = arith.index_cast %mul3A_138 : i32 to index
      %get3A_158 = tpu.vector_load %arg11[%get3A_157] {strides = array<i32>} : memref<4096xf32, #tpu.memory_space<vmem>>, vector<16xf32>,
      %get3A_159 = arith.index_cast %mul3A_144 : i32 to index
      %get3A_160 = tpu.vector_load %arg11[%get3A_159] {strides = array<i32>} : memref<4096xf32, #tpu.memory_space<vmem>>, vector<16xf32>,
      %get3A_161 = arith.index_cast %mul3A_150 : i32 to index
      %get3A_162 = tpu.vector_load %arg11[%get3A_161] {strides = array<i32>} : memref<4096xf32, #tpu.memory_space<vmem>>, vector<16xf32>,
      %get3A_163 = arith.index_cast %mul3A_156 : i32 to index
      %get3A_164 = tpu.vector_load %arg11[%get3A_163] {strides = array<i32>} : memref<4096xf32, #tpu.memory_space<vmem>>, vector<16xf32>,
      %get3A_165 = arith.index_cast %mul3A_138 : i32 to index
      %get3A_166 = tpu.vector_load %arg12[%get3A_165] {strides = array<i32>} : memref<4096xf32, #tpu.memory_space<vmem>>, vector<16xf32>,
      %get3A_167 = arith.index_cast %mul3A_144 : i32 to index
      %get3A_168 = tpu.vector_load %arg12[%get3A_167] {strides = array<i32>} : memref<4096xf32, #tpu.memory_space<vmem>>, vector<16xf32>,
      %get3A_169 = arith.index_cast %mul3A_150 : i32 to index
      %get3A_170 = tpu.vector_load %arg12[%get3A_169] {strides = array<i32>} : memref<4096xf32, #tpu.memory_space<vmem>>, vector<16xf32>,
      %get3A_171 = arith.index_cast %mul3A_156 : i32 to index
      %get3A_172 = tpu.vector_load %arg12[%get3A_171] {strides = array<i32>} : memref<4096xf32, #tpu.memory_space<vmem>>, vector<16xf32>,
      %get3A_173 = arith.index_cast %mul3A_138 : i32 to index
      %get3A_174 = tpu.vector_load %arg13[%get3A_173] {strides = array<i32>} : memref<4096xf32, #tpu.memory_space<vmem>>, vector<16xf32>,
      %get3A_175 = arith.index_cast %mul3A_144 : i32 to index
      %get3A_176 = tpu.vector_load %arg13[%get3A_175] {strides = array<i32>} : memref<4096xf32, #tpu.memory_space<vmem>>, vector<16xf32>,
      %get3A_177 = arith.index_cast %mul3A_150 : i32 to index
      %get3A_178 = tpu.vector_load %arg13[%get3A_177] {strides = array<i32>} : memref<4096xf32, #tpu.memory_space<vmem>>, vector<16xf32>,
      %get3A_179 = arith.index_cast %mul3A_156 : i32 to index
      %get3A_180 = tpu.vector_load %arg13[%get3A_179] {strides = array<i32>} : memref<4096xf32, #tpu.memory_space<vmem>>, vector<16xf32>,
      %get3A_181 = arith.index_cast %mul3A_138 : i32 to index
      %get3A_182 = tpu.vector_load %arg14[%get3A_181] {strides = array<i32>} : memref<4096xf32, #tpu.memory_space<vmem>>, vector<16xf32>,
      %get3A_183 = arith.index_cast %mul3A_144 : i32 to index
      %get3A_184 = tpu.vector_load %arg14[%get3A_183] {strides = array<i32>} : memref<4096xf32, #tpu.memory_space<vmem>>, vector<16xf32>,
      %get3A_185 = arith.index_cast %mul3A_150 : i32 to index
      %get3A_186 = tpu.vector_load %arg14[%get3A_185] {strides = array<i32>} : memref<4096xf32, #tpu.memory_space<vmem>>, vector<16xf32>,
      %get3A_187 = arith.index_cast %mul3A_156 : i32 to index
      %get3A_188 = tpu.vector_load %arg14[%get3A_187] {strides = array<i32>} : memref<4096xf32, #tpu.memory_space<vmem>>, vector<16xf32>,
      %mul3A_189 = arith.mulf %get3A_158, %bitcast3A_72 : vector<16xf32>
      %mul3A_190 = arith.mulf %get3A_160, %bitcast3A_72 : vector<16xf32>
      %mul3A_191 = arith.mulf %get3A_162, %bitcast3A_72 : vector<16xf32>
      %mul3A_192 = arith.mulf %get3A_164, %bitcast3A_72 : vector<16xf32>
      %mul3A_193 = arith.mulf %get3A_166, %bitcast3A_87 : vector<16xf32>
      %mul3A_194 = arith.mulf %get3A_168, %bitcast3A_87 : vector<16xf32>
      %mul3A_195 = arith.mulf %get3A_170, %bitcast3A_87 : vector<16xf32>
      %mul3A_196 = arith.mulf %get3A_172, %bitcast3A_87 : vector<16xf32>
      %mul3A_197 = arith.mulf %get3A_174, %bitcast3A_102 : vector<16xf32>
      %mul3A_198 = arith.mulf %get3A_176, %bitcast3A_102 : vector<16xf32>
      %mul3A_199 = arith.mulf %get3A_178, %bitcast3A_102 : vector<16xf32>
      %mul3A_200 = arith.mulf %get3A_180, %bitcast3A_102 : vector<16xf32>
      %add3A_201 = arith.addf %mul3A_189, %mul3A_193 : vector<16xf32>
      %add3A_202 = arith.addf %add3A_201, %mul3A_197 : vector<16xf32>
      %add3A_203 = arith.addf %mul3A_190, %mul3A_194 : vector<16xf32>
      %add3A_204 = arith.addf %add3A_203, %mul3A_198 : vector<16xf32>
      %add3A_205 = arith.addf %mul3A_191, %mul3A_195 : vector<16xf32>
      %add3A_206 = arith.addf %add3A_205, %mul3A_199 : vector<16xf32>
      %add3A_207 = arith.addf %mul3A_192, %mul3A_196 : vector<16xf32>
      %add3A_208 = arith.addf %add3A_207, %mul3A_200 : vector<16xf32>
      %mul3A_209 = arith.constant -2.000000e+00 : f32
      %mul3A_210 = vector.broadcast %mul3A_209 : f32 to vector<16xf32>
      %mul3A_211 = arith.mulf %mul3A_210, %add3A_202 : vector<16xf32>
      %add3A_212 = arith.addf %mul3A_211, %add3A_59 : vector<16xf32>
      %add3A_213 = arith.addf %add3A_212, %get3A_182 : vector<16xf32>
      %mul3A_214 = arith.constant -2.000000e+00 : f32
      %mul3A_215 = vector.broadcast %mul3A_214 : f32 to vector<16xf32>
      %mul3A_216 = arith.mulf %mul3A_215, %add3A_204 : vector<16xf32>
      %add3A_217 = arith.addf %mul3A_216, %add3A_59 : vector<16xf32>
      %add3A_218 = arith.addf %add3A_217, %get3A_184 : vector<16xf32>
      %mul3A_219 = arith.constant -2.000000e+00 : f32
      %mul3A_220 = vector.broadcast %mul3A_219 : f32 to vector<16xf32>
      %mul3A_221 = arith.mulf %mul3A_220, %add3A_206 : vector<16xf32>
      %add3A_222 = arith.addf %mul3A_221, %add3A_59 : vector<16xf32>
      %add3A_223 = arith.addf %add3A_222, %get3A_186 : vector<16xf32>
      %mul3A_224 = arith.constant -2.000000e+00 : f32
      %mul3A_225 = vector.broadcast %mul3A_224 : f32 to vector<16xf32>
      %mul3A_226 = arith.mulf %mul3A_225, %add3A_208 : vector<16xf32>
      %add3A_227 = arith.addf %mul3A_226, %add3A_59 : vector<16xf32>
      %add3A_228 = arith.addf %add3A_227, %get3A_188 : vector<16xf32>
      %le3A = arith.constant 4.000000e-02 : f32
      %le3A_229 = vector.broadcast %le3A : f32 to vector<16xf32>
      %le3A_230 = arith.cmpf ole, %add3A_213, %le3A_229 : vector<16xf32>
      %le3A_231 = arith.constant 4.000000e-02 : f32
      %le3A_232 = vector.broadcast %le3A_231 : f32 to vector<16xf32>
      %le3A_233 = arith.cmpf ole, %add3A_218, %le3A_232 : vector<16xf32>
      %le3A_234 = arith.constant 4.000000e-02 : f32
      %le3A_235 = vector.broadcast %le3A_234 : f32 to vector<16xf32>
      %le3A_236 = arith.cmpf ole, %add3A_223, %le3A_235 : vector<16xf32>
      %le3A_237 = arith.constant 4.000000e-02 : f32
      %le3A_238 = vector.broadcast %le3A_237 : f32 to vector<16xf32>
      %le3A_239 = arith.cmpf ole, %add3A_228, %le3A_238 : vector<16xf32>
      %convert_element_type3A = arith.extui %le3A_230 : vector<16xi1> to vector<16xi32>
      %broadcast_in_dim3A_240 = arith.constant true
      %broadcast_in_dim3A_241 = vector.broadcast %broadcast_in_dim3A_240 : i1 to vector<16xi1>
      %masked_cumsum3A = tpu.scan <sum>, %convert_element_type3A masked %broadcast_in_dim3A_241 : vector<16xi32>, vector<16xi1> -> vector<16xi32>
      %convert_element_type3A_242 = arith.extui %le3A_233 : vector<16xi1> to vector<16xi32>
      %broadcast_in_dim3A_243 = arith.constant true
      %broadcast_in_dim3A_244 = vector.broadcast %broadcast_in_dim3A_243 : i1 to vector<16xi1>
      %masked_cumsum3A_245 = tpu.scan <sum>, %convert_element_type3A_242 masked %broadcast_in_dim3A_244 : vector<16xi32>, vector<16xi1> -> vector<16xi32>
      %convert_element_type3A_246 = arith.extui %le3A_236 : vector<16xi1> to vector<16xi32>
      %broadcast_in_dim3A_247 = arith.constant true
      %broadcast_in_dim3A_248 = vector.broadcast %broadcast_in_dim3A_247 : i1 to vector<16xi1>
      %masked_cumsum3A_249 = tpu.scan <sum>, %convert_element_type3A_246 masked %broadcast_in_dim3A_248 : vector<16xi32>, vector<16xi1> -> vector<16xi32>
      %convert_element_type3A_250 = arith.extui %le3A_239 : vector<16xi1> to vector<16xi32>
      %broadcast_in_dim3A_251 = arith.constant true
      %broadcast_in_dim3A_252 = vector.broadcast %broadcast_in_dim3A_251 : i1 to vector<16xi1>
      %masked_cumsum3A_253 = tpu.scan <sum>, %convert_element_type3A_250 masked %broadcast_in_dim3A_252 : vector<16xi32>, vector<16xi1> -> vector<16xi32>
      %all_reduce_population_count3A = tpu.all_reduce %le3A_230 {dim = 0 : i64, kind = #tpu.reduction_kind<sum>} : vector<16xi1> -> vector<16xi32>
      %all_reduce_population_count3A_254 = tpu.all_reduce %le3A_233 {dim = 0 : i64, kind = #tpu.reduction_kind<sum>} : vector<16xi1> -> vector<16xi32>
      %all_reduce_population_count3A_255 = tpu.all_reduce %le3A_236 {dim = 0 : i64, kind = #tpu.reduction_kind<sum>} : vector<16xi1> -> vector<16xi32>
      %all_reduce_population_count3A_256 = tpu.all_reduce %le3A_239 {dim = 0 : i64, kind = #tpu.reduction_kind<sum>} : vector<16xi1> -> vector<16xi32>
      %add3A_257 = arith.addi %while3A_132, %all_reduce_population_count3A : vector<16xi32>
      %add3A_258 = arith.addi %add3A_257, %all_reduce_population_count3A_254 : vector<16xi32>
      %add3A_259 = arith.addi %add3A_258, %all_reduce_population_count3A_255 : vector<16xi32>
      %add3A_260 = arith.addi %add3A_259, %all_reduce_population_count3A_256 : vector<16xi32>
      %sub3A_261 = arith.constant 1 : i32
      %sub3A_262 = vector.broadcast %sub3A_261 : i32 to vector<16xi32>
      %sub3A_263 = arith.subi %while3A_132, %sub3A_262 : vector<16xi32>
      %add3A_264 = arith.addi %sub3A_263, %masked_cumsum3A : vector<16xi32>
      %add3A_265 = arith.addi %mul3A_138, %mul3A_32 : i32
      %add3A_266 = vector.broadcast %add3A_265 : i32 to vector<16xi32>
      %add3A_267 = arith.addi %iota3A, %add3A_266 : vector<16xi32>
      tpu.vector_store_idx %arg19[%add3A_264], %add3A_267 masked %le3A_230 : memref<160xi32, #tpu.memory_space<vmem>>[vector<16xi32>], vector<16xi32>, vector<16xi1>
      %sub3A_268 = arith.constant 1 : i32
      %sub3A_269 = vector.broadcast %sub3A_268 : i32 to vector<16xi32>
      %sub3A_270 = arith.subi %add3A_257, %sub3A_269 : vector<16xi32>
      %add3A_271 = arith.addi %sub3A_270, %masked_cumsum3A_245 : vector<16xi32>
      %add3A_272 = arith.addi %mul3A_144, %mul3A_32 : i32
      %add3A_273 = vector.broadcast %add3A_272 : i32 to vector<16xi32>
      %add3A_274 = arith.addi %iota3A, %add3A_273 : vector<16xi32>
      tpu.vector_store_idx %arg19[%add3A_271], %add3A_274 masked %le3A_233 : memref<160xi32, #tpu.memory_space<vmem>>[vector<16xi32>], vector<16xi32>, vector<16xi1>
      %sub3A_275 = arith.constant 1 : i32
      %sub3A_276 = vector.broadcast %sub3A_275 : i32 to vector<16xi32>
      %sub3A_277 = arith.subi %add3A_258, %sub3A_276 : vector<16xi32>
      %add3A_278 = arith.addi %sub3A_277, %masked_cumsum3A_249 : vector<16xi32>
      %add3A_279 = arith.addi %mul3A_150, %mul3A_32 : i32
      %add3A_280 = vector.broadcast %add3A_279 : i32 to vector<16xi32>
      %add3A_281 = arith.addi %iota3A, %add3A_280 : vector<16xi32>
      tpu.vector_store_idx %arg19[%add3A_278], %add3A_281 masked %le3A_236 : memref<160xi32, #tpu.memory_space<vmem>>[vector<16xi32>], vector<16xi32>, vector<16xi1>
      %sub3A_282 = arith.constant 1 : i32
      %sub3A_283 = vector.broadcast %sub3A_282 : i32 to vector<16xi32>
      %sub3A_284 = arith.subi %add3A_259, %sub3A_283 : vector<16xi32>
      %add3A_285 = arith.addi %sub3A_284, %masked_cumsum3A_253 : vector<16xi32>
      %add3A_286 = arith.addi %mul3A_156, %mul3A_32 : i32
      %add3A_287 = vector.broadcast %add3A_286 : i32 to vector<16xi32>
      %add3A_288 = arith.addi %iota3A, %add3A_287 : vector<16xi32>
      tpu.vector_store_idx %arg19[%add3A_285], %add3A_288 masked %le3A_239 : memref<160xi32, #tpu.memory_space<vmem>>[vector<16xi32>], vector<16xi32>, vector<16xi1>
      %add3A_289 = arith.constant 4 : i32
      %add3A_290 = arith.addi %while3A_131, %add3A_289 : i32
      %add3A_291 = arith.constant 0 : i32
      %add3A_292 = arith.addi %add3A_290, %add3A_291 : i32
      %mul3A_293 = arith.constant 16 : i32
      %mul3A_294 = arith.muli %add3A_292, %mul3A_293 : i32
      %add3A_295 = arith.constant 4 : i32
      %add3A_296 = arith.addi %while3A_131, %add3A_295 : i32
      %add3A_297 = arith.constant 1 : i32
      %add3A_298 = arith.addi %add3A_296, %add3A_297 : i32
      %mul3A_299 = arith.constant 16 : i32
      %mul3A_300 = arith.muli %add3A_298, %mul3A_299 : i32
      %add3A_301 = arith.constant 4 : i32
      %add3A_302 = arith.addi %while3A_131, %add3A_301 : i32
      %add3A_303 = arith.constant 2 : i32
      %add3A_304 = arith.addi %add3A_302, %add3A_303 : i32
      %mul3A_305 = arith.constant 16 : i32
      %mul3A_306 = arith.muli %add3A_304, %mul3A_305 : i32
      %add3A_307 = arith.constant 4 : i32
      %add3A_308 = arith.addi %while3A_131, %add3A_307 : i32
      %add3A_309 = arith.constant 3 : i32
      %add3A_310 = arith.addi %add3A_308, %add3A_309 : i32
      %mul3A_311 = arith.constant 16 : i32
      %mul3A_312 = arith.muli %add3A_310, %mul3A_311 : i32
      %get3A_313 = arith.index_cast %mul3A_294 : i32 to index
      %get3A_314 = tpu.vector_load %arg11[%get3A_313] {strides = array<i32>} : memref<4096xf32, #tpu.memory_space<vmem>>, vector<16xf32>,
      %get3A_315 = arith.index_cast %mul3A_300 : i32 to index
      %get3A_316 = tpu.vector_load %arg11[%get3A_315] {strides = array<i32>} : memref<4096xf32, #tpu.memory_space<vmem>>, vector<16xf32>,
      %get3A_317 = arith.index_cast %mul3A_306 : i32 to index
      %get3A_318 = tpu.vector_load %arg11[%get3A_317] {strides = array<i32>} : memref<4096xf32, #tpu.memory_space<vmem>>, vector<16xf32>,
      %get3A_319 = arith.index_cast %mul3A_312 : i32 to index
      %get3A_320 = tpu.vector_load %arg11[%get3A_319] {strides = array<i32>} : memref<4096xf32, #tpu.memory_space<vmem>>, vector<16xf32>,
      %get3A_321 = arith.index_cast %mul3A_294 : i32 to index
      %get3A_322 = tpu.vector_load %arg12[%get3A_321] {strides = array<i32>} : memref<4096xf32, #tpu.memory_space<vmem>>, vector<16xf32>,
      %get3A_323 = arith.index_cast %mul3A_300 : i32 to index
      %get3A_324 = tpu.vector_load %arg12[%get3A_323] {strides = array<i32>} : memref<4096xf32, #tpu.memory_space<vmem>>, vector<16xf32>,
      %get3A_325 = arith.index_cast %mul3A_306 : i32 to index
      %get3A_326 = tpu.vector_load %arg12[%get3A_325] {strides = array<i32>} : memref<4096xf32, #tpu.memory_space<vmem>>, vector<16xf32>,
      %get3A_327 = arith.index_cast %mul3A_312 : i32 to index
      %get3A_328 = tpu.vector_load %arg12[%get3A_327] {strides = array<i32>} : memref<4096xf32, #tpu.memory_space<vmem>>, vector<16xf32>,
      %get3A_329 = arith.index_cast %mul3A_294 : i32 to index
      %get3A_330 = tpu.vector_load %arg13[%get3A_329] {strides = array<i32>} : memref<4096xf32, #tpu.memory_space<vmem>>, vector<16xf32>,
      %get3A_331 = arith.index_cast %mul3A_300 : i32 to index
      %get3A_332 = tpu.vector_load %arg13[%get3A_331] {strides = array<i32>} : memref<4096xf32, #tpu.memory_space<vmem>>, vector<16xf32>,
      %get3A_333 = arith.index_cast %mul3A_306 : i32 to index
      %get3A_334 = tpu.vector_load %arg13[%get3A_333] {strides = array<i32>} : memref<4096xf32, #tpu.memory_space<vmem>>, vector<16xf32>,
      %get3A_335 = arith.index_cast %mul3A_312 : i32 to index
      %get3A_336 = tpu.vector_load %arg13[%get3A_335] {strides = array<i32>} : memref<4096xf32, #tpu.memory_space<vmem>>, vector<16xf32>,
      %get3A_337 = arith.index_cast %mul3A_294 : i32 to index
      %get3A_338 = tpu.vector_load %arg14[%get3A_337] {strides = array<i32>} : memref<4096xf32, #tpu.memory_space<vmem>>, vector<16xf32>,
      %get3A_339 = arith.index_cast %mul3A_300 : i32 to index
      %get3A_340 = tpu.vector_load %arg14[%get3A_339] {strides = array<i32>} : memref<4096xf32, #tpu.memory_space<vmem>>, vector<16xf32>,
      %get3A_341 = arith.index_cast %mul3A_306 : i32 to index
      %get3A_342 = tpu.vector_load %arg14[%get3A_341] {strides = array<i32>} : memref<4096xf32, #tpu.memory_space<vmem>>, vector<16xf32>,
      %get3A_343 = arith.index_cast %mul3A_312 : i32 to index
      %get3A_344 = tpu.vector_load %arg14[%get3A_343] {strides = array<i32>} : memref<4096xf32, #tpu.memory_space<vmem>>, vector<16xf32>,
      %mul3A_345 = arith.mulf %get3A_314, %bitcast3A_72 : vector<16xf32>
      %mul3A_346 = arith.mulf %get3A_316, %bitcast3A_72 : vector<16xf32>
      %mul3A_347 = arith.mulf %get3A_318, %bitcast3A_72 : vector<16xf32>
      %mul3A_348 = arith.mulf %get3A_320, %bitcast3A_72 : vector<16xf32>
      %mul3A_349 = arith.mulf %get3A_322, %bitcast3A_87 : vector<16xf32>
      %mul3A_350 = arith.mulf %get3A_324, %bitcast3A_87 : vector<16xf32>
      %mul3A_351 = arith.mulf %get3A_326, %bitcast3A_87 : vector<16xf32>
      %mul3A_352 = arith.mulf %get3A_328, %bitcast3A_87 : vector<16xf32>
      %mul3A_353 = arith.mulf %get3A_330, %bitcast3A_102 : vector<16xf32>
      %mul3A_354 = arith.mulf %get3A_332, %bitcast3A_102 : vector<16xf32>
      %mul3A_355 = arith.mulf %get3A_334, %bitcast3A_102 : vector<16xf32>
      %mul3A_356 = arith.mulf %get3A_336, %bitcast3A_102 : vector<16xf32>
      %add3A_357 = arith.addf %mul3A_345, %mul3A_349 : vector<16xf32>
      %add3A_358 = arith.addf %add3A_357, %mul3A_353 : vector<16xf32>
      %add3A_359 = arith.addf %mul3A_346, %mul3A_350 : vector<16xf32>
      %add3A_360 = arith.addf %add3A_359, %mul3A_354 : vector<16xf32>
      %add3A_361 = arith.addf %mul3A_347, %mul3A_351 : vector<16xf32>
      %add3A_362 = arith.addf %add3A_361, %mul3A_355 : vector<16xf32>
      %add3A_363 = arith.addf %mul3A_348, %mul3A_352 : vector<16xf32>
      %add3A_364 = arith.addf %add3A_363, %mul3A_356 : vector<16xf32>
      %mul3A_365 = arith.constant -2.000000e+00 : f32
      %mul3A_366 = vector.broadcast %mul3A_365 : f32 to vector<16xf32>
      %mul3A_367 = arith.mulf %mul3A_366, %add3A_358 : vector<16xf32>
      %add3A_368 = arith.addf %mul3A_367, %add3A_59 : vector<16xf32>
      %add3A_369 = arith.addf %add3A_368, %get3A_338 : vector<16xf32>
      %mul3A_370 = arith.constant -2.000000e+00 : f32
      %mul3A_371 = vector.broadcast %mul3A_370 : f32 to vector<16xf32>
      %mul3A_372 = arith.mulf %mul3A_371, %add3A_360 : vector<16xf32>
      %add3A_373 = arith.addf %mul3A_372, %add3A_59 : vector<16xf32>
      %add3A_374 = arith.addf %add3A_373, %get3A_340 : vector<16xf32>
      %mul3A_375 = arith.constant -2.000000e+00 : f32
      %mul3A_376 = vector.broadcast %mul3A_375 : f32 to vector<16xf32>
      %mul3A_377 = arith.mulf %mul3A_376, %add3A_362 : vector<16xf32>
      %add3A_378 = arith.addf %mul3A_377, %add3A_59 : vector<16xf32>
      %add3A_379 = arith.addf %add3A_378, %get3A_342 : vector<16xf32>
      %mul3A_380 = arith.constant -2.000000e+00 : f32
      %mul3A_381 = vector.broadcast %mul3A_380 : f32 to vector<16xf32>
      %mul3A_382 = arith.mulf %mul3A_381, %add3A_364 : vector<16xf32>
      %add3A_383 = arith.addf %mul3A_382, %add3A_59 : vector<16xf32>
      %add3A_384 = arith.addf %add3A_383, %get3A_344 : vector<16xf32>
      %le3A_385 = arith.constant 4.000000e-02 : f32
      %le3A_386 = vector.broadcast %le3A_385 : f32 to vector<16xf32>
      %le3A_387 = arith.cmpf ole, %add3A_369, %le3A_386 : vector<16xf32>
      %le3A_388 = arith.constant 4.000000e-02 : f32
      %le3A_389 = vector.broadcast %le3A_388 : f32 to vector<16xf32>
      %le3A_390 = arith.cmpf ole, %add3A_374, %le3A_389 : vector<16xf32>
      %le3A_391 = arith.constant 4.000000e-02 : f32
      %le3A_392 = vector.broadcast %le3A_391 : f32 to vector<16xf32>
      %le3A_393 = arith.cmpf ole, %add3A_379, %le3A_392 : vector<16xf32>
      %le3A_394 = arith.constant 4.000000e-02 : f32
      %le3A_395 = vector.broadcast %le3A_394 : f32 to vector<16xf32>
      %le3A_396 = arith.cmpf ole, %add3A_384, %le3A_395 : vector<16xf32>
      %convert_element_type3A_397 = arith.extui %le3A_387 : vector<16xi1> to vector<16xi32>
      %broadcast_in_dim3A_398 = arith.constant true
      %broadcast_in_dim3A_399 = vector.broadcast %broadcast_in_dim3A_398 : i1 to vector<16xi1>
      %masked_cumsum3A_400 = tpu.scan <sum>, %convert_element_type3A_397 masked %broadcast_in_dim3A_399 : vector<16xi32>, vector<16xi1> -> vector<16xi32>
      %convert_element_type3A_401 = arith.extui %le3A_390 : vector<16xi1> to vector<16xi32>
      %broadcast_in_dim3A_402 = arith.constant true
      %broadcast_in_dim3A_403 = vector.broadcast %broadcast_in_dim3A_402 : i1 to vector<16xi1>
      %masked_cumsum3A_404 = tpu.scan <sum>, %convert_element_type3A_401 masked %broadcast_in_dim3A_403 : vector<16xi32>, vector<16xi1> -> vector<16xi32>
      %convert_element_type3A_405 = arith.extui %le3A_393 : vector<16xi1> to vector<16xi32>
      %broadcast_in_dim3A_406 = arith.constant true
      %broadcast_in_dim3A_407 = vector.broadcast %broadcast_in_dim3A_406 : i1 to vector<16xi1>
      %masked_cumsum3A_408 = tpu.scan <sum>, %convert_element_type3A_405 masked %broadcast_in_dim3A_407 : vector<16xi32>, vector<16xi1> -> vector<16xi32>
      %convert_element_type3A_409 = arith.extui %le3A_396 : vector<16xi1> to vector<16xi32>
      %broadcast_in_dim3A_410 = arith.constant true
      %broadcast_in_dim3A_411 = vector.broadcast %broadcast_in_dim3A_410 : i1 to vector<16xi1>
      %masked_cumsum3A_412 = tpu.scan <sum>, %convert_element_type3A_409 masked %broadcast_in_dim3A_411 : vector<16xi32>, vector<16xi1> -> vector<16xi32>
      %all_reduce_population_count3A_413 = tpu.all_reduce %le3A_387 {dim = 0 : i64, kind = #tpu.reduction_kind<sum>} : vector<16xi1> -> vector<16xi32>
      %all_reduce_population_count3A_414 = tpu.all_reduce %le3A_390 {dim = 0 : i64, kind = #tpu.reduction_kind<sum>} : vector<16xi1> -> vector<16xi32>
      %all_reduce_population_count3A_415 = tpu.all_reduce %le3A_393 {dim = 0 : i64, kind = #tpu.reduction_kind<sum>} : vector<16xi1> -> vector<16xi32>
      %all_reduce_population_count3A_416 = tpu.all_reduce %le3A_396 {dim = 0 : i64, kind = #tpu.reduction_kind<sum>} : vector<16xi1> -> vector<16xi32>
      %add3A_417 = arith.addi %add3A_260, %all_reduce_population_count3A_413 : vector<16xi32>
      %add3A_418 = arith.addi %add3A_417, %all_reduce_population_count3A_414 : vector<16xi32>
      %add3A_419 = arith.addi %add3A_418, %all_reduce_population_count3A_415 : vector<16xi32>
      %add3A_420 = arith.addi %add3A_419, %all_reduce_population_count3A_416 : vector<16xi32>
      %sub3A_421 = arith.constant 1 : i32
      %sub3A_422 = vector.broadcast %sub3A_421 : i32 to vector<16xi32>
      %sub3A_423 = arith.subi %add3A_260, %sub3A_422 : vector<16xi32>
      %add3A_424 = arith.addi %sub3A_423, %masked_cumsum3A_400 : vector<16xi32>
      %add3A_425 = arith.addi %mul3A_294, %mul3A_32 : i32
      %add3A_426 = vector.broadcast %add3A_425 : i32 to vector<16xi32>
      %add3A_427 = arith.addi %iota3A, %add3A_426 : vector<16xi32>
      tpu.vector_store_idx %arg19[%add3A_424], %add3A_427 masked %le3A_387 : memref<160xi32, #tpu.memory_space<vmem>>[vector<16xi32>], vector<16xi32>, vector<16xi1>
      %sub3A_428 = arith.constant 1 : i32
      %sub3A_429 = vector.broadcast %sub3A_428 : i32 to vector<16xi32>
      %sub3A_430 = arith.subi %add3A_417, %sub3A_429 : vector<16xi32>
      %add3A_431 = arith.addi %sub3A_430, %masked_cumsum3A_404 : vector<16xi32>
      %add3A_432 = arith.addi %mul3A_300, %mul3A_32 : i32
      %add3A_433 = vector.broadcast %add3A_432 : i32 to vector<16xi32>
      %add3A_434 = arith.addi %iota3A, %add3A_433 : vector<16xi32>
      tpu.vector_store_idx %arg19[%add3A_431], %add3A_434 masked %le3A_390 : memref<160xi32, #tpu.memory_space<vmem>>[vector<16xi32>], vector<16xi32>, vector<16xi1>
      %sub3A_435 = arith.constant 1 : i32
      %sub3A_436 = vector.broadcast %sub3A_435 : i32 to vector<16xi32>
      %sub3A_437 = arith.subi %add3A_418, %sub3A_436 : vector<16xi32>
      %add3A_438 = arith.addi %sub3A_437, %masked_cumsum3A_408 : vector<16xi32>
      %add3A_439 = arith.addi %mul3A_306, %mul3A_32 : i32
      %add3A_440 = vector.broadcast %add3A_439 : i32 to vector<16xi32>
      %add3A_441 = arith.addi %iota3A, %add3A_440 : vector<16xi32>
      tpu.vector_store_idx %arg19[%add3A_438], %add3A_441 masked %le3A_393 : memref<160xi32, #tpu.memory_space<vmem>>[vector<16xi32>], vector<16xi32>, vector<16xi1>
      %sub3A_442 = arith.constant 1 : i32
      %sub3A_443 = vector.broadcast %sub3A_442 : i32 to vector<16xi32>
      %sub3A_444 = arith.subi %add3A_419, %sub3A_443 : vector<16xi32>
      %add3A_445 = arith.addi %sub3A_444, %masked_cumsum3A_412 : vector<16xi32>
      %add3A_446 = arith.addi %mul3A_312, %mul3A_32 : i32
      %add3A_447 = vector.broadcast %add3A_446 : i32 to vector<16xi32>
      %add3A_448 = arith.addi %iota3A, %add3A_447 : vector<16xi32>
      tpu.vector_store_idx %arg19[%add3A_445], %add3A_448 masked %le3A_396 : memref<160xi32, #tpu.memory_space<vmem>>[vector<16xi32>], vector<16xi32>, vector<16xi1>
      %add3A_449 = arith.constant 8 : i32
      %add3A_450 = arith.addi %while3A_131, %add3A_449 : i32
      scf.yield %add3A_450, %add3A_420 : i32, vector<16xi32>
    }
    %get3A = arith.constant 0 : index
    %get3A_111 = tpu.vector_load %arg19[%get3A] {strides = array<i32>} : memref<160xi32, #tpu.memory_space<vmem>>, vector<16xi32>,
    %swap3A_112 = arith.constant 0 : index
    %swap3A_113 = tpu.vector_load %arg20[%swap3A_112] {strides = array<i32>} : memref<16xi32, #tpu.memory_space<vmem>>, vector<16xi32>,
    tpu.vector_store %arg20[%swap3A_112], %get3A_111 {strides = array<i32>} : memref<16xi32, #tpu.memory_space<vmem>>, vector<16xi32>,
    %get3A_114 = arith.constant 16 : index
    %get3A_115 = tpu.vector_load %arg19[%get3A_114] {strides = array<i32>} : memref<160xi32, #tpu.memory_space<vmem>>, vector<16xi32>,
    %swap3A_116 = arith.constant 0 : index
    %swap3A_117 = tpu.vector_load %arg21[%swap3A_116] {strides = array<i32>} : memref<16xi32, #tpu.memory_space<vmem>>, vector<16xi32>,
    tpu.vector_store %arg21[%swap3A_116], %get3A_115 {strides = array<i32>} : memref<16xi32, #tpu.memory_space<vmem>>, vector<16xi32>,
    %dma_start3A = arith.constant 0 : i32
    %dma_start3A_118 = arith.constant 0 : i32
    %dma_start3A_119 = tpu.memref_slice %arg9[%dma_start3A, %dma_start3A_118] : memref<32768x256xf32, #tpu.memory_space<hbm>> -> memref<32768x256xf32, #tpu.memory_space<hbm>>
    tpu.enqueue_indirect_dma source(%dma_start3A_119 : memref<32768x256xf32, #tpu.memory_space<hbm>>) target(%arg24 : memref<16x256xf32, #tpu.memory_space<vmem>>) offsets(%arg20 : memref<16xi32, #tpu.memory_space<vmem>>) semaphore(%arg29 : memref<!tpu.dma_semaphore, #tpu.memory_space<semaphore_mem>>)
    %dma_start3A_120 = arith.constant 0 : i32
    %dma_start3A_121 = arith.constant 0 : i32
    %dma_start3A_122 = tpu.memref_slice %arg9[%dma_start3A_120, %dma_start3A_121] : memref<32768x256xf32, #tpu.memory_space<hbm>> -> memref<32768x256xf32, #tpu.memory_space<hbm>>
    tpu.enqueue_indirect_dma source(%dma_start3A_122 : memref<32768x256xf32, #tpu.memory_space<hbm>>) target(%arg25 : memref<16x256xf32, #tpu.memory_space<vmem>>) offsets(%arg21 : memref<16xi32, #tpu.memory_space<vmem>>) semaphore(%arg29 : memref<!tpu.dma_semaphore, #tpu.memory_space<semaphore_mem>>)
    %scan3A_123 = arith.constant 0 : i32
    %scan3A_124 = arith.constant 0 : i32
    %scan3A_125 = arith.constant 64 : i32
    %scan3A_126 = arith.addi %scan3A_124, %scan3A_125 : i32
    %scan3A_127 = arith.constant 1 : i32
    scf.for %scan3A_131 = %scan3A_124 to %scan3A_126 step %scan3A_127  : i32 {
      %mul3A_132 = arith.constant 2 : i32
      %mul3A_133 = arith.muli %mul3A_132, %scan3A_131 : i32
      %add3A_134 = arith.constant 1 : i32
      %add3A_135 = arith.addi %mul3A_133, %add3A_134 : i32
      %mul3A_136 = arith.constant 4 : i32
      %mul3A_137 = arith.muli %mul3A_136, %add3A_135 : i32
      %add3A_138 = arith.addi %select_n3A_30, %mul3A_137 : i32
      %broadcast_in_dim3A_139 = vector.broadcast %add3A_138 : i32 to vector<16xi32>
      %gather3A_140 = tpu.vector_load_idx %arg15[%broadcast_in_dim3A_139] : memref<512xf32, #tpu.memory_space<vmem>>[vector<16xi32>], vector<16xf32>,
      %gather3A_141 = tpu.vector_load_idx %arg16[%broadcast_in_dim3A_139] : memref<512xf32, #tpu.memory_space<vmem>>[vector<16xi32>], vector<16xf32>,
      %gather3A_142 = tpu.vector_load_idx %arg17[%broadcast_in_dim3A_139] : memref<512xf32, #tpu.memory_space<vmem>>[vector<16xi32>], vector<16xf32>,
      %gather3A_143 = tpu.vector_load_idx %arg18[%broadcast_in_dim3A_139] : memref<512xi32, #tpu.memory_space<vmem>>[vector<16xi32>], vector<16xi32>,
      %add3A_144 = vector.broadcast %mul3A_32 : i32 to vector<16xi32>
      %add3A_145 = arith.addi %gather3A_143, %add3A_144 : vector<16xi32>
      %mul3A_146 = arith.mulf %gather3A_140, %gather3A_140 : vector<16xf32>
      %mul3A_147 = arith.mulf %gather3A_141, %gather3A_141 : vector<16xf32>
      %add3A_148 = arith.addf %mul3A_146, %mul3A_147 : vector<16xf32>
      %mul3A_149 = arith.mulf %gather3A_142, %gather3A_142 : vector<16xf32>
      %add3A_150 = arith.addf %add3A_148, %mul3A_149 : vector<16xf32>
      %bitcast3A_151 = vector.bitcast %gather3A_140 : vector<16xf32> to vector<16xi32>
      %shift_right_arithmetic3A_152 = arith.constant 16 : i32
      %shift_right_arithmetic3A_153 = vector.broadcast %shift_right_arithmetic3A_152 : i32 to vector<16xi32>
      %shift_right_arithmetic3A_154 = arith.shrsi %bitcast3A_151, %shift_right_arithmetic3A_153 : vector<16xi32>
      %and3A_155 = arith.constant 1 : i32
      %and3A_156 = vector.broadcast %and3A_155 : i32 to vector<16xi32>
      %and3A_157 = arith.andi %shift_right_arithmetic3A_154, %and3A_156 : vector<16xi32>
      %add3A_158 = arith.constant 32767 : i32
      %add3A_159 = vector.broadcast %add3A_158 : i32 to vector<16xi32>
      %add3A_160 = arith.addi %add3A_159, %and3A_157 : vector<16xi32>
      %add3A_161 = arith.addi %bitcast3A_151, %add3A_160 : vector<16xi32>
      %and3A_162 = arith.constant -65536 : i32
      %and3A_163 = vector.broadcast %and3A_162 : i32 to vector<16xi32>
      %and3A_164 = arith.andi %add3A_161, %and3A_163 : vector<16xi32>
      %bitcast3A_165 = vector.bitcast %and3A_164 : vector<16xi32> to vector<16xf32>
      %bitcast3A_166 = vector.bitcast %gather3A_141 : vector<16xf32> to vector<16xi32>
      %shift_right_arithmetic3A_167 = arith.constant 16 : i32
      %shift_right_arithmetic3A_168 = vector.broadcast %shift_right_arithmetic3A_167 : i32 to vector<16xi32>
      %shift_right_arithmetic3A_169 = arith.shrsi %bitcast3A_166, %shift_right_arithmetic3A_168 : vector<16xi32>
      %and3A_170 = arith.constant 1 : i32
      %and3A_171 = vector.broadcast %and3A_170 : i32 to vector<16xi32>
      %and3A_172 = arith.andi %shift_right_arithmetic3A_169, %and3A_171 : vector<16xi32>
      %add3A_173 = arith.constant 32767 : i32
      %add3A_174 = vector.broadcast %add3A_173 : i32 to vector<16xi32>
      %add3A_175 = arith.addi %add3A_174, %and3A_172 : vector<16xi32>
      %add3A_176 = arith.addi %bitcast3A_166, %add3A_175 : vector<16xi32>
      %and3A_177 = arith.constant -65536 : i32
      %and3A_178 = vector.broadcast %and3A_177 : i32 to vector<16xi32>
      %and3A_179 = arith.andi %add3A_176, %and3A_178 : vector<16xi32>
      %bitcast3A_180 = vector.bitcast %and3A_179 : vector<16xi32> to vector<16xf32>
      %bitcast3A_181 = vector.bitcast %gather3A_142 : vector<16xf32> to vector<16xi32>
      %shift_right_arithmetic3A_182 = arith.constant 16 : i32
      %shift_right_arithmetic3A_183 = vector.broadcast %shift_right_arithmetic3A_182 : i32 to vector<16xi32>
      %shift_right_arithmetic3A_184 = arith.shrsi %bitcast3A_181, %shift_right_arithmetic3A_183 : vector<16xi32>
      %and3A_185 = arith.constant 1 : i32
      %and3A_186 = vector.broadcast %and3A_185 : i32 to vector<16xi32>
      %and3A_187 = arith.andi %shift_right_arithmetic3A_184, %and3A_186 : vector<16xi32>
      %add3A_188 = arith.constant 32767 : i32
      %add3A_189 = vector.broadcast %add3A_188 : i32 to vector<16xi32>
      %add3A_190 = arith.addi %add3A_189, %and3A_187 : vector<16xi32>
      %add3A_191 = arith.addi %bitcast3A_181, %add3A_190 : vector<16xi32>
      %and3A_192 = arith.constant -65536 : i32
      %and3A_193 = vector.broadcast %and3A_192 : i32 to vector<16xi32>
      %and3A_194 = arith.andi %add3A_191, %and3A_193 : vector<16xi32>
      %bitcast3A_195 = vector.bitcast %and3A_194 : vector<16xi32> to vector<16xf32>
      %swap3A_196 = arith.constant 0 : index
      %swap3A_197 = tpu.vector_load %arg19[%swap3A_196] {strides = array<i32>} : memref<160xi32, #tpu.memory_space<vmem>>, vector<16xi32>,
      tpu.vector_store %arg19[%swap3A_196], %add3A_145 {strides = array<i32>} : memref<160xi32, #tpu.memory_space<vmem>>, vector<16xi32>,
      %swap3A_198 = arith.constant 16 : index
      %swap3A_199 = tpu.vector_load %arg19[%swap3A_198] {strides = array<i32>} : memref<160xi32, #tpu.memory_space<vmem>>, vector<16xi32>,
      tpu.vector_store %arg19[%swap3A_198], %add3A_145 {strides = array<i32>} : memref<160xi32, #tpu.memory_space<vmem>>, vector<16xi32>,
      %swap3A_200 = arith.constant 32 : index
      %swap3A_201 = tpu.vector_load %arg19[%swap3A_200] {strides = array<i32>} : memref<160xi32, #tpu.memory_space<vmem>>, vector<16xi32>,
      tpu.vector_store %arg19[%swap3A_200], %add3A_145 {strides = array<i32>} : memref<160xi32, #tpu.memory_space<vmem>>, vector<16xi32>,
      %broadcast_in_dim3A_202 = arith.constant 0 : i32
      %broadcast_in_dim3A_203 = vector.broadcast %broadcast_in_dim3A_202 : i32 to vector<16xi32>
      %while3A_204 = arith.constant 0 : i32
      %while3A_205:2 = scf.while (%while3A_643 = %while3A_204, %while3A_644 = %broadcast_in_dim3A_203) : (i32, vector<16xi32>) -> (i32, vector<16xi32>) {
        %lt3A_645 = arith.constant 256 : i32
        %lt3A_646 = arith.cmpi slt, %while3A_643, %lt3A_645 : i32
        %reduce_max3A = arith.constant true
        %reduce_max3A_647 = vector.broadcast %reduce_max3A : i1 to vector<16xi1>
        %reduce_max3A_648 = arith.constant -2147483648 : i32
        %reduce_max3A_649 = vector.broadcast %reduce_max3A_648 : i32 to vector<16xi32>
        %reduce_max3A_650 = arith.xori %while3A_644, %reduce_max3A_649 : vector<16xi32>
        %reduce_max3A_651 = tpu.scan <max>, %reduce_max3A_650 masked %reduce_max3A_647 : vector<16xi32>, vector<16xi1> -> vector<16xi32>
        %reduce_max3A_652 = arith.xori %reduce_max3A_651, %reduce_max3A_649 : vector<16xi32>
        %reduce_max3A_653 = vector.extract %reduce_max3A_652[15] : i32 from vector<16xi32>
        %lt3A_654 = arith.constant 32 : i32
        %lt3A_655 = arith.cmpi slt, %reduce_max3A_653, %lt3A_654 : i32
        %and3A_656 = arith.andi %lt3A_646, %lt3A_655 : i1
        scf.condition(%and3A_656) %while3A_643, %while3A_644 : i32, vector<16xi32>
      } do {
      ^bb0(%while3A_643: i32, %while3A_644: vector<16xi32>):
        %add3A_645 = arith.constant 0 : i32
        %add3A_646 = arith.addi %while3A_643, %add3A_645 : i32
        %add3A_647 = arith.constant 0 : i32
        %add3A_648 = arith.addi %add3A_646, %add3A_647 : i32
        %mul3A_649 = arith.constant 16 : i32
        %mul3A_650 = arith.muli %add3A_648, %mul3A_649 : i32
        %add3A_651 = arith.constant 0 : i32
        %add3A_652 = arith.addi %while3A_643, %add3A_651 : i32
        %add3A_653 = arith.constant 1 : i32
        %add3A_654 = arith.addi %add3A_652, %add3A_653 : i32
        %mul3A_655 = arith.constant 16 : i32
        %mul3A_656 = arith.muli %add3A_654, %mul3A_655 : i32
        %add3A_657 = arith.constant 0 : i32
        %add3A_658 = arith.addi %while3A_643, %add3A_657 : i32
        %add3A_659 = arith.constant 2 : i32
        %add3A_660 = arith.addi %add3A_658, %add3A_659 : i32
        %mul3A_661 = arith.constant 16 : i32
        %mul3A_662 = arith.muli %add3A_660, %mul3A_661 : i32
        %add3A_663 = arith.constant 0 : i32
        %add3A_664 = arith.addi %while3A_643, %add3A_663 : i32
        %add3A_665 = arith.constant 3 : i32
        %add3A_666 = arith.addi %add3A_664, %add3A_665 : i32
        %mul3A_667 = arith.constant 16 : i32
        %mul3A_668 = arith.muli %add3A_666, %mul3A_667 : i32
        %get3A_669 = arith.index_cast %mul3A_650 : i32 to index
        %get3A_670 = tpu.vector_load %arg11[%get3A_669] {strides = array<i32>} : memref<4096xf32, #tpu.memory_space<vmem>>, vector<16xf32>,
        %get3A_671 = arith.index_cast %mul3A_656 : i32 to index
        %get3A_672 = tpu.vector_load %arg11[%get3A_671] {strides = array<i32>} : memref<4096xf32, #tpu.memory_space<vmem>>, vector<16xf32>,
        %get3A_673 = arith.index_cast %mul3A_662 : i32 to index
        %get3A_674 = tpu.vector_load %arg11[%get3A_673] {strides = array<i32>} : memref<4096xf32, #tpu.memory_space<vmem>>, vector<16xf32>,
        %get3A_675 = arith.index_cast %mul3A_668 : i32 to index
        %get3A_676 = tpu.vector_load %arg11[%get3A_675] {strides = array<i32>} : memref<4096xf32, #tpu.memory_space<vmem>>, vector<16xf32>,
        %get3A_677 = arith.index_cast %mul3A_650 : i32 to index
        %get3A_678 = tpu.vector_load %arg12[%get3A_677] {strides = array<i32>} : memref<4096xf32, #tpu.memory_space<vmem>>, vector<16xf32>,
        %get3A_679 = arith.index_cast %mul3A_656 : i32 to index
        %get3A_680 = tpu.vector_load %arg12[%get3A_679] {strides = array<i32>} : memref<4096xf32, #tpu.memory_space<vmem>>, vector<16xf32>,
        %get3A_681 = arith.index_cast %mul3A_662 : i32 to index
        %get3A_682 = tpu.vector_load %arg12[%get3A_681] {strides = array<i32>} : memref<4096xf32, #tpu.memory_space<vmem>>, vector<16xf32>,
        %get3A_683 = arith.index_cast %mul3A_668 : i32 to index
        %get3A_684 = tpu.vector_load %arg12[%get3A_683] {strides = array<i32>} : memref<4096xf32, #tpu.memory_space<vmem>>, vector<16xf32>,
        %get3A_685 = arith.index_cast %mul3A_650 : i32 to index
        %get3A_686 = tpu.vector_load %arg13[%get3A_685] {strides = array<i32>} : memref<4096xf32, #tpu.memory_space<vmem>>, vector<16xf32>,
        %get3A_687 = arith.index_cast %mul3A_656 : i32 to index
        %get3A_688 = tpu.vector_load %arg13[%get3A_687] {strides = array<i32>} : memref<4096xf32, #tpu.memory_space<vmem>>, vector<16xf32>,
        %get3A_689 = arith.index_cast %mul3A_662 : i32 to index
        %get3A_690 = tpu.vector_load %arg13[%get3A_689] {strides = array<i32>} : memref<4096xf32, #tpu.memory_space<vmem>>, vector<16xf32>,
        %get3A_691 = arith.index_cast %mul3A_668 : i32 to index
        %get3A_692 = tpu.vector_load %arg13[%get3A_691] {strides = array<i32>} : memref<4096xf32, #tpu.memory_space<vmem>>, vector<16xf32>,
        %get3A_693 = arith.index_cast %mul3A_650 : i32 to index
        %get3A_694 = tpu.vector_load %arg14[%get3A_693] {strides = array<i32>} : memref<4096xf32, #tpu.memory_space<vmem>>, vector<16xf32>,
        %get3A_695 = arith.index_cast %mul3A_656 : i32 to index
        %get3A_696 = tpu.vector_load %arg14[%get3A_695] {strides = array<i32>} : memref<4096xf32, #tpu.memory_space<vmem>>, vector<16xf32>,
        %get3A_697 = arith.index_cast %mul3A_662 : i32 to index
        %get3A_698 = tpu.vector_load %arg14[%get3A_697] {strides = array<i32>} : memref<4096xf32, #tpu.memory_space<vmem>>, vector<16xf32>,
        %get3A_699 = arith.index_cast %mul3A_668 : i32 to index
        %get3A_700 = tpu.vector_load %arg14[%get3A_699] {strides = array<i32>} : memref<4096xf32, #tpu.memory_space<vmem>>, vector<16xf32>,
        %mul3A_701 = arith.mulf %get3A_670, %bitcast3A_165 : vector<16xf32>
        %mul3A_702 = arith.mulf %get3A_672, %bitcast3A_165 : vector<16xf32>
        %mul3A_703 = arith.mulf %get3A_674, %bitcast3A_165 : vector<16xf32>
        %mul3A_704 = arith.mulf %get3A_676, %bitcast3A_165 : vector<16xf32>
        %mul3A_705 = arith.mulf %get3A_678, %bitcast3A_180 : vector<16xf32>
        %mul3A_706 = arith.mulf %get3A_680, %bitcast3A_180 : vector<16xf32>
        %mul3A_707 = arith.mulf %get3A_682, %bitcast3A_180 : vector<16xf32>
        %mul3A_708 = arith.mulf %get3A_684, %bitcast3A_180 : vector<16xf32>
        %mul3A_709 = arith.mulf %get3A_686, %bitcast3A_195 : vector<16xf32>
        %mul3A_710 = arith.mulf %get3A_688, %bitcast3A_195 : vector<16xf32>
        %mul3A_711 = arith.mulf %get3A_690, %bitcast3A_195 : vector<16xf32>
        %mul3A_712 = arith.mulf %get3A_692, %bitcast3A_195 : vector<16xf32>
        %add3A_713 = arith.addf %mul3A_701, %mul3A_705 : vector<16xf32>
        %add3A_714 = arith.addf %add3A_713, %mul3A_709 : vector<16xf32>
        %add3A_715 = arith.addf %mul3A_702, %mul3A_706 : vector<16xf32>
        %add3A_716 = arith.addf %add3A_715, %mul3A_710 : vector<16xf32>
        %add3A_717 = arith.addf %mul3A_703, %mul3A_707 : vector<16xf32>
        %add3A_718 = arith.addf %add3A_717, %mul3A_711 : vector<16xf32>
        %add3A_719 = arith.addf %mul3A_704, %mul3A_708 : vector<16xf32>
        %add3A_720 = arith.addf %add3A_719, %mul3A_712 : vector<16xf32>
        %mul3A_721 = arith.constant -2.000000e+00 : f32
        %mul3A_722 = vector.broadcast %mul3A_721 : f32 to vector<16xf32>
        %mul3A_723 = arith.mulf %mul3A_722, %add3A_714 : vector<16xf32>
        %add3A_724 = arith.addf %mul3A_723, %add3A_150 : vector<16xf32>
        %add3A_725 = arith.addf %add3A_724, %get3A_694 : vector<16xf32>
        %mul3A_726 = arith.constant -2.000000e+00 : f32
        %mul3A_727 = vector.broadcast %mul3A_726 : f32 to vector<16xf32>
        %mul3A_728 = arith.mulf %mul3A_727, %add3A_716 : vector<16xf32>
        %add3A_729 = arith.addf %mul3A_728, %add3A_150 : vector<16xf32>
        %add3A_730 = arith.addf %add3A_729, %get3A_696 : vector<16xf32>
        %mul3A_731 = arith.constant -2.000000e+00 : f32
        %mul3A_732 = vector.broadcast %mul3A_731 : f32 to vector<16xf32>
        %mul3A_733 = arith.mulf %mul3A_732, %add3A_718 : vector<16xf32>
        %add3A_734 = arith.addf %mul3A_733, %add3A_150 : vector<16xf32>
        %add3A_735 = arith.addf %add3A_734, %get3A_698 : vector<16xf32>
        %mul3A_736 = arith.constant -2.000000e+00 : f32
        %mul3A_737 = vector.broadcast %mul3A_736 : f32 to vector<16xf32>
        %mul3A_738 = arith.mulf %mul3A_737, %add3A_720 : vector<16xf32>
        %add3A_739 = arith.addf %mul3A_738, %add3A_150 : vector<16xf32>
        %add3A_740 = arith.addf %add3A_739, %get3A_700 : vector<16xf32>
        %le3A = arith.constant 4.000000e-02 : f32
        %le3A_741 = vector.broadcast %le3A : f32 to vector<16xf32>
        %le3A_742 = arith.cmpf ole, %add3A_725, %le3A_741 : vector<16xf32>
        %le3A_743 = arith.constant 4.000000e-02 : f32
        %le3A_744 = vector.broadcast %le3A_743 : f32 to vector<16xf32>
        %le3A_745 = arith.cmpf ole, %add3A_730, %le3A_744 : vector<16xf32>
        %le3A_746 = arith.constant 4.000000e-02 : f32
        %le3A_747 = vector.broadcast %le3A_746 : f32 to vector<16xf32>
        %le3A_748 = arith.cmpf ole, %add3A_735, %le3A_747 : vector<16xf32>
        %le3A_749 = arith.constant 4.000000e-02 : f32
        %le3A_750 = vector.broadcast %le3A_749 : f32 to vector<16xf32>
        %le3A_751 = arith.cmpf ole, %add3A_740, %le3A_750 : vector<16xf32>
        %convert_element_type3A_752 = arith.extui %le3A_742 : vector<16xi1> to vector<16xi32>
        %broadcast_in_dim3A_753 = arith.constant true
        %broadcast_in_dim3A_754 = vector.broadcast %broadcast_in_dim3A_753 : i1 to vector<16xi1>
        %masked_cumsum3A = tpu.scan <sum>, %convert_element_type3A_752 masked %broadcast_in_dim3A_754 : vector<16xi32>, vector<16xi1> -> vector<16xi32>
        %convert_element_type3A_755 = arith.extui %le3A_745 : vector<16xi1> to vector<16xi32>
        %broadcast_in_dim3A_756 = arith.constant true
        %broadcast_in_dim3A_757 = vector.broadcast %broadcast_in_dim3A_756 : i1 to vector<16xi1>
        %masked_cumsum3A_758 = tpu.scan <sum>, %convert_element_type3A_755 masked %broadcast_in_dim3A_757 : vector<16xi32>, vector<16xi1> -> vector<16xi32>
        %convert_element_type3A_759 = arith.extui %le3A_748 : vector<16xi1> to vector<16xi32>
        %broadcast_in_dim3A_760 = arith.constant true
        %broadcast_in_dim3A_761 = vector.broadcast %broadcast_in_dim3A_760 : i1 to vector<16xi1>
        %masked_cumsum3A_762 = tpu.scan <sum>, %convert_element_type3A_759 masked %broadcast_in_dim3A_761 : vector<16xi32>, vector<16xi1> -> vector<16xi32>
        %convert_element_type3A_763 = arith.extui %le3A_751 : vector<16xi1> to vector<16xi32>
        %broadcast_in_dim3A_764 = arith.constant true
        %broadcast_in_dim3A_765 = vector.broadcast %broadcast_in_dim3A_764 : i1 to vector<16xi1>
        %masked_cumsum3A_766 = tpu.scan <sum>, %convert_element_type3A_763 masked %broadcast_in_dim3A_765 : vector<16xi32>, vector<16xi1> -> vector<16xi32>
        %all_reduce_population_count3A = tpu.all_reduce %le3A_742 {dim = 0 : i64, kind = #tpu.reduction_kind<sum>} : vector<16xi1> -> vector<16xi32>
        %all_reduce_population_count3A_767 = tpu.all_reduce %le3A_745 {dim = 0 : i64, kind = #tpu.reduction_kind<sum>} : vector<16xi1> -> vector<16xi32>
        %all_reduce_population_count3A_768 = tpu.all_reduce %le3A_748 {dim = 0 : i64, kind = #tpu.reduction_kind<sum>} : vector<16xi1> -> vector<16xi32>
        %all_reduce_population_count3A_769 = tpu.all_reduce %le3A_751 {dim = 0 : i64, kind = #tpu.reduction_kind<sum>} : vector<16xi1> -> vector<16xi32>
        %add3A_770 = arith.addi %while3A_644, %all_reduce_population_count3A : vector<16xi32>
        %add3A_771 = arith.addi %add3A_770, %all_reduce_population_count3A_767 : vector<16xi32>
        %add3A_772 = arith.addi %add3A_771, %all_reduce_population_count3A_768 : vector<16xi32>
        %add3A_773 = arith.addi %add3A_772, %all_reduce_population_count3A_769 : vector<16xi32>
        %sub3A_774 = arith.constant 1 : i32
        %sub3A_775 = vector.broadcast %sub3A_774 : i32 to vector<16xi32>
        %sub3A_776 = arith.subi %while3A_644, %sub3A_775 : vector<16xi32>
        %add3A_777 = arith.addi %sub3A_776, %masked_cumsum3A : vector<16xi32>
        %add3A_778 = arith.addi %mul3A_650, %mul3A_32 : i32
        %add3A_779 = vector.broadcast %add3A_778 : i32 to vector<16xi32>
        %add3A_780 = arith.addi %iota3A, %add3A_779 : vector<16xi32>
        tpu.vector_store_idx %arg19[%add3A_777], %add3A_780 masked %le3A_742 : memref<160xi32, #tpu.memory_space<vmem>>[vector<16xi32>], vector<16xi32>, vector<16xi1>
        %sub3A_781 = arith.constant 1 : i32
        %sub3A_782 = vector.broadcast %sub3A_781 : i32 to vector<16xi32>
        %sub3A_783 = arith.subi %add3A_770, %sub3A_782 : vector<16xi32>
        %add3A_784 = arith.addi %sub3A_783, %masked_cumsum3A_758 : vector<16xi32>
        %add3A_785 = arith.addi %mul3A_656, %mul3A_32 : i32
        %add3A_786 = vector.broadcast %add3A_785 : i32 to vector<16xi32>
        %add3A_787 = arith.addi %iota3A, %add3A_786 : vector<16xi32>
        tpu.vector_store_idx %arg19[%add3A_784], %add3A_787 masked %le3A_745 : memref<160xi32, #tpu.memory_space<vmem>>[vector<16xi32>], vector<16xi32>, vector<16xi1>
        %sub3A_788 = arith.constant 1 : i32
        %sub3A_789 = vector.broadcast %sub3A_788 : i32 to vector<16xi32>
        %sub3A_790 = arith.subi %add3A_771, %sub3A_789 : vector<16xi32>
        %add3A_791 = arith.addi %sub3A_790, %masked_cumsum3A_762 : vector<16xi32>
        %add3A_792 = arith.addi %mul3A_662, %mul3A_32 : i32
        %add3A_793 = vector.broadcast %add3A_792 : i32 to vector<16xi32>
        %add3A_794 = arith.addi %iota3A, %add3A_793 : vector<16xi32>
        tpu.vector_store_idx %arg19[%add3A_791], %add3A_794 masked %le3A_748 : memref<160xi32, #tpu.memory_space<vmem>>[vector<16xi32>], vector<16xi32>, vector<16xi1>
        %sub3A_795 = arith.constant 1 : i32
        %sub3A_796 = vector.broadcast %sub3A_795 : i32 to vector<16xi32>
        %sub3A_797 = arith.subi %add3A_772, %sub3A_796 : vector<16xi32>
        %add3A_798 = arith.addi %sub3A_797, %masked_cumsum3A_766 : vector<16xi32>
        %add3A_799 = arith.addi %mul3A_668, %mul3A_32 : i32
        %add3A_800 = vector.broadcast %add3A_799 : i32 to vector<16xi32>
        %add3A_801 = arith.addi %iota3A, %add3A_800 : vector<16xi32>
        tpu.vector_store_idx %arg19[%add3A_798], %add3A_801 masked %le3A_751 : memref<160xi32, #tpu.memory_space<vmem>>[vector<16xi32>], vector<16xi32>, vector<16xi1>
        %add3A_802 = arith.constant 4 : i32
        %add3A_803 = arith.addi %while3A_643, %add3A_802 : i32
        %add3A_804 = arith.constant 0 : i32
        %add3A_805 = arith.addi %add3A_803, %add3A_804 : i32
        %mul3A_806 = arith.constant 16 : i32
        %mul3A_807 = arith.muli %add3A_805, %mul3A_806 : i32
        %add3A_808 = arith.constant 4 : i32
        %add3A_809 = arith.addi %while3A_643, %add3A_808 : i32
        %add3A_810 = arith.constant 1 : i32
        %add3A_811 = arith.addi %add3A_809, %add3A_810 : i32
        %mul3A_812 = arith.constant 16 : i32
        %mul3A_813 = arith.muli %add3A_811, %mul3A_812 : i32
        %add3A_814 = arith.constant 4 : i32
        %add3A_815 = arith.addi %while3A_643, %add3A_814 : i32
        %add3A_816 = arith.constant 2 : i32
        %add3A_817 = arith.addi %add3A_815, %add3A_816 : i32
        %mul3A_818 = arith.constant 16 : i32
        %mul3A_819 = arith.muli %add3A_817, %mul3A_818 : i32
        %add3A_820 = arith.constant 4 : i32
        %add3A_821 = arith.addi %while3A_643, %add3A_820 : i32
        %add3A_822 = arith.constant 3 : i32
        %add3A_823 = arith.addi %add3A_821, %add3A_822 : i32
        %mul3A_824 = arith.constant 16 : i32
        %mul3A_825 = arith.muli %add3A_823, %mul3A_824 : i32
        %get3A_826 = arith.index_cast %mul3A_807 : i32 to index
        %get3A_827 = tpu.vector_load %arg11[%get3A_826] {strides = array<i32>} : memref<4096xf32, #tpu.memory_space<vmem>>, vector<16xf32>,
        %get3A_828 = arith.index_cast %mul3A_813 : i32 to index
        %get3A_829 = tpu.vector_load %arg11[%get3A_828] {strides = array<i32>} : memref<4096xf32, #tpu.memory_space<vmem>>, vector<16xf32>,
        %get3A_830 = arith.index_cast %mul3A_819 : i32 to index
        %get3A_831 = tpu.vector_load %arg11[%get3A_830] {strides = array<i32>} : memref<4096xf32, #tpu.memory_space<vmem>>, vector<16xf32>,
        %get3A_832 = arith.index_cast %mul3A_825 : i32 to index
        %get3A_833 = tpu.vector_load %arg11[%get3A_832] {strides = array<i32>} : memref<4096xf32, #tpu.memory_space<vmem>>, vector<16xf32>,
        %get3A_834 = arith.index_cast %mul3A_807 : i32 to index
        %get3A_835 = tpu.vector_load %arg12[%get3A_834] {strides = array<i32>} : memref<4096xf32, #tpu.memory_space<vmem>>, vector<16xf32>,
        %get3A_836 = arith.index_cast %mul3A_813 : i32 to index
        %get3A_837 = tpu.vector_load %arg12[%get3A_836] {strides = array<i32>} : memref<4096xf32, #tpu.memory_space<vmem>>, vector<16xf32>,
        %get3A_838 = arith.index_cast %mul3A_819 : i32 to index
        %get3A_839 = tpu.vector_load %arg12[%get3A_838] {strides = array<i32>} : memref<4096xf32, #tpu.memory_space<vmem>>, vector<16xf32>,
        %get3A_840 = arith.index_cast %mul3A_825 : i32 to index
        %get3A_841 = tpu.vector_load %arg12[%get3A_840] {strides = array<i32>} : memref<4096xf32, #tpu.memory_space<vmem>>, vector<16xf32>,
        %get3A_842 = arith.index_cast %mul3A_807 : i32 to index
        %get3A_843 = tpu.vector_load %arg13[%get3A_842] {strides = array<i32>} : memref<4096xf32, #tpu.memory_space<vmem>>, vector<16xf32>,
        %get3A_844 = arith.index_cast %mul3A_813 : i32 to index
        %get3A_845 = tpu.vector_load %arg13[%get3A_844] {strides = array<i32>} : memref<4096xf32, #tpu.memory_space<vmem>>, vector<16xf32>,
        %get3A_846 = arith.index_cast %mul3A_819 : i32 to index
        %get3A_847 = tpu.vector_load %arg13[%get3A_846] {strides = array<i32>} : memref<4096xf32, #tpu.memory_space<vmem>>, vector<16xf32>,
        %get3A_848 = arith.index_cast %mul3A_825 : i32 to index
        %get3A_849 = tpu.vector_load %arg13[%get3A_848] {strides = array<i32>} : memref<4096xf32, #tpu.memory_space<vmem>>, vector<16xf32>,
        %get3A_850 = arith.index_cast %mul3A_807 : i32 to index
        %get3A_851 = tpu.vector_load %arg14[%get3A_850] {strides = array<i32>} : memref<4096xf32, #tpu.memory_space<vmem>>, vector<16xf32>,
        %get3A_852 = arith.index_cast %mul3A_813 : i32 to index
        %get3A_853 = tpu.vector_load %arg14[%get3A_852] {strides = array<i32>} : memref<4096xf32, #tpu.memory_space<vmem>>, vector<16xf32>,
        %get3A_854 = arith.index_cast %mul3A_819 : i32 to index
        %get3A_855 = tpu.vector_load %arg14[%get3A_854] {strides = array<i32>} : memref<4096xf32, #tpu.memory_space<vmem>>, vector<16xf32>,
        %get3A_856 = arith.index_cast %mul3A_825 : i32 to index
        %get3A_857 = tpu.vector_load %arg14[%get3A_856] {strides = array<i32>} : memref<4096xf32, #tpu.memory_space<vmem>>, vector<16xf32>,
        %mul3A_858 = arith.mulf %get3A_827, %bitcast3A_165 : vector<16xf32>
        %mul3A_859 = arith.mulf %get3A_829, %bitcast3A_165 : vector<16xf32>
        %mul3A_860 = arith.mulf %get3A_831, %bitcast3A_165 : vector<16xf32>
        %mul3A_861 = arith.mulf %get3A_833, %bitcast3A_165 : vector<16xf32>
        %mul3A_862 = arith.mulf %get3A_835, %bitcast3A_180 : vector<16xf32>
        %mul3A_863 = arith.mulf %get3A_837, %bitcast3A_180 : vector<16xf32>
        %mul3A_864 = arith.mulf %get3A_839, %bitcast3A_180 : vector<16xf32>
        %mul3A_865 = arith.mulf %get3A_841, %bitcast3A_180 : vector<16xf32>
        %mul3A_866 = arith.mulf %get3A_843, %bitcast3A_195 : vector<16xf32>
        %mul3A_867 = arith.mulf %get3A_845, %bitcast3A_195 : vector<16xf32>
        %mul3A_868 = arith.mulf %get3A_847, %bitcast3A_195 : vector<16xf32>
        %mul3A_869 = arith.mulf %get3A_849, %bitcast3A_195 : vector<16xf32>
        %add3A_870 = arith.addf %mul3A_858, %mul3A_862 : vector<16xf32>
        %add3A_871 = arith.addf %add3A_870, %mul3A_866 : vector<16xf32>
        %add3A_872 = arith.addf %mul3A_859, %mul3A_863 : vector<16xf32>
        %add3A_873 = arith.addf %add3A_872, %mul3A_867 : vector<16xf32>
        %add3A_874 = arith.addf %mul3A_860, %mul3A_864 : vector<16xf32>
        %add3A_875 = arith.addf %add3A_874, %mul3A_868 : vector<16xf32>
        %add3A_876 = arith.addf %mul3A_861, %mul3A_865 : vector<16xf32>
        %add3A_877 = arith.addf %add3A_876, %mul3A_869 : vector<16xf32>
        %mul3A_878 = arith.constant -2.000000e+00 : f32
        %mul3A_879 = vector.broadcast %mul3A_878 : f32 to vector<16xf32>
        %mul3A_880 = arith.mulf %mul3A_879, %add3A_871 : vector<16xf32>
        %add3A_881 = arith.addf %mul3A_880, %add3A_150 : vector<16xf32>
        %add3A_882 = arith.addf %add3A_881, %get3A_851 : vector<16xf32>
        %mul3A_883 = arith.constant -2.000000e+00 : f32
        %mul3A_884 = vector.broadcast %mul3A_883 : f32 to vector<16xf32>
        %mul3A_885 = arith.mulf %mul3A_884, %add3A_873 : vector<16xf32>
        %add3A_886 = arith.addf %mul3A_885, %add3A_150 : vector<16xf32>
        %add3A_887 = arith.addf %add3A_886, %get3A_853 : vector<16xf32>
        %mul3A_888 = arith.constant -2.000000e+00 : f32
        %mul3A_889 = vector.broadcast %mul3A_888 : f32 to vector<16xf32>
        %mul3A_890 = arith.mulf %mul3A_889, %add3A_875 : vector<16xf32>
        %add3A_891 = arith.addf %mul3A_890, %add3A_150 : vector<16xf32>
        %add3A_892 = arith.addf %add3A_891, %get3A_855 : vector<16xf32>
        %mul3A_893 = arith.constant -2.000000e+00 : f32
        %mul3A_894 = vector.broadcast %mul3A_893 : f32 to vector<16xf32>
        %mul3A_895 = arith.mulf %mul3A_894, %add3A_877 : vector<16xf32>
        %add3A_896 = arith.addf %mul3A_895, %add3A_150 : vector<16xf32>
        %add3A_897 = arith.addf %add3A_896, %get3A_857 : vector<16xf32>
        %le3A_898 = arith.constant 4.000000e-02 : f32
        %le3A_899 = vector.broadcast %le3A_898 : f32 to vector<16xf32>
        %le3A_900 = arith.cmpf ole, %add3A_882, %le3A_899 : vector<16xf32>
        %le3A_901 = arith.constant 4.000000e-02 : f32
        %le3A_902 = vector.broadcast %le3A_901 : f32 to vector<16xf32>
        %le3A_903 = arith.cmpf ole, %add3A_887, %le3A_902 : vector<16xf32>
        %le3A_904 = arith.constant 4.000000e-02 : f32
        %le3A_905 = vector.broadcast %le3A_904 : f32 to vector<16xf32>
        %le3A_906 = arith.cmpf ole, %add3A_892, %le3A_905 : vector<16xf32>
        %le3A_907 = arith.constant 4.000000e-02 : f32
        %le3A_908 = vector.broadcast %le3A_907 : f32 to vector<16xf32>
        %le3A_909 = arith.cmpf ole, %add3A_897, %le3A_908 : vector<16xf32>
        %convert_element_type3A_910 = arith.extui %le3A_900 : vector<16xi1> to vector<16xi32>
        %broadcast_in_dim3A_911 = arith.constant true
        %broadcast_in_dim3A_912 = vector.broadcast %broadcast_in_dim3A_911 : i1 to vector<16xi1>
        %masked_cumsum3A_913 = tpu.scan <sum>, %convert_element_type3A_910 masked %broadcast_in_dim3A_912 : vector<16xi32>, vector<16xi1> -> vector<16xi32>
        %convert_element_type3A_914 = arith.extui %le3A_903 : vector<16xi1> to vector<16xi32>
        %broadcast_in_dim3A_915 = arith.constant true
        %broadcast_in_dim3A_916 = vector.broadcast %broadcast_in_dim3A_915 : i1 to vector<16xi1>
        %masked_cumsum3A_917 = tpu.scan <sum>, %convert_element_type3A_914 masked %broadcast_in_dim3A_916 : vector<16xi32>, vector<16xi1> -> vector<16xi32>
        %convert_element_type3A_918 = arith.extui %le3A_906 : vector<16xi1> to vector<16xi32>
        %broadcast_in_dim3A_919 = arith.constant true
        %broadcast_in_dim3A_920 = vector.broadcast %broadcast_in_dim3A_919 : i1 to vector<16xi1>
        %masked_cumsum3A_921 = tpu.scan <sum>, %convert_element_type3A_918 masked %broadcast_in_dim3A_920 : vector<16xi32>, vector<16xi1> -> vector<16xi32>
        %convert_element_type3A_922 = arith.extui %le3A_909 : vector<16xi1> to vector<16xi32>
        %broadcast_in_dim3A_923 = arith.constant true
        %broadcast_in_dim3A_924 = vector.broadcast %broadcast_in_dim3A_923 : i1 to vector<16xi1>
        %masked_cumsum3A_925 = tpu.scan <sum>, %convert_element_type3A_922 masked %broadcast_in_dim3A_924 : vector<16xi32>, vector<16xi1> -> vector<16xi32>
        %all_reduce_population_count3A_926 = tpu.all_reduce %le3A_900 {dim = 0 : i64, kind = #tpu.reduction_kind<sum>} : vector<16xi1> -> vector<16xi32>
        %all_reduce_population_count3A_927 = tpu.all_reduce %le3A_903 {dim = 0 : i64, kind = #tpu.reduction_kind<sum>} : vector<16xi1> -> vector<16xi32>
        %all_reduce_population_count3A_928 = tpu.all_reduce %le3A_906 {dim = 0 : i64, kind = #tpu.reduction_kind<sum>} : vector<16xi1> -> vector<16xi32>
        %all_reduce_population_count3A_929 = tpu.all_reduce %le3A_909 {dim = 0 : i64, kind = #tpu.reduction_kind<sum>} : vector<16xi1> -> vector<16xi32>
        %add3A_930 = arith.addi %add3A_773, %all_reduce_population_count3A_926 : vector<16xi32>
        %add3A_931 = arith.addi %add3A_930, %all_reduce_population_count3A_927 : vector<16xi32>
        %add3A_932 = arith.addi %add3A_931, %all_reduce_population_count3A_928 : vector<16xi32>
        %add3A_933 = arith.addi %add3A_932, %all_reduce_population_count3A_929 : vector<16xi32>
        %sub3A_934 = arith.constant 1 : i32
        %sub3A_935 = vector.broadcast %sub3A_934 : i32 to vector<16xi32>
        %sub3A_936 = arith.subi %add3A_773, %sub3A_935 : vector<16xi32>
        %add3A_937 = arith.addi %sub3A_936, %masked_cumsum3A_913 : vector<16xi32>
        %add3A_938 = arith.addi %mul3A_807, %mul3A_32 : i32
        %add3A_939 = vector.broadcast %add3A_938 : i32 to vector<16xi32>
        %add3A_940 = arith.addi %iota3A, %add3A_939 : vector<16xi32>
        tpu.vector_store_idx %arg19[%add3A_937], %add3A_940 masked %le3A_900 : memref<160xi32, #tpu.memory_space<vmem>>[vector<16xi32>], vector<16xi32>, vector<16xi1>
        %sub3A_941 = arith.constant 1 : i32
        %sub3A_942 = vector.broadcast %sub3A_941 : i32 to vector<16xi32>
        %sub3A_943 = arith.subi %add3A_930, %sub3A_942 : vector<16xi32>
        %add3A_944 = arith.addi %sub3A_943, %masked_cumsum3A_917 : vector<16xi32>
        %add3A_945 = arith.addi %mul3A_813, %mul3A_32 : i32
        %add3A_946 = vector.broadcast %add3A_945 : i32 to vector<16xi32>
        %add3A_947 = arith.addi %iota3A, %add3A_946 : vector<16xi32>
        tpu.vector_store_idx %arg19[%add3A_944], %add3A_947 masked %le3A_903 : memref<160xi32, #tpu.memory_space<vmem>>[vector<16xi32>], vector<16xi32>, vector<16xi1>
        %sub3A_948 = arith.constant 1 : i32
        %sub3A_949 = vector.broadcast %sub3A_948 : i32 to vector<16xi32>
        %sub3A_950 = arith.subi %add3A_931, %sub3A_949 : vector<16xi32>
        %add3A_951 = arith.addi %sub3A_950, %masked_cumsum3A_921 : vector<16xi32>
        %add3A_952 = arith.addi %mul3A_819, %mul3A_32 : i32
        %add3A_953 = vector.broadcast %add3A_952 : i32 to vector<16xi32>
        %add3A_954 = arith.addi %iota3A, %add3A_953 : vector<16xi32>
        tpu.vector_store_idx %arg19[%add3A_951], %add3A_954 masked %le3A_906 : memref<160xi32, #tpu.memory_space<vmem>>[vector<16xi32>], vector<16xi32>, vector<16xi1>
        %sub3A_955 = arith.constant 1 : i32
        %sub3A_956 = vector.broadcast %sub3A_955 : i32 to vector<16xi32>
        %sub3A_957 = arith.subi %add3A_932, %sub3A_956 : vector<16xi32>
        %add3A_958 = arith.addi %sub3A_957, %masked_cumsum3A_925 : vector<16xi32>
        %add3A_959 = arith.addi %mul3A_825, %mul3A_32 : i32
        %add3A_960 = vector.broadcast %add3A_959 : i32 to vector<16xi32>
        %add3A_961 = arith.addi %iota3A, %add3A_960 : vector<16xi32>
        tpu.vector_store_idx %arg19[%add3A_958], %add3A_961 masked %le3A_909 : memref<160xi32, #tpu.memory_space<vmem>>[vector<16xi32>], vector<16xi32>, vector<16xi1>
        %add3A_962 = arith.constant 8 : i32
        %add3A_963 = arith.addi %while3A_643, %add3A_962 : i32
        scf.yield %add3A_963, %add3A_933 : i32, vector<16xi32>
      }
      %get3A_206 = arith.constant 0 : index
      %get3A_207 = tpu.vector_load %arg19[%get3A_206] {strides = array<i32>} : memref<160xi32, #tpu.memory_space<vmem>>, vector<16xi32>,
      %swap3A_208 = arith.constant 0 : index
      %swap3A_209 = tpu.vector_load %arg22[%swap3A_208] {strides = array<i32>} : memref<16xi32, #tpu.memory_space<vmem>>, vector<16xi32>,
      tpu.vector_store %arg22[%swap3A_208], %get3A_207 {strides = array<i32>} : memref<16xi32, #tpu.memory_space<vmem>>, vector<16xi32>,
      %get3A_210 = arith.constant 16 : index
      %get3A_211 = tpu.vector_load %arg19[%get3A_210] {strides = array<i32>} : memref<160xi32, #tpu.memory_space<vmem>>, vector<16xi32>,
      %swap3A_212 = arith.constant 0 : index
      %swap3A_213 = tpu.vector_load %arg23[%swap3A_212] {strides = array<i32>} : memref<16xi32, #tpu.memory_space<vmem>>, vector<16xi32>,
      tpu.vector_store %arg23[%swap3A_212], %get3A_211 {strides = array<i32>} : memref<16xi32, #tpu.memory_space<vmem>>, vector<16xi32>,
      %dma_start3A_214 = arith.constant 0 : i32
      %dma_start3A_215 = arith.constant 0 : i32
      %dma_start3A_216 = tpu.memref_slice %arg9[%dma_start3A_214, %dma_start3A_215] : memref<32768x256xf32, #tpu.memory_space<hbm>> -> memref<32768x256xf32, #tpu.memory_space<hbm>>
      tpu.enqueue_indirect_dma source(%dma_start3A_216 : memref<32768x256xf32, #tpu.memory_space<hbm>>) target(%arg26 : memref<16x256xf32, #tpu.memory_space<vmem>>) offsets(%arg22 : memref<16xi32, #tpu.memory_space<vmem>>) semaphore(%arg30 : memref<!tpu.dma_semaphore, #tpu.memory_space<semaphore_mem>>)
      %dma_start3A_217 = arith.constant 0 : i32
      %dma_start3A_218 = arith.constant 0 : i32
      %dma_start3A_219 = tpu.memref_slice %arg9[%dma_start3A_217, %dma_start3A_218] : memref<32768x256xf32, #tpu.memory_space<hbm>> -> memref<32768x256xf32, #tpu.memory_space<hbm>>
      tpu.enqueue_indirect_dma source(%dma_start3A_219 : memref<32768x256xf32, #tpu.memory_space<hbm>>) target(%arg27 : memref<16x256xf32, #tpu.memory_space<vmem>>) offsets(%arg23 : memref<16xi32, #tpu.memory_space<vmem>>) semaphore(%arg30 : memref<!tpu.dma_semaphore, #tpu.memory_space<semaphore_mem>>)
      %dma_wait3A = arith.constant 0 : i32
      %dma_wait3A_220 = arith.constant 0 : i32
      %dma_wait3A_221 = tpu.memref_slice %arg9[%dma_wait3A, %dma_wait3A_220] : memref<32768x256xf32, #tpu.memory_space<hbm>> -> memref<16x256xf32, #tpu.memory_space<hbm>>
      %dma_wait3A_222 = arith.constant 0 : i32
      %dma_wait3A_223 = arith.constant 0 : i32
      %dma_wait3A_224 = tpu.memref_slice %arg9[%dma_wait3A_222, %dma_wait3A_223] : memref<32768x256xf32, #tpu.memory_space<hbm>> -> memref<16x256xf32, #tpu.memory_space<hbm>>
      tpu.wait_dma2 semaphore(%arg29 : memref<!tpu.dma_semaphore, #tpu.memory_space<semaphore_mem>>) src(%dma_wait3A_224 : memref<16x256xf32, #tpu.memory_space<hbm>>) dst(%arg24 : memref<16x256xf32, #tpu.memory_space<vmem>>)
      %dma_wait3A_225 = arith.constant 0 : i32
      %dma_wait3A_226 = arith.constant 0 : i32
      %dma_wait3A_227 = tpu.memref_slice %arg9[%dma_wait3A_225, %dma_wait3A_226] : memref<32768x256xf32, #tpu.memory_space<hbm>> -> memref<16x256xf32, #tpu.memory_space<hbm>>
      %dma_wait3A_228 = arith.constant 0 : i32
      %dma_wait3A_229 = arith.constant 0 : i32
      %dma_wait3A_230 = tpu.memref_slice %arg9[%dma_wait3A_228, %dma_wait3A_229] : memref<32768x256xf32, #tpu.memory_space<hbm>> -> memref<16x256xf32, #tpu.memory_space<hbm>>
      tpu.wait_dma2 semaphore(%arg29 : memref<!tpu.dma_semaphore, #tpu.memory_space<semaphore_mem>>) src(%dma_wait3A_230 : memref<16x256xf32, #tpu.memory_space<hbm>>) dst(%arg25 : memref<16x256xf32, #tpu.memory_space<vmem>>)
      %get3A_231 = arith.constant 0 : i32
      %get3A_232 = arith.index_cast %get3A_231 : i32 to index
      %get3A_233 = arith.constant 0 : index
      %get3A_234 = tpu.vector_load %arg24[%get3A_232, %get3A_233] {strides = array<i32>} : memref<16x256xf32, #tpu.memory_space<vmem>>, vector<16xf32>,
      %get3A_235 = arith.constant 0 : i32
      %get3A_236 = arith.index_cast %get3A_235 : i32 to index
      %get3A_237 = arith.constant 0 : index
      %get3A_238 = tpu.vector_load %arg25[%get3A_236, %get3A_237] {strides = array<i32>} : memref<16x256xf32, #tpu.memory_space<vmem>>, vector<16xf32>,
      %max3A = arith.maximumf %get3A_234, %get3A_238 : vector<16xf32>
      %get3A_239 = arith.constant 0 : i32
      %get3A_240 = arith.index_cast %get3A_239 : i32 to index
      %get3A_241 = arith.constant 16 : index
      %get3A_242 = tpu.vector_load %arg24[%get3A_240, %get3A_241] {strides = array<i32>} : memref<16x256xf32, #tpu.memory_space<vmem>>, vector<16xf32>,
      %get3A_243 = arith.constant 0 : i32
      %get3A_244 = arith.index_cast %get3A_243 : i32 to index
      %get3A_245 = arith.constant 16 : index
      %get3A_246 = tpu.vector_load %arg25[%get3A_244, %get3A_245] {strides = array<i32>} : memref<16x256xf32, #tpu.memory_space<vmem>>, vector<16xf32>,
      %max3A_247 = arith.maximumf %get3A_242, %get3A_246 : vector<16xf32>
      %get3A_248 = arith.constant 0 : i32
      %get3A_249 = arith.index_cast %get3A_248 : i32 to index
      %get3A_250 = arith.constant 32 : index
      %get3A_251 = tpu.vector_load %arg24[%get3A_249, %get3A_250] {strides = array<i32>} : memref<16x256xf32, #tpu.memory_space<vmem>>, vector<16xf32>,
      %get3A_252 = arith.constant 0 : i32
      %get3A_253 = arith.index_cast %get3A_252 : i32 to index
      %get3A_254 = arith.constant 32 : index
      %get3A_255 = tpu.vector_load %arg25[%get3A_253, %get3A_254] {strides = array<i32>} : memref<16x256xf32, #tpu.memory_space<vmem>>, vector<16xf32>,
      %max3A_256 = arith.maximumf %get3A_251, %get3A_255 : vector<16xf32>
      %get3A_257 = arith.constant 0 : i32
      %get3A_258 = arith.index_cast %get3A_257 : i32 to index
      %get3A_259 = arith.constant 48 : index
      %get3A_260 = tpu.vector_load %arg24[%get3A_258, %get3A_259] {strides = array<i32>} : memref<16x256xf32, #tpu.memory_space<vmem>>, vector<16xf32>,
      %get3A_261 = arith.constant 0 : i32
      %get3A_262 = arith.index_cast %get3A_261 : i32 to index
      %get3A_263 = arith.constant 48 : index
      %get3A_264 = tpu.vector_load %arg25[%get3A_262, %get3A_263] {strides = array<i32>} : memref<16x256xf32, #tpu.memory_space<vmem>>, vector<16xf32>,
      %max3A_265 = arith.maximumf %get3A_260, %get3A_264 : vector<16xf32>
      %get3A_266 = arith.constant 0 : i32
      %get3A_267 = arith.index_cast %get3A_266 : i32 to index
      %get3A_268 = arith.constant 64 : index
      %get3A_269 = tpu.vector_load %arg24[%get3A_267, %get3A_268] {strides = array<i32>} : memref<16x256xf32, #tpu.memory_space<vmem>>, vector<16xf32>,
      %get3A_270 = arith.constant 0 : i32
      %get3A_271 = arith.index_cast %get3A_270 : i32 to index
      %get3A_272 = arith.constant 64 : index
      %get3A_273 = tpu.vector_load %arg25[%get3A_271, %get3A_272] {strides = array<i32>} : memref<16x256xf32, #tpu.memory_space<vmem>>, vector<16xf32>,
      %max3A_274 = arith.maximumf %get3A_269, %get3A_273 : vector<16xf32>
      %get3A_275 = arith.constant 0 : i32
      %get3A_276 = arith.index_cast %get3A_275 : i32 to index
      %get3A_277 = arith.constant 80 : index
      %get3A_278 = tpu.vector_load %arg24[%get3A_276, %get3A_277] {strides = array<i32>} : memref<16x256xf32, #tpu.memory_space<vmem>>, vector<16xf32>,
      %get3A_279 = arith.constant 0 : i32
      %get3A_280 = arith.index_cast %get3A_279 : i32 to index
      %get3A_281 = arith.constant 80 : index
      %get3A_282 = tpu.vector_load %arg25[%get3A_280, %get3A_281] {strides = array<i32>} : memref<16x256xf32, #tpu.memory_space<vmem>>, vector<16xf32>,
      %max3A_283 = arith.maximumf %get3A_278, %get3A_282 : vector<16xf32>
      %get3A_284 = arith.constant 0 : i32
      %get3A_285 = arith.index_cast %get3A_284 : i32 to index
      %get3A_286 = arith.constant 96 : index
      %get3A_287 = tpu.vector_load %arg24[%get3A_285, %get3A_286] {strides = array<i32>} : memref<16x256xf32, #tpu.memory_space<vmem>>, vector<16xf32>,
      %get3A_288 = arith.constant 0 : i32
      %get3A_289 = arith.index_cast %get3A_288 : i32 to index
      %get3A_290 = arith.constant 96 : index
      %get3A_291 = tpu.vector_load %arg25[%get3A_289, %get3A_290] {strides = array<i32>} : memref<16x256xf32, #tpu.memory_space<vmem>>, vector<16xf32>,
      %max3A_292 = arith.maximumf %get3A_287, %get3A_291 : vector<16xf32>
      %get3A_293 = arith.constant 0 : i32
      %get3A_294 = arith.index_cast %get3A_293 : i32 to index
      %get3A_295 = arith.constant 112 : index
      %get3A_296 = tpu.vector_load %arg24[%get3A_294, %get3A_295] {strides = array<i32>} : memref<16x256xf32, #tpu.memory_space<vmem>>, vector<16xf32>,
      %get3A_297 = arith.constant 0 : i32
      %get3A_298 = arith.index_cast %get3A_297 : i32 to index
      %get3A_299 = arith.constant 112 : index
      %get3A_300 = tpu.vector_load %arg25[%get3A_298, %get3A_299] {strides = array<i32>} : memref<16x256xf32, #tpu.memory_space<vmem>>, vector<16xf32>,
      %max3A_301 = arith.maximumf %get3A_296, %get3A_300 : vector<16xf32>
      %get3A_302 = arith.constant 0 : i32
      %get3A_303 = arith.index_cast %get3A_302 : i32 to index
      %get3A_304 = arith.constant 128 : index
      %get3A_305 = tpu.vector_load %arg24[%get3A_303, %get3A_304] {strides = array<i32>} : memref<16x256xf32, #tpu.memory_space<vmem>>, vector<16xf32>,
      %get3A_306 = arith.constant 0 : i32
      %get3A_307 = arith.index_cast %get3A_306 : i32 to index
      %get3A_308 = arith.constant 128 : index
      %get3A_309 = tpu.vector_load %arg25[%get3A_307, %get3A_308] {strides = array<i32>} : memref<16x256xf32, #tpu.memory_space<vmem>>, vector<16xf32>,
      %max3A_310 = arith.maximumf %get3A_305, %get3A_309 : vector<16xf32>
      %get3A_311 = arith.constant 0 : i32
      %get3A_312 = arith.index_cast %get3A_311 : i32 to index
      %get3A_313 = arith.constant 144 : index
      %get3A_314 = tpu.vector_load %arg24[%get3A_312, %get3A_313] {strides = array<i32>} : memref<16x256xf32, #tpu.memory_space<vmem>>, vector<16xf32>,
      %get3A_315 = arith.constant 0 : i32
      %get3A_316 = arith.index_cast %get3A_315 : i32 to index
      %get3A_317 = arith.constant 144 : index
      %get3A_318 = tpu.vector_load %arg25[%get3A_316, %get3A_317] {strides = array<i32>} : memref<16x256xf32, #tpu.memory_space<vmem>>, vector<16xf32>,
      %max3A_319 = arith.maximumf %get3A_314, %get3A_318 : vector<16xf32>
      %get3A_320 = arith.constant 0 : i32
      %get3A_321 = arith.index_cast %get3A_320 : i32 to index
      %get3A_322 = arith.constant 160 : index
      %get3A_323 = tpu.vector_load %arg24[%get3A_321, %get3A_322] {strides = array<i32>} : memref<16x256xf32, #tpu.memory_space<vmem>>, vector<16xf32>,
      %get3A_324 = arith.constant 0 : i32
      %get3A_325 = arith.index_cast %get3A_324 : i32 to index
      %get3A_326 = arith.constant 160 : index
      %get3A_327 = tpu.vector_load %arg25[%get3A_325, %get3A_326] {strides = array<i32>} : memref<16x256xf32, #tpu.memory_space<vmem>>, vector<16xf32>,
      %max3A_328 = arith.maximumf %get3A_323, %get3A_327 : vector<16xf32>
      %get3A_329 = arith.constant 0 : i32
      %get3A_330 = arith.index_cast %get3A_329 : i32 to index
      %get3A_331 = arith.constant 176 : index
      %get3A_332 = tpu.vector_load %arg24[%get3A_330, %get3A_331] {strides = array<i32>} : memref<16x256xf32, #tpu.memory_space<vmem>>, vector<16xf32>,
      %get3A_333 = arith.constant 0 : i32
      %get3A_334 = arith.index_cast %get3A_333 : i32 to index
      %get3A_335 = arith.constant 176 : index
      %get3A_336 = tpu.vector_load %arg25[%get3A_334, %get3A_335] {strides = array<i32>} : memref<16x256xf32, #tpu.memory_space<vmem>>, vector<16xf32>,
      %max3A_337 = arith.maximumf %get3A_332, %get3A_336 : vector<16xf32>
      %get3A_338 = arith.constant 0 : i32
      %get3A_339 = arith.index_cast %get3A_338 : i32 to index
      %get3A_340 = arith.constant 192 : index
      %get3A_341 = tpu.vector_load %arg24[%get3A_339, %get3A_340] {strides = array<i32>} : memref<16x256xf32, #tpu.memory_space<vmem>>, vector<16xf32>,
      %get3A_342 = arith.constant 0 : i32
      %get3A_343 = arith.index_cast %get3A_342 : i32 to index
      %get3A_344 = arith.constant 192 : index
      %get3A_345 = tpu.vector_load %arg25[%get3A_343, %get3A_344] {strides = array<i32>} : memref<16x256xf32, #tpu.memory_space<vmem>>, vector<16xf32>,
      %max3A_346 = arith.maximumf %get3A_341, %get3A_345 : vector<16xf32>
      %get3A_347 = arith.constant 0 : i32
      %get3A_348 = arith.index_cast %get3A_347 : i32 to index
      %get3A_349 = arith.constant 208 : index
      %get3A_350 = tpu.vector_load %arg24[%get3A_348, %get3A_349] {strides = array<i32>} : memref<16x256xf32, #tpu.memory_space<vmem>>, vector<16xf32>,
      %get3A_351 = arith.constant 0 : i32
      %get3A_352 = arith.index_cast %get3A_351 : i32 to index
      %get3A_353 = arith.constant 208 : index
      %get3A_354 = tpu.vector_load %arg25[%get3A_352, %get3A_353] {strides = array<i32>} : memref<16x256xf32, #tpu.memory_space<vmem>>, vector<16xf32>,
      %max3A_355 = arith.maximumf %get3A_350, %get3A_354 : vector<16xf32>
      %get3A_356 = arith.constant 0 : i32
      %get3A_357 = arith.index_cast %get3A_356 : i32 to index
      %get3A_358 = arith.constant 224 : index
      %get3A_359 = tpu.vector_load %arg24[%get3A_357, %get3A_358] {strides = array<i32>} : memref<16x256xf32, #tpu.memory_space<vmem>>, vector<16xf32>,
      %get3A_360 = arith.constant 0 : i32
      %get3A_361 = arith.index_cast %get3A_360 : i32 to index
      %get3A_362 = arith.constant 224 : index
      %get3A_363 = tpu.vector_load %arg25[%get3A_361, %get3A_362] {strides = array<i32>} : memref<16x256xf32, #tpu.memory_space<vmem>>, vector<16xf32>,
      %max3A_364 = arith.maximumf %get3A_359, %get3A_363 : vector<16xf32>
      %get3A_365 = arith.constant 0 : i32
      %get3A_366 = arith.index_cast %get3A_365 : i32 to index
      %get3A_367 = arith.constant 240 : index
      %get3A_368 = tpu.vector_load %arg24[%get3A_366, %get3A_367] {strides = array<i32>} : memref<16x256xf32, #tpu.memory_space<vmem>>, vector<16xf32>,
      %get3A_369 = arith.constant 0 : i32
      %get3A_370 = arith.index_cast %get3A_369 : i32 to index
      %get3A_371 = arith.constant 240 : index
      %get3A_372 = tpu.vector_load %arg25[%get3A_370, %get3A_371] {strides = array<i32>} : memref<16x256xf32, #tpu.memory_space<vmem>>, vector<16xf32>,
      %max3A_373 = arith.maximumf %get3A_368, %get3A_372 : vector<16xf32>
      %scan3A_374 = arith.constant 1 : i32
      %scan3A_375 = arith.constant 15 : i32
      %scan3A_376 = arith.addi %scan3A_374, %scan3A_375 : i32
      %scan3A_377 = arith.constant 1 : i32
      %scan3A_378:16 = scf.for %scan3A_643 = %scan3A_374 to %scan3A_376 step %scan3A_377 iter_args(%scan3A_644 = %max3A, %scan3A_645 = %max3A_247, %scan3A_646 = %max3A_256, %scan3A_647 = %max3A_265, %scan3A_648 = %max3A_274, %scan3A_649 = %max3A_283, %scan3A_650 = %max3A_292, %scan3A_651 = %max3A_301, %scan3A_652 = %max3A_310, %scan3A_653 = %max3A_319, %scan3A_654 = %max3A_328, %scan3A_655 = %max3A_337, %scan3A_656 = %max3A_346, %scan3A_657 = %max3A_355, %scan3A_658 = %max3A_364, %scan3A_659 = %max3A_373) -> (vector<16xf32>, vector<16xf32>, vector<16xf32>, vector<16xf32>, vector<16xf32>, vector<16xf32>, vector<16xf32>, vector<16xf32>, vector<16xf32>, vector<16xf32>, vector<16xf32>, vector<16xf32>, vector<16xf32>, vector<16xf32>, vector<16xf32>, vector<16xf32>)  : i32 {
        %get3A_660 = arith.index_cast %scan3A_643 : i32 to index
        %get3A_661 = arith.constant 0 : index
        %get3A_662 = tpu.vector_load %arg24[%get3A_660, %get3A_661] {strides = array<i32>} : memref<16x256xf32, #tpu.memory_space<vmem>>, vector<16xf32>,
        %max3A_663 = arith.maximumf %scan3A_644, %get3A_662 : vector<16xf32>
        %get3A_664 = arith.index_cast %scan3A_643 : i32 to index
        %get3A_665 = arith.constant 0 : index
        %get3A_666 = tpu.vector_load %arg25[%get3A_664, %get3A_665] {strides = array<i32>} : memref<16x256xf32, #tpu.memory_space<vmem>>, vector<16xf32>,
        %max3A_667 = arith.maximumf %max3A_663, %get3A_666 : vector<16xf32>
        %get3A_668 = arith.index_cast %scan3A_643 : i32 to index
        %get3A_669 = arith.constant 16 : index
        %get3A_670 = tpu.vector_load %arg24[%get3A_668, %get3A_669] {strides = array<i32>} : memref<16x256xf32, #tpu.memory_space<vmem>>, vector<16xf32>,
        %max3A_671 = arith.maximumf %scan3A_645, %get3A_670 : vector<16xf32>
        %get3A_672 = arith.index_cast %scan3A_643 : i32 to index
        %get3A_673 = arith.constant 16 : index
        %get3A_674 = tpu.vector_load %arg25[%get3A_672, %get3A_673] {strides = array<i32>} : memref<16x256xf32, #tpu.memory_space<vmem>>, vector<16xf32>,
        %max3A_675 = arith.maximumf %max3A_671, %get3A_674 : vector<16xf32>
        %get3A_676 = arith.index_cast %scan3A_643 : i32 to index
        %get3A_677 = arith.constant 32 : index
        %get3A_678 = tpu.vector_load %arg24[%get3A_676, %get3A_677] {strides = array<i32>} : memref<16x256xf32, #tpu.memory_space<vmem>>, vector<16xf32>,
        %max3A_679 = arith.maximumf %scan3A_646, %get3A_678 : vector<16xf32>
        %get3A_680 = arith.index_cast %scan3A_643 : i32 to index
        %get3A_681 = arith.constant 32 : index
        %get3A_682 = tpu.vector_load %arg25[%get3A_680, %get3A_681] {strides = array<i32>} : memref<16x256xf32, #tpu.memory_space<vmem>>, vector<16xf32>,
        %max3A_683 = arith.maximumf %max3A_679, %get3A_682 : vector<16xf32>
        %get3A_684 = arith.index_cast %scan3A_643 : i32 to index
        %get3A_685 = arith.constant 48 : index
        %get3A_686 = tpu.vector_load %arg24[%get3A_684, %get3A_685] {strides = array<i32>} : memref<16x256xf32, #tpu.memory_space<vmem>>, vector<16xf32>,
        %max3A_687 = arith.maximumf %scan3A_647, %get3A_686 : vector<16xf32>
        %get3A_688 = arith.index_cast %scan3A_643 : i32 to index
        %get3A_689 = arith.constant 48 : index
        %get3A_690 = tpu.vector_load %arg25[%get3A_688, %get3A_689] {strides = array<i32>} : memref<16x256xf32, #tpu.memory_space<vmem>>, vector<16xf32>,
        %max3A_691 = arith.maximumf %max3A_687, %get3A_690 : vector<16xf32>
        %get3A_692 = arith.index_cast %scan3A_643 : i32 to index
        %get3A_693 = arith.constant 64 : index
        %get3A_694 = tpu.vector_load %arg24[%get3A_692, %get3A_693] {strides = array<i32>} : memref<16x256xf32, #tpu.memory_space<vmem>>, vector<16xf32>,
        %max3A_695 = arith.maximumf %scan3A_648, %get3A_694 : vector<16xf32>
        %get3A_696 = arith.index_cast %scan3A_643 : i32 to index
        %get3A_697 = arith.constant 64 : index
        %get3A_698 = tpu.vector_load %arg25[%get3A_696, %get3A_697] {strides = array<i32>} : memref<16x256xf32, #tpu.memory_space<vmem>>, vector<16xf32>,
        %max3A_699 = arith.maximumf %max3A_695, %get3A_698 : vector<16xf32>
        %get3A_700 = arith.index_cast %scan3A_643 : i32 to index
        %get3A_701 = arith.constant 80 : index
        %get3A_702 = tpu.vector_load %arg24[%get3A_700, %get3A_701] {strides = array<i32>} : memref<16x256xf32, #tpu.memory_space<vmem>>, vector<16xf32>,
        %max3A_703 = arith.maximumf %scan3A_649, %get3A_702 : vector<16xf32>
        %get3A_704 = arith.index_cast %scan3A_643 : i32 to index
        %get3A_705 = arith.constant 80 : index
        %get3A_706 = tpu.vector_load %arg25[%get3A_704, %get3A_705] {strides = array<i32>} : memref<16x256xf32, #tpu.memory_space<vmem>>, vector<16xf32>,
        %max3A_707 = arith.maximumf %max3A_703, %get3A_706 : vector<16xf32>
        %get3A_708 = arith.index_cast %scan3A_643 : i32 to index
        %get3A_709 = arith.constant 96 : index
        %get3A_710 = tpu.vector_load %arg24[%get3A_708, %get3A_709] {strides = array<i32>} : memref<16x256xf32, #tpu.memory_space<vmem>>, vector<16xf32>,
        %max3A_711 = arith.maximumf %scan3A_650, %get3A_710 : vector<16xf32>
        %get3A_712 = arith.index_cast %scan3A_643 : i32 to index
        %get3A_713 = arith.constant 96 : index
        %get3A_714 = tpu.vector_load %arg25[%get3A_712, %get3A_713] {strides = array<i32>} : memref<16x256xf32, #tpu.memory_space<vmem>>, vector<16xf32>,
        %max3A_715 = arith.maximumf %max3A_711, %get3A_714 : vector<16xf32>
        %get3A_716 = arith.index_cast %scan3A_643 : i32 to index
        %get3A_717 = arith.constant 112 : index
        %get3A_718 = tpu.vector_load %arg24[%get3A_716, %get3A_717] {strides = array<i32>} : memref<16x256xf32, #tpu.memory_space<vmem>>, vector<16xf32>,
        %max3A_719 = arith.maximumf %scan3A_651, %get3A_718 : vector<16xf32>
        %get3A_720 = arith.index_cast %scan3A_643 : i32 to index
        %get3A_721 = arith.constant 112 : index
        %get3A_722 = tpu.vector_load %arg25[%get3A_720, %get3A_721] {strides = array<i32>} : memref<16x256xf32, #tpu.memory_space<vmem>>, vector<16xf32>,
        %max3A_723 = arith.maximumf %max3A_719, %get3A_722 : vector<16xf32>
        %get3A_724 = arith.index_cast %scan3A_643 : i32 to index
        %get3A_725 = arith.constant 128 : index
        %get3A_726 = tpu.vector_load %arg24[%get3A_724, %get3A_725] {strides = array<i32>} : memref<16x256xf32, #tpu.memory_space<vmem>>, vector<16xf32>,
        %max3A_727 = arith.maximumf %scan3A_652, %get3A_726 : vector<16xf32>
        %get3A_728 = arith.index_cast %scan3A_643 : i32 to index
        %get3A_729 = arith.constant 128 : index
        %get3A_730 = tpu.vector_load %arg25[%get3A_728, %get3A_729] {strides = array<i32>} : memref<16x256xf32, #tpu.memory_space<vmem>>, vector<16xf32>,
        %max3A_731 = arith.maximumf %max3A_727, %get3A_730 : vector<16xf32>
        %get3A_732 = arith.index_cast %scan3A_643 : i32 to index
        %get3A_733 = arith.constant 144 : index
        %get3A_734 = tpu.vector_load %arg24[%get3A_732, %get3A_733] {strides = array<i32>} : memref<16x256xf32, #tpu.memory_space<vmem>>, vector<16xf32>,
        %max3A_735 = arith.maximumf %scan3A_653, %get3A_734 : vector<16xf32>
        %get3A_736 = arith.index_cast %scan3A_643 : i32 to index
        %get3A_737 = arith.constant 144 : index
        %get3A_738 = tpu.vector_load %arg25[%get3A_736, %get3A_737] {strides = array<i32>} : memref<16x256xf32, #tpu.memory_space<vmem>>, vector<16xf32>,
        %max3A_739 = arith.maximumf %max3A_735, %get3A_738 : vector<16xf32>
        %get3A_740 = arith.index_cast %scan3A_643 : i32 to index
        %get3A_741 = arith.constant 160 : index
        %get3A_742 = tpu.vector_load %arg24[%get3A_740, %get3A_741] {strides = array<i32>} : memref<16x256xf32, #tpu.memory_space<vmem>>, vector<16xf32>,
        %max3A_743 = arith.maximumf %scan3A_654, %get3A_742 : vector<16xf32>
        %get3A_744 = arith.index_cast %scan3A_643 : i32 to index
        %get3A_745 = arith.constant 160 : index
        %get3A_746 = tpu.vector_load %arg25[%get3A_744, %get3A_745] {strides = array<i32>} : memref<16x256xf32, #tpu.memory_space<vmem>>, vector<16xf32>,
        %max3A_747 = arith.maximumf %max3A_743, %get3A_746 : vector<16xf32>
        %get3A_748 = arith.index_cast %scan3A_643 : i32 to index
        %get3A_749 = arith.constant 176 : index
        %get3A_750 = tpu.vector_load %arg24[%get3A_748, %get3A_749] {strides = array<i32>} : memref<16x256xf32, #tpu.memory_space<vmem>>, vector<16xf32>,
        %max3A_751 = arith.maximumf %scan3A_655, %get3A_750 : vector<16xf32>
        %get3A_752 = arith.index_cast %scan3A_643 : i32 to index
        %get3A_753 = arith.constant 176 : index
        %get3A_754 = tpu.vector_load %arg25[%get3A_752, %get3A_753] {strides = array<i32>} : memref<16x256xf32, #tpu.memory_space<vmem>>, vector<16xf32>,
        %max3A_755 = arith.maximumf %max3A_751, %get3A_754 : vector<16xf32>
        %get3A_756 = arith.index_cast %scan3A_643 : i32 to index
        %get3A_757 = arith.constant 192 : index
        %get3A_758 = tpu.vector_load %arg24[%get3A_756, %get3A_757] {strides = array<i32>} : memref<16x256xf32, #tpu.memory_space<vmem>>, vector<16xf32>,
        %max3A_759 = arith.maximumf %scan3A_656, %get3A_758 : vector<16xf32>
        %get3A_760 = arith.index_cast %scan3A_643 : i32 to index
        %get3A_761 = arith.constant 192 : index
        %get3A_762 = tpu.vector_load %arg25[%get3A_760, %get3A_761] {strides = array<i32>} : memref<16x256xf32, #tpu.memory_space<vmem>>, vector<16xf32>,
        %max3A_763 = arith.maximumf %max3A_759, %get3A_762 : vector<16xf32>
        %get3A_764 = arith.index_cast %scan3A_643 : i32 to index
        %get3A_765 = arith.constant 208 : index
        %get3A_766 = tpu.vector_load %arg24[%get3A_764, %get3A_765] {strides = array<i32>} : memref<16x256xf32, #tpu.memory_space<vmem>>, vector<16xf32>,
        %max3A_767 = arith.maximumf %scan3A_657, %get3A_766 : vector<16xf32>
        %get3A_768 = arith.index_cast %scan3A_643 : i32 to index
        %get3A_769 = arith.constant 208 : index
        %get3A_770 = tpu.vector_load %arg25[%get3A_768, %get3A_769] {strides = array<i32>} : memref<16x256xf32, #tpu.memory_space<vmem>>, vector<16xf32>,
        %max3A_771 = arith.maximumf %max3A_767, %get3A_770 : vector<16xf32>
        %get3A_772 = arith.index_cast %scan3A_643 : i32 to index
        %get3A_773 = arith.constant 224 : index
        %get3A_774 = tpu.vector_load %arg24[%get3A_772, %get3A_773] {strides = array<i32>} : memref<16x256xf32, #tpu.memory_space<vmem>>, vector<16xf32>,
        %max3A_775 = arith.maximumf %scan3A_658, %get3A_774 : vector<16xf32>
        %get3A_776 = arith.index_cast %scan3A_643 : i32 to index
        %get3A_777 = arith.constant 224 : index
        %get3A_778 = tpu.vector_load %arg25[%get3A_776, %get3A_777] {strides = array<i32>} : memref<16x256xf32, #tpu.memory_space<vmem>>, vector<16xf32>,
        %max3A_779 = arith.maximumf %max3A_775, %get3A_778 : vector<16xf32>
        %get3A_780 = arith.index_cast %scan3A_643 : i32 to index
        %get3A_781 = arith.constant 240 : index
        %get3A_782 = tpu.vector_load %arg24[%get3A_780, %get3A_781] {strides = array<i32>} : memref<16x256xf32, #tpu.memory_space<vmem>>, vector<16xf32>,
        %max3A_783 = arith.maximumf %scan3A_659, %get3A_782 : vector<16xf32>
        %get3A_784 = arith.index_cast %scan3A_643 : i32 to index
        %get3A_785 = arith.constant 240 : index
        %get3A_786 = tpu.vector_load %arg25[%get3A_784, %get3A_785] {strides = array<i32>} : memref<16x256xf32, #tpu.memory_space<vmem>>, vector<16xf32>,
        %max3A_787 = arith.maximumf %max3A_783, %get3A_786 : vector<16xf32>
        scf.yield %max3A_667, %max3A_675, %max3A_683, %max3A_691, %max3A_699, %max3A_707, %max3A_715, %max3A_723, %max3A_731, %max3A_739, %max3A_747, %max3A_755, %max3A_763, %max3A_771, %max3A_779, %max3A_787 : vector<16xf32>, vector<16xf32>, vector<16xf32>, vector<16xf32>, vector<16xf32>, vector<16xf32>, vector<16xf32>, vector<16xf32>, vector<16xf32>, vector<16xf32>, vector<16xf32>, vector<16xf32>, vector<16xf32>, vector<16xf32>, vector<16xf32>, vector<16xf32>
      }
      %scan3A_379 = arith.constant 15 : i32
      %swap3A_380 = arith.index_cast %mul3A_133 : i32 to index
      %swap3A_381 = arith.constant 0 : index
      %swap3A_382 = tpu.vector_load %arg28[%swap3A_380, %swap3A_381] {strides = array<i32>} : memref<128x256xf32, #tpu.memory_space<vmem>>, vector<16xf32>,
      tpu.vector_store %arg28[%swap3A_380, %swap3A_381], %scan3A_378#0 {strides = array<i32>} : memref<128x256xf32, #tpu.memory_space<vmem>>, vector<16xf32>,
      %swap3A_383 = arith.index_cast %mul3A_133 : i32 to index
      %swap3A_384 = arith.constant 16 : index
      %swap3A_385 = tpu.vector_load %arg28[%swap3A_383, %swap3A_384] {strides = array<i32>} : memref<128x256xf32, #tpu.memory_space<vmem>>, vector<16xf32>,
      tpu.vector_store %arg28[%swap3A_383, %swap3A_384], %scan3A_378#1 {strides = array<i32>} : memref<128x256xf32, #tpu.memory_space<vmem>>, vector<16xf32>,
      %swap3A_386 = arith.index_cast %mul3A_133 : i32 to index
      %swap3A_387 = arith.constant 32 : index
      %swap3A_388 = tpu.vector_load %arg28[%swap3A_386, %swap3A_387] {strides = array<i32>} : memref<128x256xf32, #tpu.memory_space<vmem>>, vector<16xf32>,
      tpu.vector_store %arg28[%swap3A_386, %swap3A_387], %scan3A_378#2 {strides = array<i32>} : memref<128x256xf32, #tpu.memory_space<vmem>>, vector<16xf32>,
      %swap3A_389 = arith.index_cast %mul3A_133 : i32 to index
      %swap3A_390 = arith.constant 48 : index
      %swap3A_391 = tpu.vector_load %arg28[%swap3A_389, %swap3A_390] {strides = array<i32>} : memref<128x256xf32, #tpu.memory_space<vmem>>, vector<16xf32>,
      tpu.vector_store %arg28[%swap3A_389, %swap3A_390], %scan3A_378#3 {strides = array<i32>} : memref<128x256xf32, #tpu.memory_space<vmem>>, vector<16xf32>,
      %swap3A_392 = arith.index_cast %mul3A_133 : i32 to index
      %swap3A_393 = arith.constant 64 : index
      %swap3A_394 = tpu.vector_load %arg28[%swap3A_392, %swap3A_393] {strides = array<i32>} : memref<128x256xf32, #tpu.memory_space<vmem>>, vector<16xf32>,
      tpu.vector_store %arg28[%swap3A_392, %swap3A_393], %scan3A_378#4 {strides = array<i32>} : memref<128x256xf32, #tpu.memory_space<vmem>>, vector<16xf32>,
      %swap3A_395 = arith.index_cast %mul3A_133 : i32 to index
      %swap3A_396 = arith.constant 80 : index
      %swap3A_397 = tpu.vector_load %arg28[%swap3A_395, %swap3A_396] {strides = array<i32>} : memref<128x256xf32, #tpu.memory_space<vmem>>, vector<16xf32>,
      tpu.vector_store %arg28[%swap3A_395, %swap3A_396], %scan3A_378#5 {strides = array<i32>} : memref<128x256xf32, #tpu.memory_space<vmem>>, vector<16xf32>,
      %swap3A_398 = arith.index_cast %mul3A_133 : i32 to index
      %swap3A_399 = arith.constant 96 : index
      %swap3A_400 = tpu.vector_load %arg28[%swap3A_398, %swap3A_399] {strides = array<i32>} : memref<128x256xf32, #tpu.memory_space<vmem>>, vector<16xf32>,
      tpu.vector_store %arg28[%swap3A_398, %swap3A_399], %scan3A_378#6 {strides = array<i32>} : memref<128x256xf32, #tpu.memory_space<vmem>>, vector<16xf32>,
      %swap3A_401 = arith.index_cast %mul3A_133 : i32 to index
      %swap3A_402 = arith.constant 112 : index
      %swap3A_403 = tpu.vector_load %arg28[%swap3A_401, %swap3A_402] {strides = array<i32>} : memref<128x256xf32, #tpu.memory_space<vmem>>, vector<16xf32>,
      tpu.vector_store %arg28[%swap3A_401, %swap3A_402], %scan3A_378#7 {strides = array<i32>} : memref<128x256xf32, #tpu.memory_space<vmem>>, vector<16xf32>,
      %swap3A_404 = arith.index_cast %mul3A_133 : i32 to index
      %swap3A_405 = arith.constant 128 : index
      %swap3A_406 = tpu.vector_load %arg28[%swap3A_404, %swap3A_405] {strides = array<i32>} : memref<128x256xf32, #tpu.memory_space<vmem>>, vector<16xf32>,
      tpu.vector_store %arg28[%swap3A_404, %swap3A_405], %scan3A_378#8 {strides = array<i32>} : memref<128x256xf32, #tpu.memory_space<vmem>>, vector<16xf32>,
      %swap3A_407 = arith.index_cast %mul3A_133 : i32 to index
      %swap3A_408 = arith.constant 144 : index
      %swap3A_409 = tpu.vector_load %arg28[%swap3A_407, %swap3A_408] {strides = array<i32>} : memref<128x256xf32, #tpu.memory_space<vmem>>, vector<16xf32>,
      tpu.vector_store %arg28[%swap3A_407, %swap3A_408], %scan3A_378#9 {strides = array<i32>} : memref<128x256xf32, #tpu.memory_space<vmem>>, vector<16xf32>,
      %swap3A_410 = arith.index_cast %mul3A_133 : i32 to index
      %swap3A_411 = arith.constant 160 : index
      %swap3A_412 = tpu.vector_load %arg28[%swap3A_410, %swap3A_411] {strides = array<i32>} : memref<128x256xf32, #tpu.memory_space<vmem>>, vector<16xf32>,
      tpu.vector_store %arg28[%swap3A_410, %swap3A_411], %scan3A_378#10 {strides = array<i32>} : memref<128x256xf32, #tpu.memory_space<vmem>>, vector<16xf32>,
      %swap3A_413 = arith.index_cast %mul3A_133 : i32 to index
      %swap3A_414 = arith.constant 176 : index
      %swap3A_415 = tpu.vector_load %arg28[%swap3A_413, %swap3A_414] {strides = array<i32>} : memref<128x256xf32, #tpu.memory_space<vmem>>, vector<16xf32>,
      tpu.vector_store %arg28[%swap3A_413, %swap3A_414], %scan3A_378#11 {strides = array<i32>} : memref<128x256xf32, #tpu.memory_space<vmem>>, vector<16xf32>,
      %swap3A_416 = arith.index_cast %mul3A_133 : i32 to index
      %swap3A_417 = arith.constant 192 : index
      %swap3A_418 = tpu.vector_load %arg28[%swap3A_416, %swap3A_417] {strides = array<i32>} : memref<128x256xf32, #tpu.memory_space<vmem>>, vector<16xf32>,
      tpu.vector_store %arg28[%swap3A_416, %swap3A_417], %scan3A_378#12 {strides = array<i32>} : memref<128x256xf32, #tpu.memory_space<vmem>>, vector<16xf32>,
      %swap3A_419 = arith.index_cast %mul3A_133 : i32 to index
      %swap3A_420 = arith.constant 208 : index
      %swap3A_421 = tpu.vector_load %arg28[%swap3A_419, %swap3A_420] {strides = array<i32>} : memref<128x256xf32, #tpu.memory_space<vmem>>, vector<16xf32>,
      tpu.vector_store %arg28[%swap3A_419, %swap3A_420], %scan3A_378#13 {strides = array<i32>} : memref<128x256xf32, #tpu.memory_space<vmem>>, vector<16xf32>,
      %swap3A_422 = arith.index_cast %mul3A_133 : i32 to index
      %swap3A_423 = arith.constant 224 : index
      %swap3A_424 = tpu.vector_load %arg28[%swap3A_422, %swap3A_423] {strides = array<i32>} : memref<128x256xf32, #tpu.memory_space<vmem>>, vector<16xf32>,
      tpu.vector_store %arg28[%swap3A_422, %swap3A_423], %scan3A_378#14 {strides = array<i32>} : memref<128x256xf32, #tpu.memory_space<vmem>>, vector<16xf32>,
      %swap3A_425 = arith.index_cast %mul3A_133 : i32 to index
      %swap3A_426 = arith.constant 240 : index
      %swap3A_427 = tpu.vector_load %arg28[%swap3A_425, %swap3A_426] {strides = array<i32>} : memref<128x256xf32, #tpu.memory_space<vmem>>, vector<16xf32>,
      tpu.vector_store %arg28[%swap3A_425, %swap3A_426], %scan3A_378#15 {strides = array<i32>} : memref<128x256xf32, #tpu.memory_space<vmem>>, vector<16xf32>,
      %add3A_428 = arith.constant 1 : i32
      %add3A_429 = arith.addi %add3A_135, %add3A_428 : i32
      %lt3A_430 = arith.constant 128 : i32
      %lt3A_431 = arith.cmpi slt, %add3A_429, %lt3A_430 : i32
      %convert_element_type3A = arith.extui %lt3A_431 : i1 to i32
      %cond3A = arith.constant 0 : i32
      %cond3A_432 = arith.cmpi ne, %convert_element_type3A, %cond3A : i32
      scf.if %cond3A_432 {
        %add3A_643 = arith.constant 1 : i32
        %add3A_644 = arith.addi %add3A_135, %add3A_643 : i32
        %mul3A_645 = arith.constant 4 : i32
        %mul3A_646 = arith.muli %mul3A_645, %add3A_644 : i32
        %add3A_647 = arith.addi %select_n3A_30, %mul3A_646 : i32
        %broadcast_in_dim3A_648 = vector.broadcast %add3A_647 : i32 to vector<16xi32>
        %gather3A_649 = tpu.vector_load_idx %arg15[%broadcast_in_dim3A_648] : memref<512xf32, #tpu.memory_space<vmem>>[vector<16xi32>], vector<16xf32>,
        %gather3A_650 = tpu.vector_load_idx %arg16[%broadcast_in_dim3A_648] : memref<512xf32, #tpu.memory_space<vmem>>[vector<16xi32>], vector<16xf32>,
        %gather3A_651 = tpu.vector_load_idx %arg17[%broadcast_in_dim3A_648] : memref<512xf32, #tpu.memory_space<vmem>>[vector<16xi32>], vector<16xf32>,
        %gather3A_652 = tpu.vector_load_idx %arg18[%broadcast_in_dim3A_648] : memref<512xi32, #tpu.memory_space<vmem>>[vector<16xi32>], vector<16xi32>,
        %add3A_653 = vector.broadcast %mul3A_32 : i32 to vector<16xi32>
        %add3A_654 = arith.addi %gather3A_652, %add3A_653 : vector<16xi32>
        %mul3A_655 = arith.mulf %gather3A_649, %gather3A_649 : vector<16xf32>
        %mul3A_656 = arith.mulf %gather3A_650, %gather3A_650 : vector<16xf32>
        %add3A_657 = arith.addf %mul3A_655, %mul3A_656 : vector<16xf32>
        %mul3A_658 = arith.mulf %gather3A_651, %gather3A_651 : vector<16xf32>
        %add3A_659 = arith.addf %add3A_657, %mul3A_658 : vector<16xf32>
        %bitcast3A_660 = vector.bitcast %gather3A_649 : vector<16xf32> to vector<16xi32>
        %shift_right_arithmetic3A_661 = arith.constant 16 : i32
        %shift_right_arithmetic3A_662 = vector.broadcast %shift_right_arithmetic3A_661 : i32 to vector<16xi32>
        %shift_right_arithmetic3A_663 = arith.shrsi %bitcast3A_660, %shift_right_arithmetic3A_662 : vector<16xi32>
        %and3A_664 = arith.constant 1 : i32
        %and3A_665 = vector.broadcast %and3A_664 : i32 to vector<16xi32>
        %and3A_666 = arith.andi %shift_right_arithmetic3A_663, %and3A_665 : vector<16xi32>
        %add3A_667 = arith.constant 32767 : i32
        %add3A_668 = vector.broadcast %add3A_667 : i32 to vector<16xi32>
        %add3A_669 = arith.addi %add3A_668, %and3A_666 : vector<16xi32>
        %add3A_670 = arith.addi %bitcast3A_660, %add3A_669 : vector<16xi32>
        %and3A_671 = arith.constant -65536 : i32
        %and3A_672 = vector.broadcast %and3A_671 : i32 to vector<16xi32>
        %and3A_673 = arith.andi %add3A_670, %and3A_672 : vector<16xi32>
        %bitcast3A_674 = vector.bitcast %and3A_673 : vector<16xi32> to vector<16xf32>
        %bitcast3A_675 = vector.bitcast %gather3A_650 : vector<16xf32> to vector<16xi32>
        %shift_right_arithmetic3A_676 = arith.constant 16 : i32
        %shift_right_arithmetic3A_677 = vector.broadcast %shift_right_arithmetic3A_676 : i32 to vector<16xi32>
        %shift_right_arithmetic3A_678 = arith.shrsi %bitcast3A_675, %shift_right_arithmetic3A_677 : vector<16xi32>
        %and3A_679 = arith.constant 1 : i32
        %and3A_680 = vector.broadcast %and3A_679 : i32 to vector<16xi32>
        %and3A_681 = arith.andi %shift_right_arithmetic3A_678, %and3A_680 : vector<16xi32>
        %add3A_682 = arith.constant 32767 : i32
        %add3A_683 = vector.broadcast %add3A_682 : i32 to vector<16xi32>
        %add3A_684 = arith.addi %add3A_683, %and3A_681 : vector<16xi32>
        %add3A_685 = arith.addi %bitcast3A_675, %add3A_684 : vector<16xi32>
        %and3A_686 = arith.constant -65536 : i32
        %and3A_687 = vector.broadcast %and3A_686 : i32 to vector<16xi32>
        %and3A_688 = arith.andi %add3A_685, %and3A_687 : vector<16xi32>
        %bitcast3A_689 = vector.bitcast %and3A_688 : vector<16xi32> to vector<16xf32>
        %bitcast3A_690 = vector.bitcast %gather3A_651 : vector<16xf32> to vector<16xi32>
        %shift_right_arithmetic3A_691 = arith.constant 16 : i32
        %shift_right_arithmetic3A_692 = vector.broadcast %shift_right_arithmetic3A_691 : i32 to vector<16xi32>
        %shift_right_arithmetic3A_693 = arith.shrsi %bitcast3A_690, %shift_right_arithmetic3A_692 : vector<16xi32>
        %and3A_694 = arith.constant 1 : i32
        %and3A_695 = vector.broadcast %and3A_694 : i32 to vector<16xi32>
        %and3A_696 = arith.andi %shift_right_arithmetic3A_693, %and3A_695 : vector<16xi32>
        %add3A_697 = arith.constant 32767 : i32
        %add3A_698 = vector.broadcast %add3A_697 : i32 to vector<16xi32>
        %add3A_699 = arith.addi %add3A_698, %and3A_696 : vector<16xi32>
        %add3A_700 = arith.addi %bitcast3A_690, %add3A_699 : vector<16xi32>
        %and3A_701 = arith.constant -65536 : i32
        %and3A_702 = vector.broadcast %and3A_701 : i32 to vector<16xi32>
        %and3A_703 = arith.andi %add3A_700, %and3A_702 : vector<16xi32>
        %bitcast3A_704 = vector.bitcast %and3A_703 : vector<16xi32> to vector<16xf32>
        %swap3A_705 = arith.constant 0 : index
        %swap3A_706 = tpu.vector_load %arg19[%swap3A_705] {strides = array<i32>} : memref<160xi32, #tpu.memory_space<vmem>>, vector<16xi32>,
        tpu.vector_store %arg19[%swap3A_705], %add3A_654 {strides = array<i32>} : memref<160xi32, #tpu.memory_space<vmem>>, vector<16xi32>,
        %swap3A_707 = arith.constant 16 : index
        %swap3A_708 = tpu.vector_load %arg19[%swap3A_707] {strides = array<i32>} : memref<160xi32, #tpu.memory_space<vmem>>, vector<16xi32>,
        tpu.vector_store %arg19[%swap3A_707], %add3A_654 {strides = array<i32>} : memref<160xi32, #tpu.memory_space<vmem>>, vector<16xi32>,
        %swap3A_709 = arith.constant 32 : index
        %swap3A_710 = tpu.vector_load %arg19[%swap3A_709] {strides = array<i32>} : memref<160xi32, #tpu.memory_space<vmem>>, vector<16xi32>,
        tpu.vector_store %arg19[%swap3A_709], %add3A_654 {strides = array<i32>} : memref<160xi32, #tpu.memory_space<vmem>>, vector<16xi32>,
        %broadcast_in_dim3A_711 = arith.constant 0 : i32
        %broadcast_in_dim3A_712 = vector.broadcast %broadcast_in_dim3A_711 : i32 to vector<16xi32>
        %while3A_713 = arith.constant 0 : i32
        %while3A_714:2 = scf.while (%while3A_729 = %while3A_713, %while3A_730 = %broadcast_in_dim3A_712) : (i32, vector<16xi32>) -> (i32, vector<16xi32>) {
          %lt3A_731 = arith.constant 256 : i32
          %lt3A_732 = arith.cmpi slt, %while3A_729, %lt3A_731 : i32
          %reduce_max3A = arith.constant true
          %reduce_max3A_733 = vector.broadcast %reduce_max3A : i1 to vector<16xi1>
          %reduce_max3A_734 = arith.constant -2147483648 : i32
          %reduce_max3A_735 = vector.broadcast %reduce_max3A_734 : i32 to vector<16xi32>
          %reduce_max3A_736 = arith.xori %while3A_730, %reduce_max3A_735 : vector<16xi32>
          %reduce_max3A_737 = tpu.scan <max>, %reduce_max3A_736 masked %reduce_max3A_733 : vector<16xi32>, vector<16xi1> -> vector<16xi32>
          %reduce_max3A_738 = arith.xori %reduce_max3A_737, %reduce_max3A_735 : vector<16xi32>
          %reduce_max3A_739 = vector.extract %reduce_max3A_738[15] : i32 from vector<16xi32>
          %lt3A_740 = arith.constant 32 : i32
          %lt3A_741 = arith.cmpi slt, %reduce_max3A_739, %lt3A_740 : i32
          %and3A_742 = arith.andi %lt3A_732, %lt3A_741 : i1
          scf.condition(%and3A_742) %while3A_729, %while3A_730 : i32, vector<16xi32>
        } do {
        ^bb0(%while3A_729: i32, %while3A_730: vector<16xi32>):
          %add3A_731 = arith.constant 0 : i32
          %add3A_732 = arith.addi %while3A_729, %add3A_731 : i32
          %add3A_733 = arith.constant 0 : i32
          %add3A_734 = arith.addi %add3A_732, %add3A_733 : i32
          %mul3A_735 = arith.constant 16 : i32
          %mul3A_736 = arith.muli %add3A_734, %mul3A_735 : i32
          %add3A_737 = arith.constant 0 : i32
          %add3A_738 = arith.addi %while3A_729, %add3A_737 : i32
          %add3A_739 = arith.constant 1 : i32
          %add3A_740 = arith.addi %add3A_738, %add3A_739 : i32
          %mul3A_741 = arith.constant 16 : i32
          %mul3A_742 = arith.muli %add3A_740, %mul3A_741 : i32
          %add3A_743 = arith.constant 0 : i32
          %add3A_744 = arith.addi %while3A_729, %add3A_743 : i32
          %add3A_745 = arith.constant 2 : i32
          %add3A_746 = arith.addi %add3A_744, %add3A_745 : i32
          %mul3A_747 = arith.constant 16 : i32
          %mul3A_748 = arith.muli %add3A_746, %mul3A_747 : i32
          %add3A_749 = arith.constant 0 : i32
          %add3A_750 = arith.addi %while3A_729, %add3A_749 : i32
          %add3A_751 = arith.constant 3 : i32
          %add3A_752 = arith.addi %add3A_750, %add3A_751 : i32
          %mul3A_753 = arith.constant 16 : i32
          %mul3A_754 = arith.muli %add3A_752, %mul3A_753 : i32
          %get3A_755 = arith.index_cast %mul3A_736 : i32 to index
          %get3A_756 = tpu.vector_load %arg11[%get3A_755] {strides = array<i32>} : memref<4096xf32, #tpu.memory_space<vmem>>, vector<16xf32>,
          %get3A_757 = arith.index_cast %mul3A_742 : i32 to index
          %get3A_758 = tpu.vector_load %arg11[%get3A_757] {strides = array<i32>} : memref<4096xf32, #tpu.memory_space<vmem>>, vector<16xf32>,
          %get3A_759 = arith.index_cast %mul3A_748 : i32 to index
          %get3A_760 = tpu.vector_load %arg11[%get3A_759] {strides = array<i32>} : memref<4096xf32, #tpu.memory_space<vmem>>, vector<16xf32>,
          %get3A_761 = arith.index_cast %mul3A_754 : i32 to index
          %get3A_762 = tpu.vector_load %arg11[%get3A_761] {strides = array<i32>} : memref<4096xf32, #tpu.memory_space<vmem>>, vector<16xf32>,
          %get3A_763 = arith.index_cast %mul3A_736 : i32 to index
          %get3A_764 = tpu.vector_load %arg12[%get3A_763] {strides = array<i32>} : memref<4096xf32, #tpu.memory_space<vmem>>, vector<16xf32>,
          %get3A_765 = arith.index_cast %mul3A_742 : i32 to index
          %get3A_766 = tpu.vector_load %arg12[%get3A_765] {strides = array<i32>} : memref<4096xf32, #tpu.memory_space<vmem>>, vector<16xf32>,
          %get3A_767 = arith.index_cast %mul3A_748 : i32 to index
          %get3A_768 = tpu.vector_load %arg12[%get3A_767] {strides = array<i32>} : memref<4096xf32, #tpu.memory_space<vmem>>, vector<16xf32>,
          %get3A_769 = arith.index_cast %mul3A_754 : i32 to index
          %get3A_770 = tpu.vector_load %arg12[%get3A_769] {strides = array<i32>} : memref<4096xf32, #tpu.memory_space<vmem>>, vector<16xf32>,
          %get3A_771 = arith.index_cast %mul3A_736 : i32 to index
          %get3A_772 = tpu.vector_load %arg13[%get3A_771] {strides = array<i32>} : memref<4096xf32, #tpu.memory_space<vmem>>, vector<16xf32>,
          %get3A_773 = arith.index_cast %mul3A_742 : i32 to index
          %get3A_774 = tpu.vector_load %arg13[%get3A_773] {strides = array<i32>} : memref<4096xf32, #tpu.memory_space<vmem>>, vector<16xf32>,
          %get3A_775 = arith.index_cast %mul3A_748 : i32 to index
          %get3A_776 = tpu.vector_load %arg13[%get3A_775] {strides = array<i32>} : memref<4096xf32, #tpu.memory_space<vmem>>, vector<16xf32>,
          %get3A_777 = arith.index_cast %mul3A_754 : i32 to index
          %get3A_778 = tpu.vector_load %arg13[%get3A_777] {strides = array<i32>} : memref<4096xf32, #tpu.memory_space<vmem>>, vector<16xf32>,
          %get3A_779 = arith.index_cast %mul3A_736 : i32 to index
          %get3A_780 = tpu.vector_load %arg14[%get3A_779] {strides = array<i32>} : memref<4096xf32, #tpu.memory_space<vmem>>, vector<16xf32>,
          %get3A_781 = arith.index_cast %mul3A_742 : i32 to index
          %get3A_782 = tpu.vector_load %arg14[%get3A_781] {strides = array<i32>} : memref<4096xf32, #tpu.memory_space<vmem>>, vector<16xf32>,
          %get3A_783 = arith.index_cast %mul3A_748 : i32 to index
          %get3A_784 = tpu.vector_load %arg14[%get3A_783] {strides = array<i32>} : memref<4096xf32, #tpu.memory_space<vmem>>, vector<16xf32>,
          %get3A_785 = arith.index_cast %mul3A_754 : i32 to index
          %get3A_786 = tpu.vector_load %arg14[%get3A_785] {strides = array<i32>} : memref<4096xf32, #tpu.memory_space<vmem>>, vector<16xf32>,
          %mul3A_787 = arith.mulf %get3A_756, %bitcast3A_674 : vector<16xf32>
          %mul3A_788 = arith.mulf %get3A_758, %bitcast3A_674 : vector<16xf32>
          %mul3A_789 = arith.mulf %get3A_760, %bitcast3A_674 : vector<16xf32>
          %mul3A_790 = arith.mulf %get3A_762, %bitcast3A_674 : vector<16xf32>
          %mul3A_791 = arith.mulf %get3A_764, %bitcast3A_689 : vector<16xf32>
          %mul3A_792 = arith.mulf %get3A_766, %bitcast3A_689 : vector<16xf32>
          %mul3A_793 = arith.mulf %get3A_768, %bitcast3A_689 : vector<16xf32>
          %mul3A_794 = arith.mulf %get3A_770, %bitcast3A_689 : vector<16xf32>
          %mul3A_795 = arith.mulf %get3A_772, %bitcast3A_704 : vector<16xf32>
          %mul3A_796 = arith.mulf %get3A_774, %bitcast3A_704 : vector<16xf32>
          %mul3A_797 = arith.mulf %get3A_776, %bitcast3A_704 : vector<16xf32>
          %mul3A_798 = arith.mulf %get3A_778, %bitcast3A_704 : vector<16xf32>
          %add3A_799 = arith.addf %mul3A_787, %mul3A_791 : vector<16xf32>
          %add3A_800 = arith.addf %add3A_799, %mul3A_795 : vector<16xf32>
          %add3A_801 = arith.addf %mul3A_788, %mul3A_792 : vector<16xf32>
          %add3A_802 = arith.addf %add3A_801, %mul3A_796 : vector<16xf32>
          %add3A_803 = arith.addf %mul3A_789, %mul3A_793 : vector<16xf32>
          %add3A_804 = arith.addf %add3A_803, %mul3A_797 : vector<16xf32>
          %add3A_805 = arith.addf %mul3A_790, %mul3A_794 : vector<16xf32>
          %add3A_806 = arith.addf %add3A_805, %mul3A_798 : vector<16xf32>
          %mul3A_807 = arith.constant -2.000000e+00 : f32
          %mul3A_808 = vector.broadcast %mul3A_807 : f32 to vector<16xf32>
          %mul3A_809 = arith.mulf %mul3A_808, %add3A_800 : vector<16xf32>
          %add3A_810 = arith.addf %mul3A_809, %add3A_659 : vector<16xf32>
          %add3A_811 = arith.addf %add3A_810, %get3A_780 : vector<16xf32>
          %mul3A_812 = arith.constant -2.000000e+00 : f32
          %mul3A_813 = vector.broadcast %mul3A_812 : f32 to vector<16xf32>
          %mul3A_814 = arith.mulf %mul3A_813, %add3A_802 : vector<16xf32>
          %add3A_815 = arith.addf %mul3A_814, %add3A_659 : vector<16xf32>
          %add3A_816 = arith.addf %add3A_815, %get3A_782 : vector<16xf32>
          %mul3A_817 = arith.constant -2.000000e+00 : f32
          %mul3A_818 = vector.broadcast %mul3A_817 : f32 to vector<16xf32>
          %mul3A_819 = arith.mulf %mul3A_818, %add3A_804 : vector<16xf32>
          %add3A_820 = arith.addf %mul3A_819, %add3A_659 : vector<16xf32>
          %add3A_821 = arith.addf %add3A_820, %get3A_784 : vector<16xf32>
          %mul3A_822 = arith.constant -2.000000e+00 : f32
          %mul3A_823 = vector.broadcast %mul3A_822 : f32 to vector<16xf32>
          %mul3A_824 = arith.mulf %mul3A_823, %add3A_806 : vector<16xf32>
          %add3A_825 = arith.addf %mul3A_824, %add3A_659 : vector<16xf32>
          %add3A_826 = arith.addf %add3A_825, %get3A_786 : vector<16xf32>
          %le3A = arith.constant 4.000000e-02 : f32
          %le3A_827 = vector.broadcast %le3A : f32 to vector<16xf32>
          %le3A_828 = arith.cmpf ole, %add3A_811, %le3A_827 : vector<16xf32>
          %le3A_829 = arith.constant 4.000000e-02 : f32
          %le3A_830 = vector.broadcast %le3A_829 : f32 to vector<16xf32>
          %le3A_831 = arith.cmpf ole, %add3A_816, %le3A_830 : vector<16xf32>
          %le3A_832 = arith.constant 4.000000e-02 : f32
          %le3A_833 = vector.broadcast %le3A_832 : f32 to vector<16xf32>
          %le3A_834 = arith.cmpf ole, %add3A_821, %le3A_833 : vector<16xf32>
          %le3A_835 = arith.constant 4.000000e-02 : f32
          %le3A_836 = vector.broadcast %le3A_835 : f32 to vector<16xf32>
          %le3A_837 = arith.cmpf ole, %add3A_826, %le3A_836 : vector<16xf32>
          %convert_element_type3A_838 = arith.extui %le3A_828 : vector<16xi1> to vector<16xi32>
          %broadcast_in_dim3A_839 = arith.constant true
          %broadcast_in_dim3A_840 = vector.broadcast %broadcast_in_dim3A_839 : i1 to vector<16xi1>
          %masked_cumsum3A = tpu.scan <sum>, %convert_element_type3A_838 masked %broadcast_in_dim3A_840 : vector<16xi32>, vector<16xi1> -> vector<16xi32>
          %convert_element_type3A_841 = arith.extui %le3A_831 : vector<16xi1> to vector<16xi32>
          %broadcast_in_dim3A_842 = arith.constant true
          %broadcast_in_dim3A_843 = vector.broadcast %broadcast_in_dim3A_842 : i1 to vector<16xi1>
          %masked_cumsum3A_844 = tpu.scan <sum>, %convert_element_type3A_841 masked %broadcast_in_dim3A_843 : vector<16xi32>, vector<16xi1> -> vector<16xi32>
          %convert_element_type3A_845 = arith.extui %le3A_834 : vector<16xi1> to vector<16xi32>
          %broadcast_in_dim3A_846 = arith.constant true
          %broadcast_in_dim3A_847 = vector.broadcast %broadcast_in_dim3A_846 : i1 to vector<16xi1>
          %masked_cumsum3A_848 = tpu.scan <sum>, %convert_element_type3A_845 masked %broadcast_in_dim3A_847 : vector<16xi32>, vector<16xi1> -> vector<16xi32>
          %convert_element_type3A_849 = arith.extui %le3A_837 : vector<16xi1> to vector<16xi32>
          %broadcast_in_dim3A_850 = arith.constant true
          %broadcast_in_dim3A_851 = vector.broadcast %broadcast_in_dim3A_850 : i1 to vector<16xi1>
          %masked_cumsum3A_852 = tpu.scan <sum>, %convert_element_type3A_849 masked %broadcast_in_dim3A_851 : vector<16xi32>, vector<16xi1> -> vector<16xi32>
          %all_reduce_population_count3A = tpu.all_reduce %le3A_828 {dim = 0 : i64, kind = #tpu.reduction_kind<sum>} : vector<16xi1> -> vector<16xi32>
          %all_reduce_population_count3A_853 = tpu.all_reduce %le3A_831 {dim = 0 : i64, kind = #tpu.reduction_kind<sum>} : vector<16xi1> -> vector<16xi32>
          %all_reduce_population_count3A_854 = tpu.all_reduce %le3A_834 {dim = 0 : i64, kind = #tpu.reduction_kind<sum>} : vector<16xi1> -> vector<16xi32>
          %all_reduce_population_count3A_855 = tpu.all_reduce %le3A_837 {dim = 0 : i64, kind = #tpu.reduction_kind<sum>} : vector<16xi1> -> vector<16xi32>
          %add3A_856 = arith.addi %while3A_730, %all_reduce_population_count3A : vector<16xi32>
          %add3A_857 = arith.addi %add3A_856, %all_reduce_population_count3A_853 : vector<16xi32>
          %add3A_858 = arith.addi %add3A_857, %all_reduce_population_count3A_854 : vector<16xi32>
          %add3A_859 = arith.addi %add3A_858, %all_reduce_population_count3A_855 : vector<16xi32>
          %sub3A_860 = arith.constant 1 : i32
          %sub3A_861 = vector.broadcast %sub3A_860 : i32 to vector<16xi32>
          %sub3A_862 = arith.subi %while3A_730, %sub3A_861 : vector<16xi32>
          %add3A_863 = arith.addi %sub3A_862, %masked_cumsum3A : vector<16xi32>
          %add3A_864 = arith.addi %mul3A_736, %mul3A_32 : i32
          %add3A_865 = vector.broadcast %add3A_864 : i32 to vector<16xi32>
          %add3A_866 = arith.addi %iota3A, %add3A_865 : vector<16xi32>
          tpu.vector_store_idx %arg19[%add3A_863], %add3A_866 masked %le3A_828 : memref<160xi32, #tpu.memory_space<vmem>>[vector<16xi32>], vector<16xi32>, vector<16xi1>
          %sub3A_867 = arith.constant 1 : i32
          %sub3A_868 = vector.broadcast %sub3A_867 : i32 to vector<16xi32>
          %sub3A_869 = arith.subi %add3A_856, %sub3A_868 : vector<16xi32>
          %add3A_870 = arith.addi %sub3A_869, %masked_cumsum3A_844 : vector<16xi32>
          %add3A_871 = arith.addi %mul3A_742, %mul3A_32 : i32
          %add3A_872 = vector.broadcast %add3A_871 : i32 to vector<16xi32>
          %add3A_873 = arith.addi %iota3A, %add3A_872 : vector<16xi32>
          tpu.vector_store_idx %arg19[%add3A_870], %add3A_873 masked %le3A_831 : memref<160xi32, #tpu.memory_space<vmem>>[vector<16xi32>], vector<16xi32>, vector<16xi1>
          %sub3A_874 = arith.constant 1 : i32
          %sub3A_875 = vector.broadcast %sub3A_874 : i32 to vector<16xi32>
          %sub3A_876 = arith.subi %add3A_857, %sub3A_875 : vector<16xi32>
          %add3A_877 = arith.addi %sub3A_876, %masked_cumsum3A_848 : vector<16xi32>
          %add3A_878 = arith.addi %mul3A_748, %mul3A_32 : i32
          %add3A_879 = vector.broadcast %add3A_878 : i32 to vector<16xi32>
          %add3A_880 = arith.addi %iota3A, %add3A_879 : vector<16xi32>
          tpu.vector_store_idx %arg19[%add3A_877], %add3A_880 masked %le3A_834 : memref<160xi32, #tpu.memory_space<vmem>>[vector<16xi32>], vector<16xi32>, vector<16xi1>
          %sub3A_881 = arith.constant 1 : i32
          %sub3A_882 = vector.broadcast %sub3A_881 : i32 to vector<16xi32>
          %sub3A_883 = arith.subi %add3A_858, %sub3A_882 : vector<16xi32>
          %add3A_884 = arith.addi %sub3A_883, %masked_cumsum3A_852 : vector<16xi32>
          %add3A_885 = arith.addi %mul3A_754, %mul3A_32 : i32
          %add3A_886 = vector.broadcast %add3A_885 : i32 to vector<16xi32>
          %add3A_887 = arith.addi %iota3A, %add3A_886 : vector<16xi32>
          tpu.vector_store_idx %arg19[%add3A_884], %add3A_887 masked %le3A_837 : memref<160xi32, #tpu.memory_space<vmem>>[vector<16xi32>], vector<16xi32>, vector<16xi1>
          %add3A_888 = arith.constant 4 : i32
          %add3A_889 = arith.addi %while3A_729, %add3A_888 : i32
          %add3A_890 = arith.constant 0 : i32
          %add3A_891 = arith.addi %add3A_889, %add3A_890 : i32
          %mul3A_892 = arith.constant 16 : i32
          %mul3A_893 = arith.muli %add3A_891, %mul3A_892 : i32
          %add3A_894 = arith.constant 4 : i32
          %add3A_895 = arith.addi %while3A_729, %add3A_894 : i32
          %add3A_896 = arith.constant 1 : i32
          %add3A_897 = arith.addi %add3A_895, %add3A_896 : i32
          %mul3A_898 = arith.constant 16 : i32
          %mul3A_899 = arith.muli %add3A_897, %mul3A_898 : i32
          %add3A_900 = arith.constant 4 : i32
          %add3A_901 = arith.addi %while3A_729, %add3A_900 : i32
          %add3A_902 = arith.constant 2 : i32
          %add3A_903 = arith.addi %add3A_901, %add3A_902 : i32
          %mul3A_904 = arith.constant 16 : i32
          %mul3A_905 = arith.muli %add3A_903, %mul3A_904 : i32
          %add3A_906 = arith.constant 4 : i32
          %add3A_907 = arith.addi %while3A_729, %add3A_906 : i32
          %add3A_908 = arith.constant 3 : i32
          %add3A_909 = arith.addi %add3A_907, %add3A_908 : i32
          %mul3A_910 = arith.constant 16 : i32
          %mul3A_911 = arith.muli %add3A_909, %mul3A_910 : i32
          %get3A_912 = arith.index_cast %mul3A_893 : i32 to index
          %get3A_913 = tpu.vector_load %arg11[%get3A_912] {strides = array<i32>} : memref<4096xf32, #tpu.memory_space<vmem>>, vector<16xf32>,
          %get3A_914 = arith.index_cast %mul3A_899 : i32 to index
          %get3A_915 = tpu.vector_load %arg11[%get3A_914] {strides = array<i32>} : memref<4096xf32, #tpu.memory_space<vmem>>, vector<16xf32>,
          %get3A_916 = arith.index_cast %mul3A_905 : i32 to index
          %get3A_917 = tpu.vector_load %arg11[%get3A_916] {strides = array<i32>} : memref<4096xf32, #tpu.memory_space<vmem>>, vector<16xf32>,
          %get3A_918 = arith.index_cast %mul3A_911 : i32 to index
          %get3A_919 = tpu.vector_load %arg11[%get3A_918] {strides = array<i32>} : memref<4096xf32, #tpu.memory_space<vmem>>, vector<16xf32>,
          %get3A_920 = arith.index_cast %mul3A_893 : i32 to index
          %get3A_921 = tpu.vector_load %arg12[%get3A_920] {strides = array<i32>} : memref<4096xf32, #tpu.memory_space<vmem>>, vector<16xf32>,
          %get3A_922 = arith.index_cast %mul3A_899 : i32 to index
          %get3A_923 = tpu.vector_load %arg12[%get3A_922] {strides = array<i32>} : memref<4096xf32, #tpu.memory_space<vmem>>, vector<16xf32>,
          %get3A_924 = arith.index_cast %mul3A_905 : i32 to index
          %get3A_925 = tpu.vector_load %arg12[%get3A_924] {strides = array<i32>} : memref<4096xf32, #tpu.memory_space<vmem>>, vector<16xf32>,
          %get3A_926 = arith.index_cast %mul3A_911 : i32 to index
          %get3A_927 = tpu.vector_load %arg12[%get3A_926] {strides = array<i32>} : memref<4096xf32, #tpu.memory_space<vmem>>, vector<16xf32>,
          %get3A_928 = arith.index_cast %mul3A_893 : i32 to index
          %get3A_929 = tpu.vector_load %arg13[%get3A_928] {strides = array<i32>} : memref<4096xf32, #tpu.memory_space<vmem>>, vector<16xf32>,
          %get3A_930 = arith.index_cast %mul3A_899 : i32 to index
          %get3A_931 = tpu.vector_load %arg13[%get3A_930] {strides = array<i32>} : memref<4096xf32, #tpu.memory_space<vmem>>, vector<16xf32>,
          %get3A_932 = arith.index_cast %mul3A_905 : i32 to index
          %get3A_933 = tpu.vector_load %arg13[%get3A_932] {strides = array<i32>} : memref<4096xf32, #tpu.memory_space<vmem>>, vector<16xf32>,
          %get3A_934 = arith.index_cast %mul3A_911 : i32 to index
          %get3A_935 = tpu.vector_load %arg13[%get3A_934] {strides = array<i32>} : memref<4096xf32, #tpu.memory_space<vmem>>, vector<16xf32>,
          %get3A_936 = arith.index_cast %mul3A_893 : i32 to index
          %get3A_937 = tpu.vector_load %arg14[%get3A_936] {strides = array<i32>} : memref<4096xf32, #tpu.memory_space<vmem>>, vector<16xf32>,
          %get3A_938 = arith.index_cast %mul3A_899 : i32 to index
          %get3A_939 = tpu.vector_load %arg14[%get3A_938] {strides = array<i32>} : memref<4096xf32, #tpu.memory_space<vmem>>, vector<16xf32>,
          %get3A_940 = arith.index_cast %mul3A_905 : i32 to index
          %get3A_941 = tpu.vector_load %arg14[%get3A_940] {strides = array<i32>} : memref<4096xf32, #tpu.memory_space<vmem>>, vector<16xf32>,
          %get3A_942 = arith.index_cast %mul3A_911 : i32 to index
          %get3A_943 = tpu.vector_load %arg14[%get3A_942] {strides = array<i32>} : memref<4096xf32, #tpu.memory_space<vmem>>, vector<16xf32>,
          %mul3A_944 = arith.mulf %get3A_913, %bitcast3A_674 : vector<16xf32>
          %mul3A_945 = arith.mulf %get3A_915, %bitcast3A_674 : vector<16xf32>
          %mul3A_946 = arith.mulf %get3A_917, %bitcast3A_674 : vector<16xf32>
          %mul3A_947 = arith.mulf %get3A_919, %bitcast3A_674 : vector<16xf32>
          %mul3A_948 = arith.mulf %get3A_921, %bitcast3A_689 : vector<16xf32>
          %mul3A_949 = arith.mulf %get3A_923, %bitcast3A_689 : vector<16xf32>
          %mul3A_950 = arith.mulf %get3A_925, %bitcast3A_689 : vector<16xf32>
          %mul3A_951 = arith.mulf %get3A_927, %bitcast3A_689 : vector<16xf32>
          %mul3A_952 = arith.mulf %get3A_929, %bitcast3A_704 : vector<16xf32>
          %mul3A_953 = arith.mulf %get3A_931, %bitcast3A_704 : vector<16xf32>
          %mul3A_954 = arith.mulf %get3A_933, %bitcast3A_704 : vector<16xf32>
          %mul3A_955 = arith.mulf %get3A_935, %bitcast3A_704 : vector<16xf32>
          %add3A_956 = arith.addf %mul3A_944, %mul3A_948 : vector<16xf32>
          %add3A_957 = arith.addf %add3A_956, %mul3A_952 : vector<16xf32>
          %add3A_958 = arith.addf %mul3A_945, %mul3A_949 : vector<16xf32>
          %add3A_959 = arith.addf %add3A_958, %mul3A_953 : vector<16xf32>
          %add3A_960 = arith.addf %mul3A_946, %mul3A_950 : vector<16xf32>
          %add3A_961 = arith.addf %add3A_960, %mul3A_954 : vector<16xf32>
          %add3A_962 = arith.addf %mul3A_947, %mul3A_951 : vector<16xf32>
          %add3A_963 = arith.addf %add3A_962, %mul3A_955 : vector<16xf32>
          %mul3A_964 = arith.constant -2.000000e+00 : f32
          %mul3A_965 = vector.broadcast %mul3A_964 : f32 to vector<16xf32>
          %mul3A_966 = arith.mulf %mul3A_965, %add3A_957 : vector<16xf32>
          %add3A_967 = arith.addf %mul3A_966, %add3A_659 : vector<16xf32>
          %add3A_968 = arith.addf %add3A_967, %get3A_937 : vector<16xf32>
          %mul3A_969 = arith.constant -2.000000e+00 : f32
          %mul3A_970 = vector.broadcast %mul3A_969 : f32 to vector<16xf32>
          %mul3A_971 = arith.mulf %mul3A_970, %add3A_959 : vector<16xf32>
          %add3A_972 = arith.addf %mul3A_971, %add3A_659 : vector<16xf32>
          %add3A_973 = arith.addf %add3A_972, %get3A_939 : vector<16xf32>
          %mul3A_974 = arith.constant -2.000000e+00 : f32
          %mul3A_975 = vector.broadcast %mul3A_974 : f32 to vector<16xf32>
          %mul3A_976 = arith.mulf %mul3A_975, %add3A_961 : vector<16xf32>
          %add3A_977 = arith.addf %mul3A_976, %add3A_659 : vector<16xf32>
          %add3A_978 = arith.addf %add3A_977, %get3A_941 : vector<16xf32>
          %mul3A_979 = arith.constant -2.000000e+00 : f32
          %mul3A_980 = vector.broadcast %mul3A_979 : f32 to vector<16xf32>
          %mul3A_981 = arith.mulf %mul3A_980, %add3A_963 : vector<16xf32>
          %add3A_982 = arith.addf %mul3A_981, %add3A_659 : vector<16xf32>
          %add3A_983 = arith.addf %add3A_982, %get3A_943 : vector<16xf32>
          %le3A_984 = arith.constant 4.000000e-02 : f32
          %le3A_985 = vector.broadcast %le3A_984 : f32 to vector<16xf32>
          %le3A_986 = arith.cmpf ole, %add3A_968, %le3A_985 : vector<16xf32>
          %le3A_987 = arith.constant 4.000000e-02 : f32
          %le3A_988 = vector.broadcast %le3A_987 : f32 to vector<16xf32>
          %le3A_989 = arith.cmpf ole, %add3A_973, %le3A_988 : vector<16xf32>
          %le3A_990 = arith.constant 4.000000e-02 : f32
          %le3A_991 = vector.broadcast %le3A_990 : f32 to vector<16xf32>
          %le3A_992 = arith.cmpf ole, %add3A_978, %le3A_991 : vector<16xf32>
          %le3A_993 = arith.constant 4.000000e-02 : f32
          %le3A_994 = vector.broadcast %le3A_993 : f32 to vector<16xf32>
          %le3A_995 = arith.cmpf ole, %add3A_983, %le3A_994 : vector<16xf32>
          %convert_element_type3A_996 = arith.extui %le3A_986 : vector<16xi1> to vector<16xi32>
          %broadcast_in_dim3A_997 = arith.constant true
          %broadcast_in_dim3A_998 = vector.broadcast %broadcast_in_dim3A_997 : i1 to vector<16xi1>
          %masked_cumsum3A_999 = tpu.scan <sum>, %convert_element_type3A_996 masked %broadcast_in_dim3A_998 : vector<16xi32>, vector<16xi1> -> vector<16xi32>
          %convert_element_type3A_1000 = arith.extui %le3A_989 : vector<16xi1> to vector<16xi32>
          %broadcast_in_dim3A_1001 = arith.constant true
          %broadcast_in_dim3A_1002 = vector.broadcast %broadcast_in_dim3A_1001 : i1 to vector<16xi1>
          %masked_cumsum3A_1003 = tpu.scan <sum>, %convert_element_type3A_1000 masked %broadcast_in_dim3A_1002 : vector<16xi32>, vector<16xi1> -> vector<16xi32>
          %convert_element_type3A_1004 = arith.extui %le3A_992 : vector<16xi1> to vector<16xi32>
          %broadcast_in_dim3A_1005 = arith.constant true
          %broadcast_in_dim3A_1006 = vector.broadcast %broadcast_in_dim3A_1005 : i1 to vector<16xi1>
          %masked_cumsum3A_1007 = tpu.scan <sum>, %convert_element_type3A_1004 masked %broadcast_in_dim3A_1006 : vector<16xi32>, vector<16xi1> -> vector<16xi32>
          %convert_element_type3A_1008 = arith.extui %le3A_995 : vector<16xi1> to vector<16xi32>
          %broadcast_in_dim3A_1009 = arith.constant true
          %broadcast_in_dim3A_1010 = vector.broadcast %broadcast_in_dim3A_1009 : i1 to vector<16xi1>
          %masked_cumsum3A_1011 = tpu.scan <sum>, %convert_element_type3A_1008 masked %broadcast_in_dim3A_1010 : vector<16xi32>, vector<16xi1> -> vector<16xi32>
          %all_reduce_population_count3A_1012 = tpu.all_reduce %le3A_986 {dim = 0 : i64, kind = #tpu.reduction_kind<sum>} : vector<16xi1> -> vector<16xi32>
          %all_reduce_population_count3A_1013 = tpu.all_reduce %le3A_989 {dim = 0 : i64, kind = #tpu.reduction_kind<sum>} : vector<16xi1> -> vector<16xi32>
          %all_reduce_population_count3A_1014 = tpu.all_reduce %le3A_992 {dim = 0 : i64, kind = #tpu.reduction_kind<sum>} : vector<16xi1> -> vector<16xi32>
          %all_reduce_population_count3A_1015 = tpu.all_reduce %le3A_995 {dim = 0 : i64, kind = #tpu.reduction_kind<sum>} : vector<16xi1> -> vector<16xi32>
          %add3A_1016 = arith.addi %add3A_859, %all_reduce_population_count3A_1012 : vector<16xi32>
          %add3A_1017 = arith.addi %add3A_1016, %all_reduce_population_count3A_1013 : vector<16xi32>
          %add3A_1018 = arith.addi %add3A_1017, %all_reduce_population_count3A_1014 : vector<16xi32>
          %add3A_1019 = arith.addi %add3A_1018, %all_reduce_population_count3A_1015 : vector<16xi32>
          %sub3A_1020 = arith.constant 1 : i32
          %sub3A_1021 = vector.broadcast %sub3A_1020 : i32 to vector<16xi32>
          %sub3A_1022 = arith.subi %add3A_859, %sub3A_1021 : vector<16xi32>
          %add3A_1023 = arith.addi %sub3A_1022, %masked_cumsum3A_999 : vector<16xi32>
          %add3A_1024 = arith.addi %mul3A_893, %mul3A_32 : i32
          %add3A_1025 = vector.broadcast %add3A_1024 : i32 to vector<16xi32>
          %add3A_1026 = arith.addi %iota3A, %add3A_1025 : vector<16xi32>
          tpu.vector_store_idx %arg19[%add3A_1023], %add3A_1026 masked %le3A_986 : memref<160xi32, #tpu.memory_space<vmem>>[vector<16xi32>], vector<16xi32>, vector<16xi1>
          %sub3A_1027 = arith.constant 1 : i32
          %sub3A_1028 = vector.broadcast %sub3A_1027 : i32 to vector<16xi32>
          %sub3A_1029 = arith.subi %add3A_1016, %sub3A_1028 : vector<16xi32>
          %add3A_1030 = arith.addi %sub3A_1029, %masked_cumsum3A_1003 : vector<16xi32>
          %add3A_1031 = arith.addi %mul3A_899, %mul3A_32 : i32
          %add3A_1032 = vector.broadcast %add3A_1031 : i32 to vector<16xi32>
          %add3A_1033 = arith.addi %iota3A, %add3A_1032 : vector<16xi32>
          tpu.vector_store_idx %arg19[%add3A_1030], %add3A_1033 masked %le3A_989 : memref<160xi32, #tpu.memory_space<vmem>>[vector<16xi32>], vector<16xi32>, vector<16xi1>
          %sub3A_1034 = arith.constant 1 : i32
          %sub3A_1035 = vector.broadcast %sub3A_1034 : i32 to vector<16xi32>
          %sub3A_1036 = arith.subi %add3A_1017, %sub3A_1035 : vector<16xi32>
          %add3A_1037 = arith.addi %sub3A_1036, %masked_cumsum3A_1007 : vector<16xi32>
          %add3A_1038 = arith.addi %mul3A_905, %mul3A_32 : i32
          %add3A_1039 = vector.broadcast %add3A_1038 : i32 to vector<16xi32>
          %add3A_1040 = arith.addi %iota3A, %add3A_1039 : vector<16xi32>
          tpu.vector_store_idx %arg19[%add3A_1037], %add3A_1040 masked %le3A_992 : memref<160xi32, #tpu.memory_space<vmem>>[vector<16xi32>], vector<16xi32>, vector<16xi1>
          %sub3A_1041 = arith.constant 1 : i32
          %sub3A_1042 = vector.broadcast %sub3A_1041 : i32 to vector<16xi32>
          %sub3A_1043 = arith.subi %add3A_1018, %sub3A_1042 : vector<16xi32>
          %add3A_1044 = arith.addi %sub3A_1043, %masked_cumsum3A_1011 : vector<16xi32>
          %add3A_1045 = arith.addi %mul3A_911, %mul3A_32 : i32
          %add3A_1046 = vector.broadcast %add3A_1045 : i32 to vector<16xi32>
          %add3A_1047 = arith.addi %iota3A, %add3A_1046 : vector<16xi32>
          tpu.vector_store_idx %arg19[%add3A_1044], %add3A_1047 masked %le3A_995 : memref<160xi32, #tpu.memory_space<vmem>>[vector<16xi32>], vector<16xi32>, vector<16xi1>
          %add3A_1048 = arith.constant 8 : i32
          %add3A_1049 = arith.addi %while3A_729, %add3A_1048 : i32
          scf.yield %add3A_1049, %add3A_1019 : i32, vector<16xi32>
        }
        %get3A_715 = arith.constant 0 : index
        %get3A_716 = tpu.vector_load %arg19[%get3A_715] {strides = array<i32>} : memref<160xi32, #tpu.memory_space<vmem>>, vector<16xi32>,
        %swap3A_717 = arith.constant 0 : index
        %swap3A_718 = tpu.vector_load %arg20[%swap3A_717] {strides = array<i32>} : memref<16xi32, #tpu.memory_space<vmem>>, vector<16xi32>,
        tpu.vector_store %arg20[%swap3A_717], %get3A_716 {strides = array<i32>} : memref<16xi32, #tpu.memory_space<vmem>>, vector<16xi32>,
        %get3A_719 = arith.constant 16 : index
        %get3A_720 = tpu.vector_load %arg19[%get3A_719] {strides = array<i32>} : memref<160xi32, #tpu.memory_space<vmem>>, vector<16xi32>,
        %swap3A_721 = arith.constant 0 : index
        %swap3A_722 = tpu.vector_load %arg21[%swap3A_721] {strides = array<i32>} : memref<16xi32, #tpu.memory_space<vmem>>, vector<16xi32>,
        tpu.vector_store %arg21[%swap3A_721], %get3A_720 {strides = array<i32>} : memref<16xi32, #tpu.memory_space<vmem>>, vector<16xi32>,
        %dma_start3A_723 = arith.constant 0 : i32
        %dma_start3A_724 = arith.constant 0 : i32
        %dma_start3A_725 = tpu.memref_slice %arg9[%dma_start3A_723, %dma_start3A_724] : memref<32768x256xf32, #tpu.memory_space<hbm>> -> memref<32768x256xf32, #tpu.memory_space<hbm>>
        tpu.enqueue_indirect_dma source(%dma_start3A_725 : memref<32768x256xf32, #tpu.memory_space<hbm>>) target(%arg24 : memref<16x256xf32, #tpu.memory_space<vmem>>) offsets(%arg20 : memref<16xi32, #tpu.memory_space<vmem>>) semaphore(%arg29 : memref<!tpu.dma_semaphore, #tpu.memory_space<semaphore_mem>>)
        %dma_start3A_726 = arith.constant 0 : i32
        %dma_start3A_727 = arith.constant 0 : i32
        %dma_start3A_728 = tpu.memref_slice %arg9[%dma_start3A_726, %dma_start3A_727] : memref<32768x256xf32, #tpu.memory_space<hbm>> -> memref<32768x256xf32, #tpu.memory_space<hbm>>
        tpu.enqueue_indirect_dma source(%dma_start3A_728 : memref<32768x256xf32, #tpu.memory_space<hbm>>) target(%arg25 : memref<16x256xf32, #tpu.memory_space<vmem>>) offsets(%arg21 : memref<16xi32, #tpu.memory_space<vmem>>) semaphore(%arg29 : memref<!tpu.dma_semaphore, #tpu.memory_space<semaphore_mem>>)
      } else {
      }
      %dma_wait3A_433 = arith.constant 0 : i32
      %dma_wait3A_434 = arith.constant 0 : i32
      %dma_wait3A_435 = tpu.memref_slice %arg9[%dma_wait3A_433, %dma_wait3A_434] : memref<32768x256xf32, #tpu.memory_space<hbm>> -> memref<16x256xf32, #tpu.memory_space<hbm>>
      %dma_wait3A_436 = arith.constant 0 : i32
      %dma_wait3A_437 = arith.constant 0 : i32
      %dma_wait3A_438 = tpu.memref_slice %arg9[%dma_wait3A_436, %dma_wait3A_437] : memref<32768x256xf32, #tpu.memory_space<hbm>> -> memref<16x256xf32, #tpu.memory_space<hbm>>
      tpu.wait_dma2 semaphore(%arg30 : memref<!tpu.dma_semaphore, #tpu.memory_space<semaphore_mem>>) src(%dma_wait3A_438 : memref<16x256xf32, #tpu.memory_space<hbm>>) dst(%arg26 : memref<16x256xf32, #tpu.memory_space<vmem>>)
      %dma_wait3A_439 = arith.constant 0 : i32
      %dma_wait3A_440 = arith.constant 0 : i32
      %dma_wait3A_441 = tpu.memref_slice %arg9[%dma_wait3A_439, %dma_wait3A_440] : memref<32768x256xf32, #tpu.memory_space<hbm>> -> memref<16x256xf32, #tpu.memory_space<hbm>>
      %dma_wait3A_442 = arith.constant 0 : i32
      %dma_wait3A_443 = arith.constant 0 : i32
      %dma_wait3A_444 = tpu.memref_slice %arg9[%dma_wait3A_442, %dma_wait3A_443] : memref<32768x256xf32, #tpu.memory_space<hbm>> -> memref<16x256xf32, #tpu.memory_space<hbm>>
      tpu.wait_dma2 semaphore(%arg30 : memref<!tpu.dma_semaphore, #tpu.memory_space<semaphore_mem>>) src(%dma_wait3A_444 : memref<16x256xf32, #tpu.memory_space<hbm>>) dst(%arg27 : memref<16x256xf32, #tpu.memory_space<vmem>>)
      %get3A_445 = arith.constant 0 : i32
      %get3A_446 = arith.index_cast %get3A_445 : i32 to index
      %get3A_447 = arith.constant 0 : index
      %get3A_448 = tpu.vector_load %arg26[%get3A_446, %get3A_447] {strides = array<i32>} : memref<16x256xf32, #tpu.memory_space<vmem>>, vector<16xf32>,
      %get3A_449 = arith.constant 0 : i32
      %get3A_450 = arith.index_cast %get3A_449 : i32 to index
      %get3A_451 = arith.constant 0 : index
      %get3A_452 = tpu.vector_load %arg27[%get3A_450, %get3A_451] {strides = array<i32>} : memref<16x256xf32, #tpu.memory_space<vmem>>, vector<16xf32>,
      %max3A_453 = arith.maximumf %get3A_448, %get3A_452 : vector<16xf32>
      %get3A_454 = arith.constant 0 : i32
      %get3A_455 = arith.index_cast %get3A_454 : i32 to index
      %get3A_456 = arith.constant 16 : index
      %get3A_457 = tpu.vector_load %arg26[%get3A_455, %get3A_456] {strides = array<i32>} : memref<16x256xf32, #tpu.memory_space<vmem>>, vector<16xf32>,
      %get3A_458 = arith.constant 0 : i32
      %get3A_459 = arith.index_cast %get3A_458 : i32 to index
      %get3A_460 = arith.constant 16 : index
      %get3A_461 = tpu.vector_load %arg27[%get3A_459, %get3A_460] {strides = array<i32>} : memref<16x256xf32, #tpu.memory_space<vmem>>, vector<16xf32>,
      %max3A_462 = arith.maximumf %get3A_457, %get3A_461 : vector<16xf32>
      %get3A_463 = arith.constant 0 : i32
      %get3A_464 = arith.index_cast %get3A_463 : i32 to index
      %get3A_465 = arith.constant 32 : index
      %get3A_466 = tpu.vector_load %arg26[%get3A_464, %get3A_465] {strides = array<i32>} : memref<16x256xf32, #tpu.memory_space<vmem>>, vector<16xf32>,
      %get3A_467 = arith.constant 0 : i32
      %get3A_468 = arith.index_cast %get3A_467 : i32 to index
      %get3A_469 = arith.constant 32 : index
      %get3A_470 = tpu.vector_load %arg27[%get3A_468, %get3A_469] {strides = array<i32>} : memref<16x256xf32, #tpu.memory_space<vmem>>, vector<16xf32>,
      %max3A_471 = arith.maximumf %get3A_466, %get3A_470 : vector<16xf32>
      %get3A_472 = arith.constant 0 : i32
      %get3A_473 = arith.index_cast %get3A_472 : i32 to index
      %get3A_474 = arith.constant 48 : index
      %get3A_475 = tpu.vector_load %arg26[%get3A_473, %get3A_474] {strides = array<i32>} : memref<16x256xf32, #tpu.memory_space<vmem>>, vector<16xf32>,
      %get3A_476 = arith.constant 0 : i32
      %get3A_477 = arith.index_cast %get3A_476 : i32 to index
      %get3A_478 = arith.constant 48 : index
      %get3A_479 = tpu.vector_load %arg27[%get3A_477, %get3A_478] {strides = array<i32>} : memref<16x256xf32, #tpu.memory_space<vmem>>, vector<16xf32>,
      %max3A_480 = arith.maximumf %get3A_475, %get3A_479 : vector<16xf32>
      %get3A_481 = arith.constant 0 : i32
      %get3A_482 = arith.index_cast %get3A_481 : i32 to index
      %get3A_483 = arith.constant 64 : index
      %get3A_484 = tpu.vector_load %arg26[%get3A_482, %get3A_483] {strides = array<i32>} : memref<16x256xf32, #tpu.memory_space<vmem>>, vector<16xf32>,
      %get3A_485 = arith.constant 0 : i32
      %get3A_486 = arith.index_cast %get3A_485 : i32 to index
      %get3A_487 = arith.constant 64 : index
      %get3A_488 = tpu.vector_load %arg27[%get3A_486, %get3A_487] {strides = array<i32>} : memref<16x256xf32, #tpu.memory_space<vmem>>, vector<16xf32>,
      %max3A_489 = arith.maximumf %get3A_484, %get3A_488 : vector<16xf32>
      %get3A_490 = arith.constant 0 : i32
      %get3A_491 = arith.index_cast %get3A_490 : i32 to index
      %get3A_492 = arith.constant 80 : index
      %get3A_493 = tpu.vector_load %arg26[%get3A_491, %get3A_492] {strides = array<i32>} : memref<16x256xf32, #tpu.memory_space<vmem>>, vector<16xf32>,
      %get3A_494 = arith.constant 0 : i32
      %get3A_495 = arith.index_cast %get3A_494 : i32 to index
      %get3A_496 = arith.constant 80 : index
      %get3A_497 = tpu.vector_load %arg27[%get3A_495, %get3A_496] {strides = array<i32>} : memref<16x256xf32, #tpu.memory_space<vmem>>, vector<16xf32>,
      %max3A_498 = arith.maximumf %get3A_493, %get3A_497 : vector<16xf32>
      %get3A_499 = arith.constant 0 : i32
      %get3A_500 = arith.index_cast %get3A_499 : i32 to index
      %get3A_501 = arith.constant 96 : index
      %get3A_502 = tpu.vector_load %arg26[%get3A_500, %get3A_501] {strides = array<i32>} : memref<16x256xf32, #tpu.memory_space<vmem>>, vector<16xf32>,
      %get3A_503 = arith.constant 0 : i32
      %get3A_504 = arith.index_cast %get3A_503 : i32 to index
      %get3A_505 = arith.constant 96 : index
      %get3A_506 = tpu.vector_load %arg27[%get3A_504, %get3A_505] {strides = array<i32>} : memref<16x256xf32, #tpu.memory_space<vmem>>, vector<16xf32>,
      %max3A_507 = arith.maximumf %get3A_502, %get3A_506 : vector<16xf32>
      %get3A_508 = arith.constant 0 : i32
      %get3A_509 = arith.index_cast %get3A_508 : i32 to index
      %get3A_510 = arith.constant 112 : index
      %get3A_511 = tpu.vector_load %arg26[%get3A_509, %get3A_510] {strides = array<i32>} : memref<16x256xf32, #tpu.memory_space<vmem>>, vector<16xf32>,
      %get3A_512 = arith.constant 0 : i32
      %get3A_513 = arith.index_cast %get3A_512 : i32 to index
      %get3A_514 = arith.constant 112 : index
      %get3A_515 = tpu.vector_load %arg27[%get3A_513, %get3A_514] {strides = array<i32>} : memref<16x256xf32, #tpu.memory_space<vmem>>, vector<16xf32>,
      %max3A_516 = arith.maximumf %get3A_511, %get3A_515 : vector<16xf32>
      %get3A_517 = arith.constant 0 : i32
      %get3A_518 = arith.index_cast %get3A_517 : i32 to index
      %get3A_519 = arith.constant 128 : index
      %get3A_520 = tpu.vector_load %arg26[%get3A_518, %get3A_519] {strides = array<i32>} : memref<16x256xf32, #tpu.memory_space<vmem>>, vector<16xf32>,
      %get3A_521 = arith.constant 0 : i32
      %get3A_522 = arith.index_cast %get3A_521 : i32 to index
      %get3A_523 = arith.constant 128 : index
      %get3A_524 = tpu.vector_load %arg27[%get3A_522, %get3A_523] {strides = array<i32>} : memref<16x256xf32, #tpu.memory_space<vmem>>, vector<16xf32>,
      %max3A_525 = arith.maximumf %get3A_520, %get3A_524 : vector<16xf32>
      %get3A_526 = arith.constant 0 : i32
      %get3A_527 = arith.index_cast %get3A_526 : i32 to index
      %get3A_528 = arith.constant 144 : index
      %get3A_529 = tpu.vector_load %arg26[%get3A_527, %get3A_528] {strides = array<i32>} : memref<16x256xf32, #tpu.memory_space<vmem>>, vector<16xf32>,
      %get3A_530 = arith.constant 0 : i32
      %get3A_531 = arith.index_cast %get3A_530 : i32 to index
      %get3A_532 = arith.constant 144 : index
      %get3A_533 = tpu.vector_load %arg27[%get3A_531, %get3A_532] {strides = array<i32>} : memref<16x256xf32, #tpu.memory_space<vmem>>, vector<16xf32>,
      %max3A_534 = arith.maximumf %get3A_529, %get3A_533 : vector<16xf32>
      %get3A_535 = arith.constant 0 : i32
      %get3A_536 = arith.index_cast %get3A_535 : i32 to index
      %get3A_537 = arith.constant 160 : index
      %get3A_538 = tpu.vector_load %arg26[%get3A_536, %get3A_537] {strides = array<i32>} : memref<16x256xf32, #tpu.memory_space<vmem>>, vector<16xf32>,
      %get3A_539 = arith.constant 0 : i32
      %get3A_540 = arith.index_cast %get3A_539 : i32 to index
      %get3A_541 = arith.constant 160 : index
      %get3A_542 = tpu.vector_load %arg27[%get3A_540, %get3A_541] {strides = array<i32>} : memref<16x256xf32, #tpu.memory_space<vmem>>, vector<16xf32>,
      %max3A_543 = arith.maximumf %get3A_538, %get3A_542 : vector<16xf32>
      %get3A_544 = arith.constant 0 : i32
      %get3A_545 = arith.index_cast %get3A_544 : i32 to index
      %get3A_546 = arith.constant 176 : index
      %get3A_547 = tpu.vector_load %arg26[%get3A_545, %get3A_546] {strides = array<i32>} : memref<16x256xf32, #tpu.memory_space<vmem>>, vector<16xf32>,
      %get3A_548 = arith.constant 0 : i32
      %get3A_549 = arith.index_cast %get3A_548 : i32 to index
      %get3A_550 = arith.constant 176 : index
      %get3A_551 = tpu.vector_load %arg27[%get3A_549, %get3A_550] {strides = array<i32>} : memref<16x256xf32, #tpu.memory_space<vmem>>, vector<16xf32>,
      %max3A_552 = arith.maximumf %get3A_547, %get3A_551 : vector<16xf32>
      %get3A_553 = arith.constant 0 : i32
      %get3A_554 = arith.index_cast %get3A_553 : i32 to index
      %get3A_555 = arith.constant 192 : index
      %get3A_556 = tpu.vector_load %arg26[%get3A_554, %get3A_555] {strides = array<i32>} : memref<16x256xf32, #tpu.memory_space<vmem>>, vector<16xf32>,
      %get3A_557 = arith.constant 0 : i32
      %get3A_558 = arith.index_cast %get3A_557 : i32 to index
      %get3A_559 = arith.constant 192 : index
      %get3A_560 = tpu.vector_load %arg27[%get3A_558, %get3A_559] {strides = array<i32>} : memref<16x256xf32, #tpu.memory_space<vmem>>, vector<16xf32>,
      %max3A_561 = arith.maximumf %get3A_556, %get3A_560 : vector<16xf32>
      %get3A_562 = arith.constant 0 : i32
      %get3A_563 = arith.index_cast %get3A_562 : i32 to index
      %get3A_564 = arith.constant 208 : index
      %get3A_565 = tpu.vector_load %arg26[%get3A_563, %get3A_564] {strides = array<i32>} : memref<16x256xf32, #tpu.memory_space<vmem>>, vector<16xf32>,
      %get3A_566 = arith.constant 0 : i32
      %get3A_567 = arith.index_cast %get3A_566 : i32 to index
      %get3A_568 = arith.constant 208 : index
      %get3A_569 = tpu.vector_load %arg27[%get3A_567, %get3A_568] {strides = array<i32>} : memref<16x256xf32, #tpu.memory_space<vmem>>, vector<16xf32>,
      %max3A_570 = arith.maximumf %get3A_565, %get3A_569 : vector<16xf32>
      %get3A_571 = arith.constant 0 : i32
      %get3A_572 = arith.index_cast %get3A_571 : i32 to index
      %get3A_573 = arith.constant 224 : index
      %get3A_574 = tpu.vector_load %arg26[%get3A_572, %get3A_573] {strides = array<i32>} : memref<16x256xf32, #tpu.memory_space<vmem>>, vector<16xf32>,
      %get3A_575 = arith.constant 0 : i32
      %get3A_576 = arith.index_cast %get3A_575 : i32 to index
      %get3A_577 = arith.constant 224 : index
      %get3A_578 = tpu.vector_load %arg27[%get3A_576, %get3A_577] {strides = array<i32>} : memref<16x256xf32, #tpu.memory_space<vmem>>, vector<16xf32>,
      %max3A_579 = arith.maximumf %get3A_574, %get3A_578 : vector<16xf32>
      %get3A_580 = arith.constant 0 : i32
      %get3A_581 = arith.index_cast %get3A_580 : i32 to index
      %get3A_582 = arith.constant 240 : index
      %get3A_583 = tpu.vector_load %arg26[%get3A_581, %get3A_582] {strides = array<i32>} : memref<16x256xf32, #tpu.memory_space<vmem>>, vector<16xf32>,
      %get3A_584 = arith.constant 0 : i32
      %get3A_585 = arith.index_cast %get3A_584 : i32 to index
      %get3A_586 = arith.constant 240 : index
      %get3A_587 = tpu.vector_load %arg27[%get3A_585, %get3A_586] {strides = array<i32>} : memref<16x256xf32, #tpu.memory_space<vmem>>, vector<16xf32>,
      %max3A_588 = arith.maximumf %get3A_583, %get3A_587 : vector<16xf32>
      %scan3A_589 = arith.constant 1 : i32
      %scan3A_590 = arith.constant 15 : i32
      %scan3A_591 = arith.addi %scan3A_589, %scan3A_590 : i32
      %scan3A_592 = arith.constant 1 : i32
      %scan3A_593:16 = scf.for %scan3A_643 = %scan3A_589 to %scan3A_591 step %scan3A_592 iter_args(%scan3A_644 = %max3A_453, %scan3A_645 = %max3A_462, %scan3A_646 = %max3A_471, %scan3A_647 = %max3A_480, %scan3A_648 = %max3A_489, %scan3A_649 = %max3A_498, %scan3A_650 = %max3A_507, %scan3A_651 = %max3A_516, %scan3A_652 = %max3A_525, %scan3A_653 = %max3A_534, %scan3A_654 = %max3A_543, %scan3A_655 = %max3A_552, %scan3A_656 = %max3A_561, %scan3A_657 = %max3A_570, %scan3A_658 = %max3A_579, %scan3A_659 = %max3A_588) -> (vector<16xf32>, vector<16xf32>, vector<16xf32>, vector<16xf32>, vector<16xf32>, vector<16xf32>, vector<16xf32>, vector<16xf32>, vector<16xf32>, vector<16xf32>, vector<16xf32>, vector<16xf32>, vector<16xf32>, vector<16xf32>, vector<16xf32>, vector<16xf32>)  : i32 {
        %get3A_660 = arith.index_cast %scan3A_643 : i32 to index
        %get3A_661 = arith.constant 0 : index
        %get3A_662 = tpu.vector_load %arg26[%get3A_660, %get3A_661] {strides = array<i32>} : memref<16x256xf32, #tpu.memory_space<vmem>>, vector<16xf32>,
        %max3A_663 = arith.maximumf %scan3A_644, %get3A_662 : vector<16xf32>
        %get3A_664 = arith.index_cast %scan3A_643 : i32 to index
        %get3A_665 = arith.constant 0 : index
        %get3A_666 = tpu.vector_load %arg27[%get3A_664, %get3A_665] {strides = array<i32>} : memref<16x256xf32, #tpu.memory_space<vmem>>, vector<16xf32>,
        %max3A_667 = arith.maximumf %max3A_663, %get3A_666 : vector<16xf32>
        %get3A_668 = arith.index_cast %scan3A_643 : i32 to index
        %get3A_669 = arith.constant 16 : index
        %get3A_670 = tpu.vector_load %arg26[%get3A_668, %get3A_669] {strides = array<i32>} : memref<16x256xf32, #tpu.memory_space<vmem>>, vector<16xf32>,
        %max3A_671 = arith.maximumf %scan3A_645, %get3A_670 : vector<16xf32>
        %get3A_672 = arith.index_cast %scan3A_643 : i32 to index
        %get3A_673 = arith.constant 16 : index
        %get3A_674 = tpu.vector_load %arg27[%get3A_672, %get3A_673] {strides = array<i32>} : memref<16x256xf32, #tpu.memory_space<vmem>>, vector<16xf32>,
        %max3A_675 = arith.maximumf %max3A_671, %get3A_674 : vector<16xf32>
        %get3A_676 = arith.index_cast %scan3A_643 : i32 to index
        %get3A_677 = arith.constant 32 : index
        %get3A_678 = tpu.vector_load %arg26[%get3A_676, %get3A_677] {strides = array<i32>} : memref<16x256xf32, #tpu.memory_space<vmem>>, vector<16xf32>,
        %max3A_679 = arith.maximumf %scan3A_646, %get3A_678 : vector<16xf32>
        %get3A_680 = arith.index_cast %scan3A_643 : i32 to index
        %get3A_681 = arith.constant 32 : index
        %get3A_682 = tpu.vector_load %arg27[%get3A_680, %get3A_681] {strides = array<i32>} : memref<16x256xf32, #tpu.memory_space<vmem>>, vector<16xf32>,
        %max3A_683 = arith.maximumf %max3A_679, %get3A_682 : vector<16xf32>
        %get3A_684 = arith.index_cast %scan3A_643 : i32 to index
        %get3A_685 = arith.constant 48 : index
        %get3A_686 = tpu.vector_load %arg26[%get3A_684, %get3A_685] {strides = array<i32>} : memref<16x256xf32, #tpu.memory_space<vmem>>, vector<16xf32>,
        %max3A_687 = arith.maximumf %scan3A_647, %get3A_686 : vector<16xf32>
        %get3A_688 = arith.index_cast %scan3A_643 : i32 to index
        %get3A_689 = arith.constant 48 : index
        %get3A_690 = tpu.vector_load %arg27[%get3A_688, %get3A_689] {strides = array<i32>} : memref<16x256xf32, #tpu.memory_space<vmem>>, vector<16xf32>,
        %max3A_691 = arith.maximumf %max3A_687, %get3A_690 : vector<16xf32>
        %get3A_692 = arith.index_cast %scan3A_643 : i32 to index
        %get3A_693 = arith.constant 64 : index
        %get3A_694 = tpu.vector_load %arg26[%get3A_692, %get3A_693] {strides = array<i32>} : memref<16x256xf32, #tpu.memory_space<vmem>>, vector<16xf32>,
        %max3A_695 = arith.maximumf %scan3A_648, %get3A_694 : vector<16xf32>
        %get3A_696 = arith.index_cast %scan3A_643 : i32 to index
        %get3A_697 = arith.constant 64 : index
        %get3A_698 = tpu.vector_load %arg27[%get3A_696, %get3A_697] {strides = array<i32>} : memref<16x256xf32, #tpu.memory_space<vmem>>, vector<16xf32>,
        %max3A_699 = arith.maximumf %max3A_695, %get3A_698 : vector<16xf32>
        %get3A_700 = arith.index_cast %scan3A_643 : i32 to index
        %get3A_701 = arith.constant 80 : index
        %get3A_702 = tpu.vector_load %arg26[%get3A_700, %get3A_701] {strides = array<i32>} : memref<16x256xf32, #tpu.memory_space<vmem>>, vector<16xf32>,
        %max3A_703 = arith.maximumf %scan3A_649, %get3A_702 : vector<16xf32>
        %get3A_704 = arith.index_cast %scan3A_643 : i32 to index
        %get3A_705 = arith.constant 80 : index
        %get3A_706 = tpu.vector_load %arg27[%get3A_704, %get3A_705] {strides = array<i32>} : memref<16x256xf32, #tpu.memory_space<vmem>>, vector<16xf32>,
        %max3A_707 = arith.maximumf %max3A_703, %get3A_706 : vector<16xf32>
        %get3A_708 = arith.index_cast %scan3A_643 : i32 to index
        %get3A_709 = arith.constant 96 : index
        %get3A_710 = tpu.vector_load %arg26[%get3A_708, %get3A_709] {strides = array<i32>} : memref<16x256xf32, #tpu.memory_space<vmem>>, vector<16xf32>,
        %max3A_711 = arith.maximumf %scan3A_650, %get3A_710 : vector<16xf32>
        %get3A_712 = arith.index_cast %scan3A_643 : i32 to index
        %get3A_713 = arith.constant 96 : index
        %get3A_714 = tpu.vector_load %arg27[%get3A_712, %get3A_713] {strides = array<i32>} : memref<16x256xf32, #tpu.memory_space<vmem>>, vector<16xf32>,
        %max3A_715 = arith.maximumf %max3A_711, %get3A_714 : vector<16xf32>
        %get3A_716 = arith.index_cast %scan3A_643 : i32 to index
        %get3A_717 = arith.constant 112 : index
        %get3A_718 = tpu.vector_load %arg26[%get3A_716, %get3A_717] {strides = array<i32>} : memref<16x256xf32, #tpu.memory_space<vmem>>, vector<16xf32>,
        %max3A_719 = arith.maximumf %scan3A_651, %get3A_718 : vector<16xf32>
        %get3A_720 = arith.index_cast %scan3A_643 : i32 to index
        %get3A_721 = arith.constant 112 : index
        %get3A_722 = tpu.vector_load %arg27[%get3A_720, %get3A_721] {strides = array<i32>} : memref<16x256xf32, #tpu.memory_space<vmem>>, vector<16xf32>,
        %max3A_723 = arith.maximumf %max3A_719, %get3A_722 : vector<16xf32>
        %get3A_724 = arith.index_cast %scan3A_643 : i32 to index
        %get3A_725 = arith.constant 128 : index
        %get3A_726 = tpu.vector_load %arg26[%get3A_724, %get3A_725] {strides = array<i32>} : memref<16x256xf32, #tpu.memory_space<vmem>>, vector<16xf32>,
        %max3A_727 = arith.maximumf %scan3A_652, %get3A_726 : vector<16xf32>
        %get3A_728 = arith.index_cast %scan3A_643 : i32 to index
        %get3A_729 = arith.constant 128 : index
        %get3A_730 = tpu.vector_load %arg27[%get3A_728, %get3A_729] {strides = array<i32>} : memref<16x256xf32, #tpu.memory_space<vmem>>, vector<16xf32>,
        %max3A_731 = arith.maximumf %max3A_727, %get3A_730 : vector<16xf32>
        %get3A_732 = arith.index_cast %scan3A_643 : i32 to index
        %get3A_733 = arith.constant 144 : index
        %get3A_734 = tpu.vector_load %arg26[%get3A_732, %get3A_733] {strides = array<i32>} : memref<16x256xf32, #tpu.memory_space<vmem>>, vector<16xf32>,
        %max3A_735 = arith.maximumf %scan3A_653, %get3A_734 : vector<16xf32>
        %get3A_736 = arith.index_cast %scan3A_643 : i32 to index
        %get3A_737 = arith.constant 144 : index
        %get3A_738 = tpu.vector_load %arg27[%get3A_736, %get3A_737] {strides = array<i32>} : memref<16x256xf32, #tpu.memory_space<vmem>>, vector<16xf32>,
        %max3A_739 = arith.maximumf %max3A_735, %get3A_738 : vector<16xf32>
        %get3A_740 = arith.index_cast %scan3A_643 : i32 to index
        %get3A_741 = arith.constant 160 : index
        %get3A_742 = tpu.vector_load %arg26[%get3A_740, %get3A_741] {strides = array<i32>} : memref<16x256xf32, #tpu.memory_space<vmem>>, vector<16xf32>,
        %max3A_743 = arith.maximumf %scan3A_654, %get3A_742 : vector<16xf32>
        %get3A_744 = arith.index_cast %scan3A_643 : i32 to index
        %get3A_745 = arith.constant 160 : index
        %get3A_746 = tpu.vector_load %arg27[%get3A_744, %get3A_745] {strides = array<i32>} : memref<16x256xf32, #tpu.memory_space<vmem>>, vector<16xf32>,
        %max3A_747 = arith.maximumf %max3A_743, %get3A_746 : vector<16xf32>
        %get3A_748 = arith.index_cast %scan3A_643 : i32 to index
        %get3A_749 = arith.constant 176 : index
        %get3A_750 = tpu.vector_load %arg26[%get3A_748, %get3A_749] {strides = array<i32>} : memref<16x256xf32, #tpu.memory_space<vmem>>, vector<16xf32>,
        %max3A_751 = arith.maximumf %scan3A_655, %get3A_750 : vector<16xf32>
        %get3A_752 = arith.index_cast %scan3A_643 : i32 to index
        %get3A_753 = arith.constant 176 : index
        %get3A_754 = tpu.vector_load %arg27[%get3A_752, %get3A_753] {strides = array<i32>} : memref<16x256xf32, #tpu.memory_space<vmem>>, vector<16xf32>,
        %max3A_755 = arith.maximumf %max3A_751, %get3A_754 : vector<16xf32>
        %get3A_756 = arith.index_cast %scan3A_643 : i32 to index
        %get3A_757 = arith.constant 192 : index
        %get3A_758 = tpu.vector_load %arg26[%get3A_756, %get3A_757] {strides = array<i32>} : memref<16x256xf32, #tpu.memory_space<vmem>>, vector<16xf32>,
        %max3A_759 = arith.maximumf %scan3A_656, %get3A_758 : vector<16xf32>
        %get3A_760 = arith.index_cast %scan3A_643 : i32 to index
        %get3A_761 = arith.constant 192 : index
        %get3A_762 = tpu.vector_load %arg27[%get3A_760, %get3A_761] {strides = array<i32>} : memref<16x256xf32, #tpu.memory_space<vmem>>, vector<16xf32>,
        %max3A_763 = arith.maximumf %max3A_759, %get3A_762 : vector<16xf32>
        %get3A_764 = arith.index_cast %scan3A_643 : i32 to index
        %get3A_765 = arith.constant 208 : index
        %get3A_766 = tpu.vector_load %arg26[%get3A_764, %get3A_765] {strides = array<i32>} : memref<16x256xf32, #tpu.memory_space<vmem>>, vector<16xf32>,
        %max3A_767 = arith.maximumf %scan3A_657, %get3A_766 : vector<16xf32>
        %get3A_768 = arith.index_cast %scan3A_643 : i32 to index
        %get3A_769 = arith.constant 208 : index
        %get3A_770 = tpu.vector_load %arg27[%get3A_768, %get3A_769] {strides = array<i32>} : memref<16x256xf32, #tpu.memory_space<vmem>>, vector<16xf32>,
        %max3A_771 = arith.maximumf %max3A_767, %get3A_770 : vector<16xf32>
        %get3A_772 = arith.index_cast %scan3A_643 : i32 to index
        %get3A_773 = arith.constant 224 : index
        %get3A_774 = tpu.vector_load %arg26[%get3A_772, %get3A_773] {strides = array<i32>} : memref<16x256xf32, #tpu.memory_space<vmem>>, vector<16xf32>,
        %max3A_775 = arith.maximumf %scan3A_658, %get3A_774 : vector<16xf32>
        %get3A_776 = arith.index_cast %scan3A_643 : i32 to index
        %get3A_777 = arith.constant 224 : index
        %get3A_778 = tpu.vector_load %arg27[%get3A_776, %get3A_777] {strides = array<i32>} : memref<16x256xf32, #tpu.memory_space<vmem>>, vector<16xf32>,
        %max3A_779 = arith.maximumf %max3A_775, %get3A_778 : vector<16xf32>
        %get3A_780 = arith.index_cast %scan3A_643 : i32 to index
        %get3A_781 = arith.constant 240 : index
        %get3A_782 = tpu.vector_load %arg26[%get3A_780, %get3A_781] {strides = array<i32>} : memref<16x256xf32, #tpu.memory_space<vmem>>, vector<16xf32>,
        %max3A_783 = arith.maximumf %scan3A_659, %get3A_782 : vector<16xf32>
        %get3A_784 = arith.index_cast %scan3A_643 : i32 to index
        %get3A_785 = arith.constant 240 : index
        %get3A_786 = tpu.vector_load %arg27[%get3A_784, %get3A_785] {strides = array<i32>} : memref<16x256xf32, #tpu.memory_space<vmem>>, vector<16xf32>,
        %max3A_787 = arith.maximumf %max3A_783, %get3A_786 : vector<16xf32>
        scf.yield %max3A_667, %max3A_675, %max3A_683, %max3A_691, %max3A_699, %max3A_707, %max3A_715, %max3A_723, %max3A_731, %max3A_739, %max3A_747, %max3A_755, %max3A_763, %max3A_771, %max3A_779, %max3A_787 : vector<16xf32>, vector<16xf32>, vector<16xf32>, vector<16xf32>, vector<16xf32>, vector<16xf32>, vector<16xf32>, vector<16xf32>, vector<16xf32>, vector<16xf32>, vector<16xf32>, vector<16xf32>, vector<16xf32>, vector<16xf32>, vector<16xf32>, vector<16xf32>
      }
      %scan3A_594 = arith.constant 15 : i32
      %swap3A_595 = arith.index_cast %add3A_135 : i32 to index
      %swap3A_596 = arith.constant 0 : index
      %swap3A_597 = tpu.vector_load %arg28[%swap3A_595, %swap3A_596] {strides = array<i32>} : memref<128x256xf32, #tpu.memory_space<vmem>>, vector<16xf32>,
      tpu.vector_store %arg28[%swap3A_595, %swap3A_596], %scan3A_593#0 {strides = array<i32>} : memref<128x256xf32, #tpu.memory_space<vmem>>, vector<16xf32>,
      %swap3A_598 = arith.index_cast %add3A_135 : i32 to index
      %swap3A_599 = arith.constant 16 : index
      %swap3A_600 = tpu.vector_load %arg28[%swap3A_598, %swap3A_599] {strides = array<i32>} : memref<128x256xf32, #tpu.memory_space<vmem>>, vector<16xf32>,
      tpu.vector_store %arg28[%swap3A_598, %swap3A_599], %scan3A_593#1 {strides = array<i32>} : memref<128x256xf32, #tpu.memory_space<vmem>>, vector<16xf32>,
      %swap3A_601 = arith.index_cast %add3A_135 : i32 to index
      %swap3A_602 = arith.constant 32 : index
      %swap3A_603 = tpu.vector_load %arg28[%swap3A_601, %swap3A_602] {strides = array<i32>} : memref<128x256xf32, #tpu.memory_space<vmem>>, vector<16xf32>,
      tpu.vector_store %arg28[%swap3A_601, %swap3A_602], %scan3A_593#2 {strides = array<i32>} : memref<128x256xf32, #tpu.memory_space<vmem>>, vector<16xf32>,
      %swap3A_604 = arith.index_cast %add3A_135 : i32 to index
      %swap3A_605 = arith.constant 48 : index
      %swap3A_606 = tpu.vector_load %arg28[%swap3A_604, %swap3A_605] {strides = array<i32>} : memref<128x256xf32, #tpu.memory_space<vmem>>, vector<16xf32>,
      tpu.vector_store %arg28[%swap3A_604, %swap3A_605], %scan3A_593#3 {strides = array<i32>} : memref<128x256xf32, #tpu.memory_space<vmem>>, vector<16xf32>,
      %swap3A_607 = arith.index_cast %add3A_135 : i32 to index
      %swap3A_608 = arith.constant 64 : index
      %swap3A_609 = tpu.vector_load %arg28[%swap3A_607, %swap3A_608] {strides = array<i32>} : memref<128x256xf32, #tpu.memory_space<vmem>>, vector<16xf32>,
      tpu.vector_store %arg28[%swap3A_607, %swap3A_608], %scan3A_593#4 {strides = array<i32>} : memref<128x256xf32, #tpu.memory_space<vmem>>, vector<16xf32>,
      %swap3A_610 = arith.index_cast %add3A_135 : i32 to index
      %swap3A_611 = arith.constant 80 : index
      %swap3A_612 = tpu.vector_load %arg28[%swap3A_610, %swap3A_611] {strides = array<i32>} : memref<128x256xf32, #tpu.memory_space<vmem>>, vector<16xf32>,
      tpu.vector_store %arg28[%swap3A_610, %swap3A_611], %scan3A_593#5 {strides = array<i32>} : memref<128x256xf32, #tpu.memory_space<vmem>>, vector<16xf32>,
      %swap3A_613 = arith.index_cast %add3A_135 : i32 to index
      %swap3A_614 = arith.constant 96 : index
      %swap3A_615 = tpu.vector_load %arg28[%swap3A_613, %swap3A_614] {strides = array<i32>} : memref<128x256xf32, #tpu.memory_space<vmem>>, vector<16xf32>,
      tpu.vector_store %arg28[%swap3A_613, %swap3A_614], %scan3A_593#6 {strides = array<i32>} : memref<128x256xf32, #tpu.memory_space<vmem>>, vector<16xf32>,
      %swap3A_616 = arith.index_cast %add3A_135 : i32 to index
      %swap3A_617 = arith.constant 112 : index
      %swap3A_618 = tpu.vector_load %arg28[%swap3A_616, %swap3A_617] {strides = array<i32>} : memref<128x256xf32, #tpu.memory_space<vmem>>, vector<16xf32>,
      tpu.vector_store %arg28[%swap3A_616, %swap3A_617], %scan3A_593#7 {strides = array<i32>} : memref<128x256xf32, #tpu.memory_space<vmem>>, vector<16xf32>,
      %swap3A_619 = arith.index_cast %add3A_135 : i32 to index
      %swap3A_620 = arith.constant 128 : index
      %swap3A_621 = tpu.vector_load %arg28[%swap3A_619, %swap3A_620] {strides = array<i32>} : memref<128x256xf32, #tpu.memory_space<vmem>>, vector<16xf32>,
      tpu.vector_store %arg28[%swap3A_619, %swap3A_620], %scan3A_593#8 {strides = array<i32>} : memref<128x256xf32, #tpu.memory_space<vmem>>, vector<16xf32>,
      %swap3A_622 = arith.index_cast %add3A_135 : i32 to index
      %swap3A_623 = arith.constant 144 : index
      %swap3A_624 = tpu.vector_load %arg28[%swap3A_622, %swap3A_623] {strides = array<i32>} : memref<128x256xf32, #tpu.memory_space<vmem>>, vector<16xf32>,
      tpu.vector_store %arg28[%swap3A_622, %swap3A_623], %scan3A_593#9 {strides = array<i32>} : memref<128x256xf32, #tpu.memory_space<vmem>>, vector<16xf32>,
      %swap3A_625 = arith.index_cast %add3A_135 : i32 to index
      %swap3A_626 = arith.constant 160 : index
      %swap3A_627 = tpu.vector_load %arg28[%swap3A_625, %swap3A_626] {strides = array<i32>} : memref<128x256xf32, #tpu.memory_space<vmem>>, vector<16xf32>,
      tpu.vector_store %arg28[%swap3A_625, %swap3A_626], %scan3A_593#10 {strides = array<i32>} : memref<128x256xf32, #tpu.memory_space<vmem>>, vector<16xf32>,
      %swap3A_628 = arith.index_cast %add3A_135 : i32 to index
      %swap3A_629 = arith.constant 176 : index
      %swap3A_630 = tpu.vector_load %arg28[%swap3A_628, %swap3A_629] {strides = array<i32>} : memref<128x256xf32, #tpu.memory_space<vmem>>, vector<16xf32>,
      tpu.vector_store %arg28[%swap3A_628, %swap3A_629], %scan3A_593#11 {strides = array<i32>} : memref<128x256xf32, #tpu.memory_space<vmem>>, vector<16xf32>,
      %swap3A_631 = arith.index_cast %add3A_135 : i32 to index
      %swap3A_632 = arith.constant 192 : index
      %swap3A_633 = tpu.vector_load %arg28[%swap3A_631, %swap3A_632] {strides = array<i32>} : memref<128x256xf32, #tpu.memory_space<vmem>>, vector<16xf32>,
      tpu.vector_store %arg28[%swap3A_631, %swap3A_632], %scan3A_593#12 {strides = array<i32>} : memref<128x256xf32, #tpu.memory_space<vmem>>, vector<16xf32>,
      %swap3A_634 = arith.index_cast %add3A_135 : i32 to index
      %swap3A_635 = arith.constant 208 : index
      %swap3A_636 = tpu.vector_load %arg28[%swap3A_634, %swap3A_635] {strides = array<i32>} : memref<128x256xf32, #tpu.memory_space<vmem>>, vector<16xf32>,
      tpu.vector_store %arg28[%swap3A_634, %swap3A_635], %scan3A_593#13 {strides = array<i32>} : memref<128x256xf32, #tpu.memory_space<vmem>>, vector<16xf32>,
      %swap3A_637 = arith.index_cast %add3A_135 : i32 to index
      %swap3A_638 = arith.constant 224 : index
      %swap3A_639 = tpu.vector_load %arg28[%swap3A_637, %swap3A_638] {strides = array<i32>} : memref<128x256xf32, #tpu.memory_space<vmem>>, vector<16xf32>,
      tpu.vector_store %arg28[%swap3A_637, %swap3A_638], %scan3A_593#14 {strides = array<i32>} : memref<128x256xf32, #tpu.memory_space<vmem>>, vector<16xf32>,
      %swap3A_640 = arith.index_cast %add3A_135 : i32 to index
      %swap3A_641 = arith.constant 240 : index
      %swap3A_642 = tpu.vector_load %arg28[%swap3A_640, %swap3A_641] {strides = array<i32>} : memref<128x256xf32, #tpu.memory_space<vmem>>, vector<16xf32>,
      tpu.vector_store %arg28[%swap3A_640, %swap3A_641], %scan3A_593#15 {strides = array<i32>} : memref<128x256xf32, #tpu.memory_space<vmem>>, vector<16xf32>,
    }
    %scan3A_128 = arith.constant 64 : i32
    %mul3A_129 = arith.constant 128 : i32
    %mul3A_130 = arith.muli %add3A, %mul3A_129 : i32
    "tpu.region"() ({
      %run_scoped3A = tpu.sem_alloc : memref<!tpu.dma_semaphore, #tpu.memory_space<semaphore_mem>>
      %dma_start3A_131 = arith.constant 0 : i32
      %dma_start3A_132 = tpu.memref_slice %arg10[%mul3A_130, %dma_start3A_131] : memref<4096x256xf32, #tpu.memory_space<hbm>> -> memref<128x256xf32, #tpu.memory_space<hbm>>
      %dma_start3A_133 = arith.constant 0 : i32
      %dma_start3A_134 = tpu.memref_slice %arg10[%mul3A_130, %dma_start3A_133] : memref<4096x256xf32, #tpu.memory_space<hbm>> -> memref<128x256xf32, #tpu.memory_space<hbm>>
      tpu.enqueue_dma source(%arg28 : memref<128x256xf32, #tpu.memory_space<vmem>>) target(%dma_start3A_134 : memref<128x256xf32, #tpu.memory_space<hbm>>) target_semaphore(%run_scoped3A : memref<!tpu.dma_semaphore, #tpu.memory_space<semaphore_mem>>)
      %dma_wait3A = arith.constant 0 : i32
      %dma_wait3A_135 = tpu.memref_slice %arg10[%mul3A_130, %dma_wait3A] : memref<4096x256xf32, #tpu.memory_space<hbm>> -> memref<128x256xf32, #tpu.memory_space<hbm>>
      %dma_wait3A_136 = arith.constant 0 : i32
      %dma_wait3A_137 = tpu.memref_slice %arg10[%mul3A_130, %dma_wait3A_136] : memref<4096x256xf32, #tpu.memory_space<hbm>> -> memref<128x256xf32, #tpu.memory_space<hbm>>
      tpu.wait_dma2 semaphore(%run_scoped3A : memref<!tpu.dma_semaphore, #tpu.memory_space<semaphore_mem>>) src(%arg28 : memref<128x256xf32, #tpu.memory_space<vmem>>) dst(%dma_wait3A_137 : memref<128x256xf32, #tpu.memory_space<hbm>>)
      tpu.yield
    }) : () -> ()
    return
  }
}

module attributes {stable_mosaic.version = 14 : i64} {
  func.func @_fps_body(%arg0: memref<24x4096xf32, #tpu.memory_space<vmem>>, %arg1: memref<8x512xf32, #tpu.memory_space<vmem>>, %arg2: memref<8x512xf32, #tpu.memory_space<vmem>>, %arg3: memref<8x512xf32, #tpu.memory_space<vmem>>, %arg4: memref<8x512xi32, #tpu.memory_space<vmem>>) attributes {dimension_semantics = [], scalar_prefetch = 0 : i64, scratch_operands = 0 : i64, tpu.core_type = #tpu.core_type<tc>} {
    %get3A = arith.constant 0 : index
    %get3A_0 = arith.constant 0 : index
    %get3A_1 = vector.load %arg0[%get3A, %get3A_0] : memref<24x4096xf32, #tpu.memory_space<vmem>>, vector<24x4096xf32>
    %slice3A = vector.extract_strided_slice %get3A_1 {offsets = [0, 0], sizes = [8, 4096], strides = [1, 1]} : vector<24x4096xf32> to vector<8x4096xf32>
    %slice3A_2 = vector.extract_strided_slice %get3A_1 {offsets = [8, 0], sizes = [8, 4096], strides = [1, 1]} : vector<24x4096xf32> to vector<8x4096xf32>
    %slice3A_3 = vector.extract_strided_slice %get3A_1 {offsets = [16, 0], sizes = [8, 4096], strides = [1, 1]} : vector<24x4096xf32> to vector<8x4096xf32>
    %iota3A = tpu.iota {dimensions = array<i32: 1>} : vector<8x512xi32>
    %iota3A_4 = tpu.iota {dimensions = array<i32: 1>} : vector<8x4096xi32>
    %iota3A_5 = tpu.iota {dimensions = array<i32: 0>} : vector<8x4096xi32>
    %add3A = arith.addi %iota3A_4, %iota3A_5 : vector<8x4096xi32>
    %convert_element_type3A = arith.sitofp %add3A : vector<8x4096xi32> to vector<8x4096xf32>
    %add3A_6 = arith.constant 1.000000e+10 : f32
    %add3A_7 = vector.broadcast %add3A_6 : f32 to vector<8x4096xf32>
    %add3A_8 = arith.addf %convert_element_type3A, %add3A_7 : vector<8x4096xf32>
    %broadcast_in_dim3A = arith.constant 0 : i32
    %broadcast_in_dim3A_9 = vector.broadcast %broadcast_in_dim3A : i32 to vector<8x1xi32>
    %scan3A = arith.constant 0 : i32
    %scan3A_10 = arith.constant 512 : i32
    %scan3A_11 = arith.addi %scan3A, %scan3A_10 : i32
    %scan3A_12 = arith.constant 1 : i32
    %scan3A_13:2 = scf.for %scan3A_15 = %scan3A to %scan3A_11 step %scan3A_12 iter_args(%scan3A_16 = %add3A_8, %scan3A_17 = %broadcast_in_dim3A_9) -> (vector<8x4096xf32>, vector<8x1xi32>)  : i32 {
      %eq3A = vector.broadcast %scan3A_17 : vector<8x1xi32> to vector<8x4096xi32>
      %eq3A_18 = arith.cmpi eq, %iota3A_4, %eq3A : vector<8x4096xi32>
      %jit3A = arith.constant -1.000000e+00 : f32
      %broadcast_in_dim3A_19 = vector.broadcast %jit3A : f32 to vector<8x4096xf32>
      %select_n3A = arith.select %eq3A_18, %slice3A, %broadcast_in_dim3A_19 : vector<8x4096xi1>, vector<8x4096xf32>
      %reduce_max3A = arith.constant dense<0xFF800000> : vector<8xf32>
      %reduce_max3A_20 = vector.multi_reduction <maximumf>, %select_n3A, %reduce_max3A [1] : vector<8x4096xf32> to vector<8xf32>
      %broadcast_in_dim3A_21 = vector.shape_cast %reduce_max3A_20 : vector<8xf32> to vector<8x1xf32>
      %jit3A_22 = arith.constant -1.000000e+00 : f32
      %broadcast_in_dim3A_23 = vector.broadcast %jit3A_22 : f32 to vector<8x4096xf32>
      %select_n3A_24 = arith.select %eq3A_18, %slice3A_2, %broadcast_in_dim3A_23 : vector<8x4096xi1>, vector<8x4096xf32>
      %reduce_max3A_25 = arith.constant dense<0xFF800000> : vector<8xf32>
      %reduce_max3A_26 = vector.multi_reduction <maximumf>, %select_n3A_24, %reduce_max3A_25 [1] : vector<8x4096xf32> to vector<8xf32>
      %broadcast_in_dim3A_27 = vector.shape_cast %reduce_max3A_26 : vector<8xf32> to vector<8x1xf32>
      %jit3A_28 = arith.constant -1.000000e+00 : f32
      %broadcast_in_dim3A_29 = vector.broadcast %jit3A_28 : f32 to vector<8x4096xf32>
      %select_n3A_30 = arith.select %eq3A_18, %slice3A_3, %broadcast_in_dim3A_29 : vector<8x4096xi1>, vector<8x4096xf32>
      %reduce_max3A_31 = arith.constant dense<0xFF800000> : vector<8xf32>
      %reduce_max3A_32 = vector.multi_reduction <maximumf>, %select_n3A_30, %reduce_max3A_31 [1] : vector<8x4096xf32> to vector<8xf32>
      %broadcast_in_dim3A_33 = vector.shape_cast %reduce_max3A_32 : vector<8xf32> to vector<8x1xf32>
      %eq3A_34 = vector.broadcast %scan3A_15 : i32 to vector<8x512xi32>
      %eq3A_35 = arith.cmpi eq, %iota3A, %eq3A_34 : vector<8x512xi32>
      %get3A_36 = arith.constant 0 : index
      %get3A_37 = arith.constant 0 : index
      %get3A_38 = vector.load %arg1[%get3A_36, %get3A_37] : memref<8x512xf32, #tpu.memory_space<vmem>>, vector<8x512xf32>
      %broadcast_in_dim3A_39 = vector.shape_cast %broadcast_in_dim3A_21 : vector<8x1xf32> to vector<8x1xf32>
      %broadcast_in_dim3A_40 = vector.broadcast %broadcast_in_dim3A_39 : vector<8x1xf32> to vector<8x512xf32>
      %select_n3A_41 = arith.select %eq3A_35, %broadcast_in_dim3A_40, %get3A_38 : vector<8x512xi1>, vector<8x512xf32>
      %swap3A = arith.constant 0 : index
      %swap3A_42 = arith.constant 0 : index
      %swap3A_43 = vector.load %arg1[%swap3A, %swap3A_42] : memref<8x512xf32, #tpu.memory_space<vmem>>, vector<8x512xf32>
      tpu.vector_store %arg1[%swap3A, %swap3A_42], %select_n3A_41 {strides = array<i32>} : memref<8x512xf32, #tpu.memory_space<vmem>>, vector<8x512xf32>,
      %get3A_44 = arith.constant 0 : index
      %get3A_45 = arith.constant 0 : index
      %get3A_46 = vector.load %arg2[%get3A_44, %get3A_45] : memref<8x512xf32, #tpu.memory_space<vmem>>, vector<8x512xf32>
      %broadcast_in_dim3A_47 = vector.shape_cast %broadcast_in_dim3A_27 : vector<8x1xf32> to vector<8x1xf32>
      %broadcast_in_dim3A_48 = vector.broadcast %broadcast_in_dim3A_47 : vector<8x1xf32> to vector<8x512xf32>
      %select_n3A_49 = arith.select %eq3A_35, %broadcast_in_dim3A_48, %get3A_46 : vector<8x512xi1>, vector<8x512xf32>
      %swap3A_50 = arith.constant 0 : index
      %swap3A_51 = arith.constant 0 : index
      %swap3A_52 = vector.load %arg2[%swap3A_50, %swap3A_51] : memref<8x512xf32, #tpu.memory_space<vmem>>, vector<8x512xf32>
      tpu.vector_store %arg2[%swap3A_50, %swap3A_51], %select_n3A_49 {strides = array<i32>} : memref<8x512xf32, #tpu.memory_space<vmem>>, vector<8x512xf32>,
      %get3A_53 = arith.constant 0 : index
      %get3A_54 = arith.constant 0 : index
      %get3A_55 = vector.load %arg3[%get3A_53, %get3A_54] : memref<8x512xf32, #tpu.memory_space<vmem>>, vector<8x512xf32>
      %broadcast_in_dim3A_56 = vector.shape_cast %broadcast_in_dim3A_33 : vector<8x1xf32> to vector<8x1xf32>
      %broadcast_in_dim3A_57 = vector.broadcast %broadcast_in_dim3A_56 : vector<8x1xf32> to vector<8x512xf32>
      %select_n3A_58 = arith.select %eq3A_35, %broadcast_in_dim3A_57, %get3A_55 : vector<8x512xi1>, vector<8x512xf32>
      %swap3A_59 = arith.constant 0 : index
      %swap3A_60 = arith.constant 0 : index
      %swap3A_61 = vector.load %arg3[%swap3A_59, %swap3A_60] : memref<8x512xf32, #tpu.memory_space<vmem>>, vector<8x512xf32>
      tpu.vector_store %arg3[%swap3A_59, %swap3A_60], %select_n3A_58 {strides = array<i32>} : memref<8x512xf32, #tpu.memory_space<vmem>>, vector<8x512xf32>,
      %get3A_62 = arith.constant 0 : index
      %get3A_63 = arith.constant 0 : index
      %get3A_64 = vector.load %arg4[%get3A_62, %get3A_63] : memref<8x512xi32, #tpu.memory_space<vmem>>, vector<8x512xi32>
      %broadcast_in_dim3A_65 = vector.shape_cast %scan3A_17 : vector<8x1xi32> to vector<8x1xi32>
      %broadcast_in_dim3A_66 = vector.broadcast %broadcast_in_dim3A_65 : vector<8x1xi32> to vector<8x512xi32>
      %select_n3A_67 = arith.select %eq3A_35, %broadcast_in_dim3A_66, %get3A_64 : vector<8x512xi1>, vector<8x512xi32>
      %swap3A_68 = arith.constant 0 : index
      %swap3A_69 = arith.constant 0 : index
      %swap3A_70 = vector.load %arg4[%swap3A_68, %swap3A_69] : memref<8x512xi32, #tpu.memory_space<vmem>>, vector<8x512xi32>
      tpu.vector_store %arg4[%swap3A_68, %swap3A_69], %select_n3A_67 {strides = array<i32>} : memref<8x512xi32, #tpu.memory_space<vmem>>, vector<8x512xi32>,
      %sub3A = vector.broadcast %broadcast_in_dim3A_21 : vector<8x1xf32> to vector<8x4096xf32>
      %sub3A_71 = arith.subf %slice3A, %sub3A : vector<8x4096xf32>
      %sub3A_72 = vector.broadcast %broadcast_in_dim3A_27 : vector<8x1xf32> to vector<8x4096xf32>
      %sub3A_73 = arith.subf %slice3A_2, %sub3A_72 : vector<8x4096xf32>
      %sub3A_74 = vector.broadcast %broadcast_in_dim3A_33 : vector<8x1xf32> to vector<8x4096xf32>
      %sub3A_75 = arith.subf %slice3A_3, %sub3A_74 : vector<8x4096xf32>
      %mul3A = arith.mulf %sub3A_71, %sub3A_71 : vector<8x4096xf32>
      %mul3A_76 = arith.mulf %sub3A_73, %sub3A_73 : vector<8x4096xf32>
      %add3A_77 = arith.addf %mul3A, %mul3A_76 : vector<8x4096xf32>
      %mul3A_78 = arith.mulf %sub3A_75, %sub3A_75 : vector<8x4096xf32>
      %add3A_79 = arith.addf %add3A_77, %mul3A_78 : vector<8x4096xf32>
      %min3A = arith.minimumf %scan3A_16, %add3A_79 : vector<8x4096xf32>
      %reduce_max3A_80 = arith.constant dense<0xFF800000> : vector<8xf32>
      %reduce_max3A_81 = vector.multi_reduction <maximumf>, %min3A, %reduce_max3A_80 [1] : vector<8x4096xf32> to vector<8xf32>
      %broadcast_in_dim3A_82 = vector.shape_cast %reduce_max3A_81 : vector<8xf32> to vector<8x1xf32>
      %eq3A_83 = vector.broadcast %broadcast_in_dim3A_82 : vector<8x1xf32> to vector<8x4096xf32>
      %eq3A_84 = arith.cmpf oeq, %min3A, %eq3A_83 : vector<8x4096xf32>
      %jit3A_85 = arith.constant 4096 : i32
      %broadcast_in_dim3A_86 = vector.broadcast %jit3A_85 : i32 to vector<8x4096xi32>
      %select_n3A_87 = arith.select %eq3A_84, %iota3A_4, %broadcast_in_dim3A_86 : vector<8x4096xi1>, vector<8x4096xi32>
      %reduce_min3A = arith.constant dense<2147483647> : vector<8xi32>
      %reduce_min3A_88 = vector.multi_reduction <minsi>, %select_n3A_87, %reduce_min3A [1] : vector<8x4096xi32> to vector<8xi32>
      %broadcast_in_dim3A_89 = vector.shape_cast %reduce_min3A_88 : vector<8xi32> to vector<8x1xi32>
      scf.yield %min3A, %broadcast_in_dim3A_89 : vector<8x4096xf32>, vector<8x1xi32>
    }
    %scan3A_14 = arith.constant 512 : i32
    return
  }
}

</mosaic_0001>

<sc_bundles>
// kernel: kernel.4.cloned.1.call-start
scs
__scs_entry_jumppad:
0x0: {  	(pc) =	sbr.rel $0x88, $3  }
0x1: {  	(tag) =	ssettag $0x0;
	lr =	simm.s32 $0x1  }
0x2: {  	[smem:$0x3F9F] =	sst lr;
	_ =	strace $0xD0000000  }
0x3: {  	_ = 	snop  }
0x4: {  	_ = 	snop  }
0x5: {  	_ = 	snop  }
0x6: {  	_ = 	snop  }
0x7: {  	_ = 	snop  }
__scs_overlays_trampoline_lowered:
0x8: {  	[smem:$0x3FAE] =	sst s0  }
0x9: {  	[smem:$0x3FAF] =	sst s1  }
0xa: {  	[smem:$0x3FB0] =	sst s2  }
0xb: {  	[smem:$0x3FB1] =	sst s3  }
0xc: {  	[smem:$0x3FB2] =	sst s4  }
0xd: {  	[smem:$0x3FB3] =	sst s5  }
0xe: {  	[smem:$0x3FB4] =	sst s6  }
0xf: {  	[smem:$0x3FB5] =	sst s7  }
0x10: {  	[smem:$0x3FB6] =	sst s8  }
0x11: {  	[smem:$0x3FB7] =	sst s9;
	s0 =	simm.s32 @!p0 $0x0  }
0x12: {  	s1 =	sld [smem:$0x3F9D];
	s0 =	simm.s32 @p0 $0x1  }
0x13: {  	[smem:$0x3FB8] =	sst s0;
	s0 =	simm.s32 @!p1 $0x0  }
0x14: {  	s2 =	sld [smem:$0x3F9C];
	s0 =	simm.s32 @p1 $0x1  }
0x15: {  	[smem:$0x3FB9] =	sst s0;
	s0 =	simm.s32 @!p2 $0x0  }
0x16: {  	s3 =	sld [smem:$0x3FDB];
	s0 =	simm.s32 @p2 $0x1  }
0x17: {  	s4 =	simm.s32 $0x1BF5;
	[smem:$0x3FBB] =	sst s0  }
0x18: {  	s0 =	sld [smem:$0x3F9E];
	_ =	swait.ge [sflag:s4], $0x0  }
0x19: {  	s7 =	sld [smem:$0x3F9F]  }
0x1a: {  	s8 =	sadd.s32 $0xFFFFE003, lr  }
0x1b: {  	s9 =	sadd.s32 $0xFFFFFEF7, lr;
	s5 =	simm.s32 $0xFFFFFFFF;
	p2 =	slt.u32 s8, $0xFFFFF086  }
0x1c: {  	p1 =	slt.u32 s9, $0xF7A;
	s5 =	simm.s32 @!p2 $0x0  }
0x1d: {  	s5 =	simm.s32 @p1 $0x1;
	p0 =	seq.s32 s7, s2  }
0x1e: {  	s7 =	smul.u32 @!p0 $0xF7A, s2;
	p2 =	seq.s32 @!p0 s5, $0x0  }
0x1f: {  	s9 =	smul.u32 $0xF7A, s1;
	s8 =	simm.s32 @!p0 $0x1BF5;
	p2 =	por !p2, p0  }
0x20: {  	[sflag:s8] =	ssyncset.s32 @!p0 $0xFFFFF086;
	s6 =	sadd.s32 @!p0 s3, s7;
	s7 =	simm.s32 @!p0 $0x108  }
0x21: {  	s3 =	sadd.s32 s3, s9;
	s6 =	sadd.s32 @!p0 $0x88, s6;
	s7 =	simm.s32 @p2 $0x1082  }
0x22: {  	[simem:s7], [sflag:s8] =	dma.local @!p0 [hbm:s6], $0xF7A  }
0x23: {  	s9 =	sor.u32 $0xD0000000, s2;
	s6 =	simm.s32 $0x108;
	_ =	swait.ge @!p0 [sflag:s8], $0x0  }
0x24: {  	s3 =	sadd.s32 $0x88, s3;
	s6 =	simm.s32 @!p1 $0x1082;
	[sflag:s4] =	ssyncset.s32 $0xFFFFF086  }
0x25: {  	[simem:s6], [sflag:s4] =	dma.local [hbm:s3], $0xF7A  }
0x26: {  	[smem:$0x3F9F] =	sst s1;
	(tag) =	ssettag s2;
	_ =	strace s9  }
0x27: {  	s1 =	sld [smem:$0x3FAF]  }
0x28: {  	s2 =	sld [smem:$0x3FB0]  }
0x29: {  	s4 =	sld [smem:$0x3FB2]  }
0x2a: {  	p0 =	seq.s32 s5, $0x0;
	s5 =	sld [smem:$0x3FB3]  }
0x2b: {  	s6 =	sld [smem:$0x3FB4]  }
0x2c: {  	s7 =	sld [smem:$0x3FB5]  }
0x2d: {  	s3 =	simm.s32 $0x108;
	s8 =	sld [smem:$0x3FB6]  }
0x2e: {  	s3 =	simm.s32 @!p0 $0x1082;
	s9 =	sld [smem:$0x3FB7]  }
0x2f: {  	lr =	sadd.s32 s0, s3;
	s0 =	sld [smem:$0x3FAE]  }
0x30: {  	s3 =	sld [smem:$0x3FB1]  }
0x31: {  	[smem:$0x3FBA] =	sst s10  }
0x32: {  	s10 =	sld [smem:$0x3FB8];
	_ =	sdelay $0x3  }
0x33: {  	p0 =	seq.s32 s10, $0x1;
	s10 =	sld [smem:$0x3FBA];
	_ =	sdelay $0x3  }
0x34: {  	[smem:$0x3FBA] =	sst s10  }
0x35: {  	s10 =	sld [smem:$0x3FB9];
	_ =	sdelay $0x3  }
0x36: {  	p1 =	seq.s32 s10, $0x1;
	s10 =	sld [smem:$0x3FBA];
	_ =	sdelay $0x3  }
0x37: {  	[smem:$0x3FBA] =	sst s10  }
0x38: {  	s10 =	sld [smem:$0x3FBB]  }
0x39: {  	_ = 	snop;
	(pc) =	sbr.ind lr, $3  }
0x3a: {  	_ = 	snop  }
0x3b: {  	_ = 	snop  }
0x3c: {  	p2 =	seq.s32 s10, $0x1;
	s10 =	sld [smem:$0x3FBA]  }
0x3d: {  	_ =	shalt  }
0x3e: {  	_ =	shalt  }
0x3f: {  	_ =	shalt  }
0x40: {  	_ =	shalt  }
0x41: {  	_ =	shalt  }
0x42: {  	_ =	shalt  }
0x43: {  	_ =	shalt  }
0x44: {  	_ =	shalt  }
0x45: {  	_ =	shalt  }
0x46: {  	_ =	shalt  }
0x47: {  	_ =	shalt  }
0x48: {  	_ =	shalt  }
0x49: {  	_ =	shalt  }
0x4a: {  	_ =	shalt  }
0x4b: {  	_ =	shalt  }
0x4c: {  	_ =	shalt  }
0x4d: {  	_ =	shalt  }
0x4e: {  	_ =	shalt  }
0x4f: {  	_ =	shalt  }
0x50: {  	_ =	shalt  }
0x51: {  	_ =	shalt  }
0x52: {  	_ =	shalt  }
0x53: {  	_ =	shalt  }
0x54: {  	_ =	shalt  }
0x55: {  	_ =	shalt  }
0x56: {  	_ =	shalt  }
0x57: {  	_ =	shalt  }
0x58: {  	_ =	shalt  }
0x59: {  	_ =	shalt  }
0x5a: {  	_ =	shalt  }
0x5b: {  	_ =	shalt  }
0x5c: {  	_ =	shalt  }
0x5d: {  	_ =	shalt  }
0x5e: {  	_ =	shalt  }
0x5f: {  	_ =	shalt  }
0x60: {  	_ =	shalt  }
0x61: {  	_ =	shalt  }
0x62: {  	_ =	shalt  }
0x63: {  	_ =	shalt  }
0x64: {  	_ =	shalt  }
0x65: {  	_ =	shalt  }
0x66: {  	_ =	shalt  }
0x67: {  	_ =	shalt  }
0x68: {  	_ =	shalt  }
0x69: {  	_ =	shalt  }
0x6a: {  	_ =	shalt  }
0x6b: {  	_ =	shalt  }
0x6c: {  	_ =	shalt  }
0x6d: {  	_ =	shalt  }
0x6e: {  	_ =	shalt  }
0x6f: {  	_ =	shalt  }
0x70: {  	_ =	shalt  }
0x71: {  	_ =	shalt  }
0x72: {  	_ =	shalt  }
0x73: {  	_ =	shalt  }
0x74: {  	_ =	shalt  }
0x75: {  	_ =	shalt  }
0x76: {  	_ =	shalt  }
0x77: {  	_ =	shalt  }
0x78: {  	_ =	shalt  }
0x79: {  	_ =	shalt  }
0x7a: {  	_ =	shalt  }
0x7b: {  	_ =	shalt  }
0x7c: {  	_ =	shalt  }
0x7d: {  	_ =	shalt  }
0x7e: {  	_ =	shalt  }
0x7f: {  	_ =	shalt  }
0x80: {  	_ =	shalt  }
0x81: {  	_ =	shalt  }
0x82: {  	_ =	shalt  }
0x83: {  	_ =	shalt  }
0x84: {  	_ =	shalt  }
0x85: {  	_ =	shalt  }
0x86: {  	_ =	shalt  }
0x87: {  	_ =	shalt  }
.Lfunc_end0:
.L_simem_size_0:
called_computation.1_lowered:
.L_overlay_start_0:
0x88: {  	s2 =	sld [smem:$0x3FD9]  }
0x89: {  	s3 =	sld [smem:$0x3FFE];
	_ =	sdelay $0x1  }
0x8a: {  	s1 =	srdreg.scid  }
0x8b: {  	s0 =	sand.u32 $0x1, s1  }
0x8c: {  	s14 =	sshll.u32 s0, $0xA;
	s2 =	sadd.s32 s3, s2  }
0x8d: {  	s2 =	sadd.s32 s2, s14  }
0x8e: {  	[smem:$0x3FC6] =	sst s2  }
0x8f: {  	_ = 	snop  }
0x90: {  	s2 =	sld [smem:$0x3FD0];
	_ =	sdelay $0x2  }
0x91: {  	s15 =	simm.s32 $0xA;
	s4 =	simm.s32 $0x10  }
0x92: {  	[smem:s4], [sflag:s15] =	dma.local [hbm:s2], $0x1  }
0x93: {  	_ =	swait.eq [sflag:s15], $0x1  }
0x94: {  	[sflag:s15] =	ssyncset.done $0x0  }
0x95: {  	[sflag:s15] =	ssyncadd.s32 $0xFFFFFFFF  }
0x96: {  	s16 =	sld [smem:$0x11];
	(tm) =	ssettm $0x1  }
0x97: {  	s17 =	sld [smem:$0x3FFB];
	_ =	sdelay $0x3  }
0x98: {  	_ =	strace s17  }
0x99: {  	s3 =	sld [smem:$0x3FFC];
	_ =	sdelay $0x3  }
0x9a: {  	_ =	strace s3  }
0x9b: {  	s3 =	sld [smem:$0x3FFD];
	_ =	sdelay $0x3  }
0x9c: {  	_ =	strace s3  }
0x9d: {  	_ =	strace $0x8FFFFFFF  }
0x9e: {  	s18 =	sld [smem:$0x3FDB];
	_ =	sdelay $0x1  }
0x9f: {  	s19 =	simm.s32 $_scs_section_size  }
0xa0: {  	s5 =	simm.s32 $_size__tile_overlayer_lowered;
	s6 =	simm.s32 $_tile_overlayer_lowered  }
0xa1: {  	s22 =	simm.s32 $0x1BFF;
	s21 =	sshll.u32 s6, $0x1;
	s3 =	sadd.s32 s19, s18  }
0xa2: {  	s7 =	simm.s32 $0x0;
	s20 =	sshll.u32 s5, $0x1;
	s5 =	sadd.s32 s21, s3  }
0xa3: {  	[timem:s7], [sflag:s22] =	dma.local [hbm:s5], s20  }
0xa4: {  	_ =	swait.ge [sflag:s22], s20  }
0xa5: {  	s4 =	ssub.s32 $0x0, s20;
	[sflag:s22] =	ssyncset.done $0x0  }
0xa6: {  	[sflag:s22] =	ssyncadd.s32 s4;
	_ =	sdelay $0x1  }
0xa7: {  	s23 =	simm.s32 $0x1B8B  }
0xa8: {  	_ =	swait.ge [sflag:s23], $0x1  }
0xa9: {  	[sflag:s23] =	ssyncset.done $0x0  }
0xaa: {  	s25 =	simm.s32 $0x1B8E;
	s24 =	sld [smem:$0x3FFE];
	[sflag:s23] =	ssyncadd.s32 $0xFFFFFFFF  }
0xab: {  	s26 =	simm.s32 $execute0_lowered;
	[smem:$0x3FD2] =	sst s25  }
0xac: {  	s5 =	sshll.u32 s26, $0x1;
	_ =	strace $0x80000049;
	[dreg:$0x1] =	wrdreg $0xFFFFFFFF  }
0xad: {  	s28 =	simm.s32 $_size_execute0_lowered;
	s3 =	sadd.s32 s3, s5;
	[dreg:$0x0] =	wrdreg $0x0  }
0xae: {  	s5 =	sshll.u32 s28, $0x1;
	[dreg:$0x2] =	wrdreg s3  }
0xaf: {  	[dreg:$0x3] =	wrdreg s5  }
0xb0: {  	[dreg:$0x4] =	wrdreg $0xC0  }
0xb1: {  	_ =	task [dreg:s7], $0x5FFFF  }
0xb2: {  	[dreg:$0x1] =	wrdreg $0xFFFFFFFF  }
0xb3: {  	[dreg:$0x0] =	wrdreg $0x60  }
0xb4: {  	[dreg:$0x2] =	wrdreg s24  }
0xb5: {  	[dreg:$0x3] =	wrdreg s16  }
0xb6: {  	[dreg:$0x4] =	wrdreg $0x9  }
0xb7: {  	_ =	task.clear_ibuf [dreg:s7], $0x5FFFF;
	_ =	strace $0x90000049  }
0xb8: {  	s29 =	simm.s32 $0x9;
	_ =	strace $0x8000004B  }
0xb9: {  	_ =	swait.ge [sflag:s29], $0x1  }
0xba: {  	[sflag:s29] =	ssyncadd.s32 $0xFFFFFFFF  }
0xbb: {  	_ =	strace $0x9000004B  }
0xbc: {  	_ =	sfence  }
0xbd: {  	s30 =	sld [smem:$0x0];
	_ =	sdelay $0x2  }
0xbe: {  	s31 =	sshll.u32 s1, $0xD;
	s1 =	sshrl.u32 s1, $0x2  }
0xbf: {  	s3 =	sand.u32 $0x4000, s31;
	s1 =	sadd.s32 s1, s30  }
0xc0: {  	s0 =	sor.u32 s3, s0;
	s1 =	sshll.u32 s1, $0x11  }
0xc1: {  	s0 =	sor.u32 s1, s0  }
0xc2: {  	s0 =	sadd.s32 $0x8F2B, s0  }
0xc3: {  	[sflag:s0] =	ssyncadd.remote.s32 $0x1  }
0xc4: {  	_ =	sfence.sel $0xFFFF  }
0xc5: {  	[dreg:$0x0] =	wrdreg $0xFFFFFFFF;
	(pc) =	sbr.abs _section_cstart, $3  }
0xc6: {  	[dreg:$0x1] =	wrdreg $0xFFFFFFFF  }
0xc7: {  	_ =	task.clear_ibuf [dreg:s7], $0x2FFFF;
	_ =	strace $0x9FFFFFFF  }
0xc8: {  	(tm) =	ssettm $0x7FFFFFFF  }
0xc9: {  	_ =	shalt  }
tec
execute0_lowered:
.L_overlay_start_1:
0x0: {  	(tag) =	ssettag $0x1  }
0x1: {  	s0 =	rddreg [dreg:$0x0];
	s1 =	simm.s32 $0x0  }
0x2: {  	[smem:$0x7FF] =	sst s1  }
0x3: {  	s2 =	rddreg [dreg:$0x1];
	v0 =	vimm.s32 $0x80000000;
	_ =	strace $0x8000004A  }
0x4: {  	(xrf0) =	vmax.scan.msk.u32 $0xffff, v0;
	_ =	sdelay $0x4  }
0x5: {  	s10 =	stileid.u32  }
0x6: {  	s3 =	srdreg.scid;
	s28 =	simm.s32 $0x5300;
	s29 =	simm.s32 $0x5B00;
	v0, _, _ =	vpop (xrf0)  }
0x7: {  	s30 =	simm.s32 $0x6300;
	s31 =	simm.s32 $0x6B00;
	s4 =	sshrl.u32 s10, $0x1;
	(v2sf) =	vpush v0, $0xF  }
0x8: {  	s5 =	sand.u32 $0x1, s3;
	s3 =	sadd.s32 $0xE00, s0;
	s18 =	sshll.u32 s10, $0x1  }
0x9: {  	s15 =	sshll.u32 s4, $0x4;
	s6 =	sshll.u32 s4, $0x6;
	s7 =	ssub.s32 $0x2, s5  }
0xa: {  	s5 =	sor.u32 s5, s18;
	s4 =	sshll.u32 s4, $0xC;
	s8 =	sadd.s32 s15, s0  }
0xb: {  	s18 =	simm.s32 $0x3;
	s9 =	sadd.s32 s6, s0;
	s19 =	sadd.s32 $0x103600, s8  }
0xc: {  	s16 =	sshrl.u32 s7, $0x1;
	s20 =	sadd.s32 $0x102600, s8;
	[dreg:$0x3] =	wrdreg s19  }
0xd: {  	s6 =	sand.u32 $0x3, s5;
	s21 =	sadd.s32 $0x101600, s8;
	[dreg:$0x4] =	wrdreg s20  }
0xe: {  	s5 =	sshll.u32 s5, $0xC;
	s22 =	sadd.s32 $0x101400, s9;
	[dreg:$0x5] =	wrdreg s21  }
0xf: {  	s17 =	ssub.s32 s7, s16;
	s23 =	sadd.s32 $0x101200, s9;
	[dreg:$0x6] =	wrdreg s22  }
0x10: {  	s24 =	sadd.s32 $0x101000, s9;
	s25 =	sadd.s32 $0x100E00, s9;
	[dreg:$0x7] =	wrdreg s23  }
0x11: {  	s12 =	sor.u32 $0x8, s6;
	s2 =	sadd.s32 s2, s5;
	[dreg:$0x8] =	wrdreg s24  }
0x12: {  	s16 =	sor.u32 $0x70, s4;
	s7 =	simm.s32 $0x0;
	[dreg:$0x9] =	wrdreg s25  }
0x13: {  	[dreg:$0xa] =	wrdreg s2;
	s0 =	smax.u32 s17, $0x1;
	s21 =	simm.s32 $0x4000  }
0x14: {  	s22 =	simm.s32 $0x4200;
	s23 =	simm.s32 $0x4400;
	s24 =	simm.s32 $0x4600;
	v0 =	vmov s4  }
0x15: {  	v2 =	vlaneseq.u32;
	s25 =	simm.s32 $0x4800;
	s2 =	simm.s32 $0x7B00;
	s19 =	simm.s32 $0x8300;
	[tilespmem:$0x1FFD0] =	vst v0;
	v0 =	vmov s6  }
0x16: {  	v3 =	vimm.s32 $0x0;
	v5 =	vshrl.u32 v2, $0x3;
	s20 =	simm.s32 $0x1;
	[dreg:$0xb] =	wrdreg s0;
	[tilespmem:$0x1FFE0] =	vst v0;
	v0 =	vand.u32 $0x7, v2;
	s26 =	spop (v2sf)  }
0x17: {  	vm0 =	vmmov $0xffff;
	v6 =	vor.u32 $0x8, v2;
	v5 =	vmul.u32 $0x8, v5;
	s0 =	simm.s32 $0x7300;
	s4 =	simm.s32 $0x2;
	[tilespmem:$0x1FFF0] =	vst v0;
	p0 =	sgt.u32 s26, $0x8000001F  }
.LBB2_1:
0x18: {  	[dreg:$0xc] =	wrdreg s7  }
0x19: {  	s5 =	rddreg [dreg:$0x3];
	s26 =	simm.s32 $0x80;
	s8 =	simm.s32 $0x400  }
0x1a: {  	[tilespmem:s1], [sflag:$0x3] =	stream.strided.gather [hbm4b:s5+s26], $0x1000, s8, s26, $0x38;
	[tilespmem:$0x10B00] =	vst v63  }
0x1b: {  	_ =	swait.ge [sflag:s18], $0x1000  }
0x1c: {  	[sflag:s18] =	ssyncset.done $0x0  }
0x1d: {  	s9 =	simm.s32 $0x1000;
	s10 =	rddreg [dreg:$0x4];
	[sflag:s18] =	ssyncadd.s32 $0xFFFFF000  }
0x1e: {  	[tilespmem:s9], [sflag:$0x3] =	stream.strided.gather [hbm4b:s10+s26], $0x1000, s8, s26, $0x38;
	[tilespmem:$0x10B00] =	vst v63  }
0x1f: {  	_ =	swait.ge [sflag:s18], $0x1000  }
0x20: {  	[sflag:s18] =	ssyncset.done $0x0  }
0x21: {  	s13 =	simm.s32 $0x2000;
	s11 =	rddreg [dreg:$0x5];
	[sflag:s18] =	ssyncadd.s32 $0xFFFFF000  }
0x22: {  	[tilespmem:s13], [sflag:$0x3] =	stream.strided.gather [hbm4b:s11+s26], $0x1000, s8, s26, $0x38;
	[tilespmem:$0x10B00] =	vst v63  }
0x23: {  	_ =	swait.ge [sflag:s18], $0x1000  }
0x24: {  	[sflag:s18] =	ssyncset.done $0x0  }
0x25: {  	s14 =	rddreg [dreg:$0x6];
	[sflag:s18] =	ssyncadd.s32 $0xFFFFF000  }
0x26: {  	[tilespmem:s21], [sflag:$0x3] =	stream.linear.gather [hbm4b:s14+s1], $0x200, $0x38;
	[tilespmem:$0x10B00] =	vst v63  }
0x27: {  	_ =	swait.ge [sflag:s18], $0x200  }
0x28: {  	[sflag:s18] =	ssyncset.done $0x0  }
0x29: {  	s15 =	rddreg [dreg:$0x7];
	[sflag:s18] =	ssyncadd.s32 $0xFFFFFE00  }
0x2a: {  	[tilespmem:s22], [sflag:$0x3] =	stream.linear.gather [hbm4b:s15+s1], $0x200, $0x38;
	[tilespmem:$0x10B00] =	vst v63  }
0x2b: {  	_ =	swait.ge [sflag:s18], $0x200  }
0x2c: {  	[sflag:s18] =	ssyncset.done $0x0  }
0x2d: {  	s17 =	rddreg [dreg:$0x8];
	[sflag:s18] =	ssyncadd.s32 $0xFFFFFE00  }
0x2e: {  	[tilespmem:s23], [sflag:$0x3] =	stream.linear.gather [hbm4b:s17+s1], $0x200, $0x38;
	[tilespmem:$0x10B00] =	vst v63  }
0x2f: {  	_ =	swait.ge [sflag:s18], $0x200  }
0x30: {  	[sflag:s18] =	ssyncset.done $0x0  }
0x31: {  	s26 =	rddreg [dreg:$0x9];
	[sflag:s18] =	ssyncadd.s32 $0xFFFFFE00  }
0x32: {  	[tilespmem:s24], [sflag:$0x3] =	stream.linear.gather [hbm4b:s26+s1], $0x200, $0x38;
	[tilespmem:$0x10B00] =	vst v63  }
0x33: {  	_ =	swait.ge [sflag:s18], $0x200  }
0x34: {  	[sflag:s18] =	ssyncset.done $0x0  }
0x35: {  	s7 =	simm.s32 $0x0;
	[sflag:s18] =	ssyncadd.s32 $0xFFFFFE00  }
0x36: {  	v7 =	vld [tilespmem:s7+$0x0]  }
0x37: {  	v8 =	vld [tilespmem:s7+$0x1000]  }
0x38: {  	v9 =	vld [tilespmem:s7+$0x2000];
	_ =	sdelay $0x3  }
0x39: {  	v10 =	vshrl.u32 v7, $0x10;
	v11 =	vmul.f32 v7, v7  }
0x3a: {  	v12 =	vshrl.u32 v8, $0x10;
	v63 =	vshrl.u32 v9, $0x10;
	v10 =	vand.u32 $0x1, v10  }
0x3b: {  	v7 =	vadd.s32 v10, v7;
	v10 =	vand.u32 $0x1, v12;
	v12 =	vand.u32 $0x1, v63  }
0x3c: {  	v7 =	vadd.s32 $0x7FFF, v7;
	v10 =	vadd.s32 v10, v8;
	v8 =	vmul.f32 v8, v8  }
0x3d: {  	v12 =	vadd.s32 v12, v9;
	v7 =	vand.u32 $0xFFFF0000, v7;
	v10 =	vadd.s32 $0x7FFF, v10  }
0x3e: {  	s8 =	simm.s32 $0x10;
	v12 =	vadd.s32 $0x7FFF, v12;
	[tilespmem:s7+$0x0] =	vst v7;
	v10 =	vand.u32 $0xFFFF0000, v10  }
0x3f: {  	s9 =	simm.s32 $0x80;
	v9 =	vmul.f32 v9, v9;
	v8 =	vadd.f32 v8, v11;
	v7 =	vld [tilespmem:s8+$0x0];
	[tilespmem:s7+$0x1000] =	vst v10;
	v10 =	vand.u32 $0xFFFF0000, v12  }
.LBB2_2:
0x40: {  	p1 =	sne.s32 s9, $0x3FC0;
	v11 =	vld [tilespmem:s8+$0x1000];
	[tilespmem:s7+$0x2000] =	vst v10  }
0x41: {  	v10 =	vld [tilespmem:s8+$0x2000];
	v8 =	vadd.f32 v9, v8;
	_ =	sdelay $0x1  }
0x42: {  	[tilespmem:s7+$0x3000] =	vst v8;
	s7 =	smov.u32 s8  }
0x43: {  	v8 =	vmul.f32 v7, v7;
	v9 =	vshrl.u32 v7, $0x10  }
0x44: {  	v12 =	vmul.f32 v11, v11;
	v9 =	vand.u32 $0x1, v9;
	v13 =	vshrl.u32 v11, $0x10  }
.Ltmp0:
0x45: {  	v7 =	vadd.s32 v9, v7;
	v9 =	vand.u32 $0x1, v13;
	v13 =	vshrl.u32 v10, $0x10;
	(pc) =	sbr.rel @p1 .LBB2_2-.Ltmp0, $4  }
0x46: {  	v7 =	vadd.s32 $0x7FFF, v7;
	v9 =	vadd.s32 v9, v11;
	v11 =	vand.u32 $0x1, v13  }
0x47: {  	v7 =	vand.u32 $0xFFFF0000, v7;
	v9 =	vadd.s32 $0x7FFF, v9;
	v11 =	vadd.s32 v11, v10  }
0x48: {  	s8 =	sshra.s32 s9, $0x2;
	v8 =	vadd.f32 v12, v8;
	[tilespmem:s7+$0x0] =	vst v7;
	v12 =	vand.u32 $0xFFFF0000, v9;
	v11 =	vadd.s32 $0x7FFF, v11  }
0x49: {  	s9 =	sadd.s32 $0x40, s9;
	v9 =	vmul.f32 v10, v10;
	v7 =	vld [tilespmem:s8+$0x0];
	[tilespmem:s7+$0x1000] =	vst v12;
	v10 =	vand.u32 $0xFFFF0000, v11  }
0x4a: {  	v11 =	vld [tilespmem:s8+$0x1000]  }
0x4b: {  	[tilespmem:s7+$0x2000] =	vst v10  }
0x4c: {  	v10 =	vld [tilespmem:s8+$0x2000];
	_ =	sdelay $0x1  }
0x4d: {  	v8 =	vadd.f32 v9, v8;
	v9 =	vshrl.u32 v7, $0x10  }
0x4e: {  	v12 =	vmul.f32 v7, v7;
	v9 =	vand.u32 $0x1, v9;
	v13 =	vshrl.u32 v11, $0x10  }
0x4f: {  	v0 =	vld [tilespmem:$0x1FFE0];
	v7 =	vadd.s32 v9, v7;
	v9 =	vmul.f32 v11, v11;
	v13 =	vand.u32 $0x1, v13  }
0x50: {  	v63 =	vshrl.u32 v10, $0x10;
	v11 =	vadd.s32 v13, v11;
	v7 =	vadd.s32 $0x7FFF, v7  }
0x51: {  	v13 =	vand.u32 $0x1, v63;
	v7 =	vand.u32 $0xFFFF0000, v7;
	v11 =	vadd.s32 $0x7FFF, v11  }
0x52: {  	[tilespmem:s7+$0x3000] =	vst v8;
	v8 =	vadd.s32 v13, v10;
	v9 =	vadd.f32 v9, v12;
	v10 =	vmul.f32 v10, v10  }
0x53: {  	[tilespmem:s8+$0x0] =	vst v7;
	v7 =	vand.u32 $0xFFFF0000, v11;
	v8 =	vadd.s32 $0x7FFF, v8  }
0x54: {  	[tilespmem:s8+$0x1000] =	vst v7;
	v7 =	vand.u32 $0xFFFF0000, v8;
	v8 =	vadd.f32 v10, v9  }
0x55: {  	[tilespmem:s8+$0x2000] =	vst v7  }
0x56: {  	[tilespmem:s8+$0x3000] =	vst v8  }
0x57: {  	v7 =	vld.idx.msk [tilespmem:v0+s24+$0x0], $0xffff  }
0x58: {  	v10 =	vld.idx.msk [tilespmem:v0+s21+$0x0], $0xffff  }
0x59: {  	v9 =	vld.idx.msk [tilespmem:v0+s22+$0x0], $0xffff  }
0x5a: {  	v8 =	vld.idx.msk [tilespmem:v0+s23+$0x0], $0xffff  }
0x5b: {  	v0 =	vld [tilespmem:$0x1FFD0];
	_ =	sdelay $0x3  }
.Ltmp1:
0x5c: {  	_ = 	snop;
	(pc) =	sbr.rel @p0 .LBB2_6-.Ltmp1, $4  }
0x5d: {  	v7 =	vadd.s32 v0, v7  }
0x5e: {  	[tilespmem:$0x4800] =	vst v7  }
0x5f: {  	[tilespmem:$0x4810] =	vst v7  }
0x60: {  	[tilespmem:$0x4820] =	vst v7  }
0x61: {  	v7 =	vmul.f32 v10, v10;
	v11 =	vmul.f32 v9, v9;
	_ =	sdelay $0x1  }
0x62: {  	v7 =	vadd.f32 v11, v7;
	v11 =	vmul.f32 v8, v8;
	_ =	sdelay $0x1  }
0x63: {  	v7 =	vadd.f32 v11, v7;
	v11 =	vshrl.u32 v10, $0x10  }
0x64: {  	v12 =	vshrl.u32 v9, $0x10;
	v13 =	vshrl.u32 v8, $0x10;
	v11 =	vand.u32 $0x1, v11  }
0x65: {  	v63 =	vand.u32 $0x1, v13;
	v10 =	vadd.s32 v11, v10;
	v11 =	vand.u32 $0x1, v12  }
0x66: {  	v9 =	vadd.s32 v11, v9;
	v10 =	vadd.s32 $0x7FFF, v10;
	v11 =	vadd.s32 v63, v8  }
0x67: {  	s13 =	simm.s32 $0x0;
	s7 =	simm.s32 $0x3040;
	s8 =	simm.s32 $0x2040;
	v8 =	vand.u32 $0xFFFF0000, v10;
	v9 =	vadd.s32 $0x7FFF, v9;
	v10 =	vadd.s32 $0x7FFF, v11  }
0x68: {  	s9 =	simm.s32 $0x1040;
	s10 =	simm.s32 $0x40;
	s11 =	smov.u32 s16;
	v11 =	vimm.s32 $0x0;
	v9 =	vand.u32 $0xFFFF0000, v9;
	v10 =	vand.u32 $0xFFFF0000, v10  }
.LBB2_5:
0x69: {  	v12 =	vld [tilespmem:s10+$0xFFFFFFC0]  }
0x6a: {  	v13 =	vld [tilespmem:s10+$0xFFFFFFD0]  }
0x6b: {  	v14 =	vld [tilespmem:s10+$0xFFFFFFE0]  }
0x6c: {  	v15 =	vld [tilespmem:s10+$0xFFFFFFF0]  }
0x6d: {  	v16 =	vld [tilespmem:s9+$0xFFFFFFC0]  }
0x6e: {  	v17 =	vld [tilespmem:s9+$0xFFFFFFD0]  }
0x6f: {  	v18 =	vld [tilespmem:s9+$0xFFFFFFE0]  }
0x70: {  	v19 =	vld [tilespmem:s9+$0xFFFFFFF0]  }
0x71: {  	v20 =	vld [tilespmem:s8+$0xFFFFFFC0]  }
0x72: {  	v21 =	vld [tilespmem:s8+$0xFFFFFFD0]  }
0x73: {  	v22 =	vld [tilespmem:s8+$0xFFFFFFE0];
	v12 =	vmul.f32 v8, v12;
	v13 =	vmul.f32 v8, v13  }
0x74: {  	v23 =	vld [tilespmem:s8+$0xFFFFFFF0];
	v14 =	vmul.f32 v8, v14;
	v16 =	vmul.f32 v9, v16  }
0x75: {  	v15 =	vmul.f32 v8, v15;
	v17 =	vmul.f32 v9, v17  }
0x76: {  	v18 =	vmul.f32 v9, v18;
	v20 =	vmul.f32 v10, v20;
	v12 =	vadd.f32 v16, v12  }
0x77: {  	v56 =	vmul.f32 v9, v19;
	v57 =	vmul.f32 v10, v21;
	v13 =	vadd.f32 v17, v13  }
0x78: {  	v58 =	vmul.f32 v10, v22;
	v14 =	vadd.f32 v18, v14;
	v12 =	vadd.f32 v20, v12  }
0x79: {  	v59 =	vld [tilespmem:s7+$0xFFFFFFC0];
	v60 =	vmul.f32 v10, v23;
	v15 =	vadd.f32 v56, v15;
	v13 =	vadd.f32 v57, v13  }
0x7a: {  	v61 =	vld [tilespmem:s7+$0xFFFFFFD0];
	v14 =	vadd.f32 v58, v14;
	v12 =	vadd.f32 v12, v12  }
0x7b: {  	v62 =	vld [tilespmem:s7+$0xFFFFFFE0];
	v15 =	vadd.f32 v60, v15;
	v13 =	vadd.f32 v13, v13  }
0x7c: {  	v63 =	vld [tilespmem:s7+$0xFFFFFFF0];
	v14 =	vadd.f32 v14, v14;
	v12 =	vsub.f32 v7, v12  }
0x7d: {  	v15 =	vadd.f32 v15, v15;
	v13 =	vsub.f32 v7, v13  }
0x7e: {  	v14 =	vsub.f32 v7, v14;
	v12 =	vadd.f32 v59, v12  }
0x7f: {  	v15 =	vsub.f32 v7, v15;
	v13 =	vadd.f32 v61, v13  }
0x80: {  	v14 =	vadd.f32 v62, v14;
	vm4 =	vle.f32 v12, $3.999999910e-02  }
0x81: {  	v19 =	vadd.f32 v63, v15;
	vm3 =	vle.f32 v13, $3.999999910e-02;
	v20 =	vsel vm4, $0x1, v3  }
0x82: {  	vm2 =	vle.f32 v14, $3.999999910e-02;
	v21 =	vsel vm3, $0x1, v3;
	(xrf0) =	vadd.scan.msk.s32 $0xffff, v20  }
0x83: {  	vm1 =	vle.f32 v19, $3.999999910e-02;
	v22 =	vsel vm2, $0x1, v3;
	(xrf0) =	vadd.scan.msk.s32 $0xffff, v21  }
0x84: {  	v23 =	vsel vm1, $0x1, v3;
	(xrf0) =	vadd.scan.msk.s32 $0xffff, v22  }
0x85: {  	(xrf0) =	vadd.scan.msk.s32 $0xffff, v23;
	_ =	sdelay $0x1  }
0x86: {  	v24 =	vmpcnt.ones.xlane vm4  }
0x87: {  	v26 =	vmpcnt.ones.xlane vm3;
	v25, _, _ =	vpop (xrf0)  }
0x88: {  	v28 =	vmpcnt.ones.xlane vm2;
	v12 =	vadd.s32 v11, v24;
	v27, _, _ =	vpop (xrf0);
	v11 =	vadd.s32 v25, v11  }
0x89: {  	v14 =	vadd.s32 v26, v12;
	v29, _, _ =	vpop (xrf0);
	v11 =	vadd.s32 $0xFFFFFFFF, v11;
	v12 =	vadd.s32 v27, v12  }
0x8a: {  	v16 =	vadd.s32 v28, v14;
	v30, _, _ =	vpop (xrf0);
	v12 =	vadd.s32 $0xFFFFFFFF, v12;
	v13 =	vadd.s32 v29, v14  }
0x8b: {  	v13 =	vadd.s32 $0xFFFFFFFF, v13;
	v31 =	vadd.s32 v30, v16  }
0x8c: {  	s14 =	sadd.s32 $0xFFFFFF90, s11;
	v14 =	vadd.s32 $0xFFFFFFFF, v31  }
0x8d: {  	s17 =	sadd.s32 $0xFFFFFFA0, s11;
	v32 =	vor.u32 s14, v2  }
0x8e: {  	s26 =	sadd.s32 $0xFFFFFFB0, s11;
	[tilespmem:v11+s25+$0x0] =	vst.idx.msk vm4, v32;
	v11 =	vor.u32 s17, v2  }
0x8f: {  	s5 =	sadd.s32 $0xFFFFFFC0, s11;
	[tilespmem:v12+s25+$0x0] =	vst.idx.msk vm3, v11;
	v11 =	vor.u32 s26, v2  }
0x90: {  	[tilespmem:v13+s25+$0x0] =	vst.idx.msk vm2, v11;
	v11 =	vor.u32 s5, v2  }
0x91: {  	[tilespmem:v14+s25+$0x0] =	vst.idx.msk vm1, v11  }
0x92: {  	v11 =	vld [tilespmem:s10+$0x0]  }
0x93: {  	v12 =	vld [tilespmem:s10+$0x10]  }
0x94: {  	v13 =	vld [tilespmem:s10+$0x20]  }
0x95: {  	v14 =	vld [tilespmem:s10+$0x30]  }
0x96: {  	v15 =	vld [tilespmem:s9+$0x0]  }
0x97: {  	v33 =	vld [tilespmem:s9+$0x10]  }
0x98: {  	v34 =	vld [tilespmem:s9+$0x20]  }
0x99: {  	v35 =	vld [tilespmem:s9+$0x30]  }
0x9a: {  	v36 =	vld [tilespmem:s8+$0x0]  }
0x9b: {  	v37 =	vld [tilespmem:s8+$0x10]  }
0x9c: {  	v38 =	vld [tilespmem:s8+$0x20];
	v11 =	vmul.f32 v8, v11;
	v12 =	vmul.f32 v8, v12  }
0x9d: {  	v39 =	vld [tilespmem:s8+$0x30];
	v13 =	vmul.f32 v8, v13;
	v15 =	vmul.f32 v9, v15  }
0x9e: {  	v14 =	vmul.f32 v8, v14;
	v17 =	vmul.f32 v9, v33  }
0x9f: {  	v18 =	vmul.f32 v9, v34;
	v20 =	vmul.f32 v10, v36  }
0xa0: {  	v40 =	vmul.f32 v9, v35;
	v41 =	vmul.f32 v10, v37;
	v11 =	vadd.f32 v15, v11  }
0xa1: {  	v42 =	vmul.f32 v10, v38;
	v12 =	vadd.f32 v17, v12;
	v13 =	vadd.f32 v18, v13  }
0xa2: {  	v43 =	vld [tilespmem:s7+$0x0];
	v44 =	vmul.f32 v10, v39;
	v14 =	vadd.f32 v40, v14;
	v11 =	vadd.f32 v20, v11  }
0xa3: {  	v45 =	vld [tilespmem:s7+$0x10];
	v12 =	vadd.f32 v41, v12;
	v13 =	vadd.f32 v42, v13  }
0xa4: {  	v46 =	vld [tilespmem:s7+$0x20];
	v14 =	vadd.f32 v44, v14;
	v11 =	vadd.f32 v11, v11  }
0xa5: {  	v47 =	vld [tilespmem:s7+$0x30];
	v12 =	vadd.f32 v12, v12;
	v13 =	vadd.f32 v13, v13  }
0xa6: {  	v14 =	vadd.f32 v14, v14;
	v11 =	vsub.f32 v7, v11  }
0xa7: {  	v12 =	vsub.f32 v7, v12;
	v13 =	vsub.f32 v7, v13  }
0xa8: {  	v14 =	vsub.f32 v7, v14;
	v11 =	vadd.f32 v43, v11  }
0xa9: {  	v48 =	vmpcnt.ones.xlane vm1;
	v12 =	vadd.f32 v45, v12  }
0xaa: {  	v13 =	vadd.f32 v46, v13;
	v14 =	vadd.f32 v47, v14;
	vm15 =	vle.f32 v11, $3.999999910e-02  }
0xab: {  	v49 =	vadd.s32 v48, v16;
	vm3 =	vle.f32 v12, $3.999999910e-02;
	v11 =	vmpcnt.ones.xlane vm15  }
0xac: {  	vm2 =	vle.f32 v13, $3.999999910e-02;
	vm1 =	vle.f32 v14, $3.999999910e-02;
	v12 =	vmpcnt.ones.xlane vm3  }
0xad: {  	v50 =	vsel vm15, $0x1, v3;
	v51 =	vmpcnt.ones.xlane vm2;
	v16 =	vadd.s32 v49, v11  }
0xae: {  	v52 =	vmpcnt.ones.xlane vm1;
	(xrf0) =	vadd.scan.msk.s32 $0xffff, v50;
	v11 =	vsel vm3, $0x1, v3;
	v12 =	vadd.s32 v12, v16  }
0xaf: {  	(xrf0) =	vadd.scan.msk.s32 $0xffff, v11;
	v11 =	vsel vm2, $0x1, v3;
	v14 =	vadd.s32 v51, v12  }
0xb0: {  	v53 =	vsel vm1, $0x1, v3;
	(xrf0) =	vadd.scan.msk.s32 $0xffff, v11;
	v11 =	vadd.s32 v52, v14  }
0xb1: {  	(xrf0) =	vadd.scan.msk.s32 $0xffff, v53;
	v13 =	vxor.u32 $0x80000000, v11  }
0xb2: {  	(xrf0) =	vmax.scan.msk.u32 $0xffff, v13;
	_ =	sdelay $0x1  }
0xb3: {  	v54, _, _ =	vpop (xrf0)  }
0xb4: {  	v55, _, _ =	vpop (xrf0)  }
0xb5: {  	v56, _, _ =	vpop (xrf0)  }
0xb6: {  	v57, _, _ =	vpop (xrf0)  }
0xb7: {  	v58, _, _ =	vpop (xrf0)  }
0xb8: {  	(v2sf) =	vpush v58, $0xF;
	_ =	sdelay $0xc  }
0xb9: {  	v13 =	vadd.s32 v54, v49  }
0xba: {  	s15 =	sadd.s32 $0xFFFFFFD0, s11;
	v13 =	vadd.s32 $0xFFFFFFFF, v13;
	v59 =	vadd.s32 v55, v16  }
0xbb: {  	p1 =	sgt.u32 s13, $0xF7;
	v60 =	vor.u32 s15, v2;
	v15 =	vadd.s32 $0xFFFFFFFF, v59;
	v12 =	vadd.s32 v56, v12;
	s15 =	spop (v2sf)  }
0xbc: {  	v12 =	vadd.s32 $0xFFFFFFFF, v12;
	v14 =	vadd.s32 v57, v14;
	p2 =	slt.u32 @!p1 s15, $0x80000020  }
0xbd: {  	v14 =	vadd.s32 $0xFFFFFFFF, v14;
	p1 =	por p1, !p2  }
.Ltmp2:
0xbe: {  	s17 =	sadd.s32 $0xFFFFFFE0, s11;
	(pc) =	sbr.rel @!p1 .LBB2_5-.Ltmp2, $4  }
0xbf: {  	v61 =	vor.u32 s17, v2;
	s26 =	sadd.s32 $0xFFFFFFF0, s11;
	[tilespmem:v13+s25+$0x0] =	vst.idx.msk vm15, v60  }
0xc0: {  	v62 =	vor.u32 s26, v2;
	[tilespmem:v15+s25+$0x0] =	vst.idx.msk vm3, v61  }
0xc1: {  	s13 =	sadd.s32 $0x8, s13;
	v63 =	vor.u32 s11, v2;
	s11 =	sadd.s32 $0x80, s11;
	s7 =	sadd.s32 $0x80, s7;
	[tilespmem:v12+s25+$0x0] =	vst.idx.msk vm2, v62  }
0xc2: {  	s8 =	sadd.s32 $0x80, s8;
	s9 =	sadd.s32 $0x80, s9;
	s10 =	sadd.s32 $0x80, s10;
	[tilespmem:v14+s25+$0x0] =	vst.idx.msk vm1, v63  }
.LBB2_6:
0xc3: {  	v7 =	vld [tilespmem:$0x4800];
	_ =	sdelay $0x4  }
0xc4: {  	[tilespmem:$0x4900] =	vst v7  }
0xc5: {  	v7 =	vld [tilespmem:$0x4900];
	_ =	sdelay $0x2  }
0xc6: {  	v0 =	vld [tilespmem:$0x1FFF0];
	_ =	sdelay $0x1  }
0xc7: {  	v8 =	vshll.u32 v7, $0x1  }
0xc8: {  	v7 =	vand.u32 $0x7, v7;
	v8 =	vand.u32 $0xFFFFFFF0, v8  }
0xc9: {  	v7 =	vor.u32 v7, v8  }
0xca: {  	v8 =	vperm.xlane v7, v0  }
0xcb: {  	v9 =	vld [tilespmem:$0x4810]  }
0xcc: {  	v7 =	vperm.xlane v7, v6;
	v8 =	vadd.s32 v5, v8;
	_ =	sdelay $0x1  }
0xcd: {  	v7 =	vadd.s32 v5, v7;
	_ =	sdelay $0x1  }
0xce: {  	s7 =	simm.s32 $0x0;
	s5 =	simm.s32 $0x4B00;
	[tilespmem:$0x4980] =	vst v9  }
0xcf: {  	[tilespmem:s5], [sflag:$0x1] =	stream.indirect_vreg.gather [hbm4b:s3+s7], $0x80, v8, vm0, $0xb8;
	[tilespmem:$0x10B00] =	vst v63  }
0xd0: {  	_ = 	snop  }
0xd1: {  	[tilespmem:s28], [sflag:$0x1] =	stream.indirect_vreg.gather [hbm4b:s3+s7], $0x80, v7, vm0, $0xb8;
	[tilespmem:$0x10B00] =	vst v63  }
0xd2: {  	v7 =	vld [tilespmem:$0x4980];
	_ =	sdelay $0x4  }
0xd3: {  	v8 =	vshll.u32 v7, $0x1  }
0xd4: {  	v7 =	vand.u32 $0x7, v7;
	v8 =	vand.u32 $0xFFFFFFF0, v8  }
0xd5: {  	v7 =	vor.u32 v7, v8  }
0xd6: {  	v8 =	vperm.xlane v7, v0;
	_ =	sdelay $0x1  }
0xd7: {  	v7 =	vperm.xlane v7, v6;
	v8 =	vadd.s32 v5, v8;
	_ =	sdelay $0x1  }
0xd8: {  	v7 =	vadd.s32 v5, v7;
	_ =	sdelay $0x2  }
0xd9: {  	[tilespmem:s29], [sflag:$0x1] =	stream.indirect_vreg.gather [hbm4b:s3+s7], $0x80, v8, vm0, $0xb8;
	[tilespmem:$0x10B00] =	vst v63  }
0xda: {  	_ = 	snop  }
0xdb: {  	[tilespmem:s30], [sflag:$0x1] =	stream.indirect_vreg.gather [hbm4b:s3+s7], $0x80, v7, vm0, $0xb8;
	[tilespmem:$0x10B00] =	vst v63  }
.LBB2_7:
0xdc: {  	s8 =	sshllo.u32 s7, $0x1  }
0xdd: {  	s9 =	sshll.u32 s8, $0x2  }
0xde: {  	s9 =	sor.u32 s6, s9  }
0xdf: {  	v7 =	vmov s9;
	_ =	sdelay $0x3  }
0xe0: {  	v0 =	vld [tilespmem:$0x1FFD0]  }
0xe1: {  	v11 =	vld.idx.msk [tilespmem:v7+s24+$0x0], $0xffff;
	_ =	sdelay $0x2  }
0xe2: {  	v10 =	vld.idx.msk [tilespmem:v7+s21+$0x0], $0xffff  }
.Ltmp3:
0xe3: {  	v9 =	vld.idx.msk [tilespmem:v7+s22+$0x0], $0xffff;
	(pc) =	sbr.rel @p0 .LBB2_10-.Ltmp3, $4  }
0xe4: {  	v8 =	vld.idx.msk [tilespmem:v7+s23+$0x0], $0xffff;
	v7 =	vadd.s32 v0, v11  }
0xe5: {  	[tilespmem:$0x4800] =	vst v7  }
0xe6: {  	[tilespmem:$0x4810] =	vst v7  }
0xe7: {  	[tilespmem:$0x4820] =	vst v7  }
0xe8: {  	v7 =	vmul.f32 v10, v10;
	v11 =	vmul.f32 v9, v9;
	_ =	sdelay $0x1  }
0xe9: {  	v7 =	vadd.f32 v11, v7;
	v11 =	vmul.f32 v8, v8;
	_ =	sdelay $0x1  }
0xea: {  	v7 =	vadd.f32 v11, v7;
	v11 =	vshrl.u32 v10, $0x10  }
0xeb: {  	v12 =	vshrl.u32 v9, $0x10;
	v13 =	vshrl.u32 v8, $0x10;
	v11 =	vand.u32 $0x1, v11  }
0xec: {  	v63 =	vand.u32 $0x1, v13;
	v10 =	vadd.s32 v11, v10;
	v11 =	vand.u32 $0x1, v12  }
0xed: {  	v9 =	vadd.s32 v11, v9;
	v10 =	vadd.s32 $0x7FFF, v10;
	v11 =	vadd.s32 v63, v8  }
0xee: {  	s9 =	simm.s32 $0x3040;
	s10 =	simm.s32 $0x2040;
	s11 =	simm.s32 $0x1040;
	v8 =	vand.u32 $0xFFFF0000, v10;
	v9 =	vadd.s32 $0x7FFF, v9;
	v10 =	vadd.s32 $0x7FFF, v11  }
0xef: {  	s13 =	simm.s32 $0x40;
	s15 =	smov.u32 s16;
	s14 =	simm.s32 $0x0;
	v11 =	vimm.s32 $0x0;
	v9 =	vand.u32 $0xFFFF0000, v9;
	v10 =	vand.u32 $0xFFFF0000, v10  }
.LBB2_9:
0xf0: {  	v12 =	vld [tilespmem:s13+$0xFFFFFFC0]  }
0xf1: {  	v13 =	vld [tilespmem:s13+$0xFFFFFFD0]  }
0xf2: {  	v14 =	vld [tilespmem:s13+$0xFFFFFFE0]  }
0xf3: {  	v15 =	vld [tilespmem:s13+$0xFFFFFFF0]  }
0xf4: {  	v16 =	vld [tilespmem:s11+$0xFFFFFFC0]  }
0xf5: {  	v17 =	vld [tilespmem:s11+$0xFFFFFFD0]  }
0xf6: {  	v18 =	vld [tilespmem:s11+$0xFFFFFFE0]  }
0xf7: {  	v19 =	vld [tilespmem:s11+$0xFFFFFFF0]  }
0xf8: {  	v20 =	vld [tilespmem:s10+$0xFFFFFFC0]  }
0xf9: {  	v21 =	vld [tilespmem:s10+$0xFFFFFFD0]  }
0xfa: {  	v22 =	vld [tilespmem:s10+$0xFFFFFFE0];
	v12 =	vmul.f32 v8, v12;
	v13 =	vmul.f32 v8, v13  }
0xfb: {  	v23 =	vld [tilespmem:s10+$0xFFFFFFF0];
	v14 =	vmul.f32 v8, v14;
	v16 =	vmul.f32 v9, v16  }
0xfc: {  	v15 =	vmul.f32 v8, v15;
	v17 =	vmul.f32 v9, v17  }
0xfd: {  	v18 =	vmul.f32 v9, v18;
	v20 =	vmul.f32 v10, v20;
	v12 =	vadd.f32 v16, v12  }
0xfe: {  	v56 =	vmul.f32 v9, v19;
	v57 =	vmul.f32 v10, v21;
	v13 =	vadd.f32 v17, v13  }
0xff: {  	v58 =	vmul.f32 v10, v22;
	v14 =	vadd.f32 v18, v14;
	v12 =	vadd.f32 v20, v12  }
0x100: {  	v59 =	vld [tilespmem:s9+$0xFFFFFFC0];
	v60 =	vmul.f32 v10, v23;
	v15 =	vadd.f32 v56, v15;
	v13 =	vadd.f32 v57, v13  }
0x101: {  	v61 =	vld [tilespmem:s9+$0xFFFFFFD0];
	v14 =	vadd.f32 v58, v14;
	v12 =	vadd.f32 v12, v12  }
0x102: {  	v62 =	vld [tilespmem:s9+$0xFFFFFFE0];
	v15 =	vadd.f32 v60, v15;
	v13 =	vadd.f32 v13, v13  }
0x103: {  	v63 =	vld [tilespmem:s9+$0xFFFFFFF0];
	v14 =	vadd.f32 v14, v14;
	v12 =	vsub.f32 v7, v12  }
0x104: {  	v15 =	vadd.f32 v15, v15;
	v13 =	vsub.f32 v7, v13  }
0x105: {  	v14 =	vsub.f32 v7, v14;
	v12 =	vadd.f32 v59, v12  }
0x106: {  	v15 =	vsub.f32 v7, v15;
	v13 =	vadd.f32 v61, v13  }
0x107: {  	v14 =	vadd.f32 v62, v14;
	vm4 =	vle.f32 v12, $3.999999910e-02  }
0x108: {  	v19 =	vadd.f32 v63, v15;
	vm3 =	vle.f32 v13, $3.999999910e-02;
	v20 =	vsel vm4, $0x1, v3  }
0x109: {  	vm2 =	vle.f32 v14, $3.999999910e-02;
	v21 =	vsel vm3, $0x1, v3;
	(xrf0) =	vadd.scan.msk.s32 $0xffff, v20  }
0x10a: {  	vm1 =	vle.f32 v19, $3.999999910e-02;
	v22 =	vsel vm2, $0x1, v3;
	(xrf0) =	vadd.scan.msk.s32 $0xffff, v21  }
0x10b: {  	v23 =	vsel vm1, $0x1, v3;
	(xrf0) =	vadd.scan.msk.s32 $0xffff, v22  }
0x10c: {  	(xrf0) =	vadd.scan.msk.s32 $0xffff, v23;
	_ =	sdelay $0x1  }
0x10d: {  	v24 =	vmpcnt.ones.xlane vm4  }
0x10e: {  	v26 =	vmpcnt.ones.xlane vm3;
	v25, _, _ =	vpop (xrf0)  }
0x10f: {  	v28 =	vmpcnt.ones.xlane vm2;
	v12 =	vadd.s32 v11, v24;
	v27, _, _ =	vpop (xrf0);
	v11 =	vadd.s32 v25, v11  }
0x110: {  	v14 =	vadd.s32 v26, v12;
	v29, _, _ =	vpop (xrf0);
	v11 =	vadd.s32 $0xFFFFFFFF, v11;
	v12 =	vadd.s32 v27, v12  }
0x111: {  	v16 =	vadd.s32 v28, v14;
	v30, _, _ =	vpop (xrf0);
	v12 =	vadd.s32 $0xFFFFFFFF, v12;
	v13 =	vadd.s32 v29, v14  }
0x112: {  	v13 =	vadd.s32 $0xFFFFFFFF, v13;
	v31 =	vadd.s32 v30, v16  }
0x113: {  	s17 =	sadd.s32 $0xFFFFFF90, s15;
	v14 =	vadd.s32 $0xFFFFFFFF, v31  }
0x114: {  	s5 =	sadd.s32 $0xFFFFFFA0, s15;
	v32 =	vor.u32 s17, v2  }
0x115: {  	s26 =	sadd.s32 $0xFFFFFFB0, s15;
	[tilespmem:v11+s25+$0x0] =	vst.idx.msk vm4, v32;
	v11 =	vor.u32 s5, v2  }
0x116: {  	s5 =	sadd.s32 $0xFFFFFFC0, s15;
	[tilespmem:v12+s25+$0x0] =	vst.idx.msk vm3, v11;
	v11 =	vor.u32 s26, v2  }
0x117: {  	[tilespmem:v13+s25+$0x0] =	vst.idx.msk vm2, v11;
	v11 =	vor.u32 s5, v2  }
0x118: {  	[tilespmem:v14+s25+$0x0] =	vst.idx.msk vm1, v11  }
0x119: {  	v11 =	vld [tilespmem:s13+$0x0]  }
0x11a: {  	v12 =	vld [tilespmem:s13+$0x10]  }
0x11b: {  	v13 =	vld [tilespmem:s13+$0x20]  }
0x11c: {  	v14 =	vld [tilespmem:s13+$0x30]  }
0x11d: {  	v15 =	vld [tilespmem:s11+$0x0]  }
0x11e: {  	v33 =	vld [tilespmem:s11+$0x10]  }
0x11f: {  	v34 =	vld [tilespmem:s11+$0x20]  }
0x120: {  	v35 =	vld [tilespmem:s11+$0x30]  }
0x121: {  	v36 =	vld [tilespmem:s10+$0x0]  }
0x122: {  	v37 =	vld [tilespmem:s10+$0x10]  }
0x123: {  	v38 =	vld [tilespmem:s10+$0x20];
	v11 =	vmul.f32 v8, v11;
	v12 =	vmul.f32 v8, v12  }
0x124: {  	v39 =	vld [tilespmem:s10+$0x30];
	v13 =	vmul.f32 v8, v13;
	v15 =	vmul.f32 v9, v15  }
0x125: {  	v14 =	vmul.f32 v8, v14;
	v17 =	vmul.f32 v9, v33  }
0x126: {  	v18 =	vmul.f32 v9, v34;
	v20 =	vmul.f32 v10, v36  }
0x127: {  	v40 =	vmul.f32 v9, v35;
	v41 =	vmul.f32 v10, v37;
	v11 =	vadd.f32 v15, v11  }
0x128: {  	v42 =	vmul.f32 v10, v38;
	v12 =	vadd.f32 v17, v12;
	v13 =	vadd.f32 v18, v13  }
0x129: {  	v43 =	vld [tilespmem:s9+$0x0];
	v44 =	vmul.f32 v10, v39;
	v14 =	vadd.f32 v40, v14;
	v11 =	vadd.f32 v20, v11  }
0x12a: {  	v45 =	vld [tilespmem:s9+$0x10];
	v12 =	vadd.f32 v41, v12;
	v13 =	vadd.f32 v42, v13  }
0x12b: {  	v46 =	vld [tilespmem:s9+$0x20];
	v14 =	vadd.f32 v44, v14;
	v11 =	vadd.f32 v11, v11  }
0x12c: {  	v47 =	vld [tilespmem:s9+$0x30];
	v12 =	vadd.f32 v12, v12;
	v13 =	vadd.f32 v13, v13  }
0x12d: {  	v14 =	vadd.f32 v14, v14;
	v11 =	vsub.f32 v7, v11  }
0x12e: {  	v12 =	vsub.f32 v7, v12;
	v13 =	vsub.f32 v7, v13  }
0x12f: {  	v14 =	vsub.f32 v7, v14;
	v11 =	vadd.f32 v43, v11  }
0x130: {  	v48 =	vmpcnt.ones.xlane vm1;
	v12 =	vadd.f32 v45, v12  }
0x131: {  	v13 =	vadd.f32 v46, v13;
	v14 =	vadd.f32 v47, v14;
	vm15 =	vle.f32 v11, $3.999999910e-02  }
0x132: {  	v49 =	vadd.s32 v48, v16;
	vm3 =	vle.f32 v12, $3.999999910e-02;
	v11 =	vmpcnt.ones.xlane vm15  }
0x133: {  	vm2 =	vle.f32 v13, $3.999999910e-02;
	vm1 =	vle.f32 v14, $3.999999910e-02;
	v12 =	vmpcnt.ones.xlane vm3  }
0x134: {  	v50 =	vsel vm15, $0x1, v3;
	v51 =	vmpcnt.ones.xlane vm2;
	v16 =	vadd.s32 v49, v11  }
0x135: {  	v52 =	vmpcnt.ones.xlane vm1;
	(xrf0) =	vadd.scan.msk.s32 $0xffff, v50;
	v11 =	vsel vm3, $0x1, v3;
	v12 =	vadd.s32 v12, v16  }
0x136: {  	(xrf0) =	vadd.scan.msk.s32 $0xffff, v11;
	v11 =	vsel vm2, $0x1, v3;
	v14 =	vadd.s32 v51, v12  }
0x137: {  	v53 =	vsel vm1, $0x1, v3;
	(xrf0) =	vadd.scan.msk.s32 $0xffff, v11;
	v11 =	vadd.s32 v52, v14  }
0x138: {  	(xrf0) =	vadd.scan.msk.s32 $0xffff, v53;
	v13 =	vxor.u32 $0x80000000, v11  }
0x139: {  	(xrf0) =	vmax.scan.msk.u32 $0xffff, v13;
	_ =	sdelay $0x1  }
0x13a: {  	v54, _, _ =	vpop (xrf0)  }
0x13b: {  	v55, _, _ =	vpop (xrf0)  }
0x13c: {  	v56, _, _ =	vpop (xrf0)  }
0x13d: {  	v57, _, _ =	vpop (xrf0)  }
0x13e: {  	v58, _, _ =	vpop (xrf0)  }
0x13f: {  	(v2sf) =	vpush v58, $0xF;
	_ =	sdelay $0xc  }
0x140: {  	v13 =	vadd.s32 v54, v49  }
0x141: {  	s5 =	sadd.s32 $0xFFFFFFE0, s15;
	v13 =	vadd.s32 $0xFFFFFFFF, v13;
	v59 =	vadd.s32 v55, v16  }
0x142: {  	p1 =	sgt.u32 s14, $0xF7;
	v61 =	vor.u32 s5, v2;
	v15 =	vadd.s32 $0xFFFFFFFF, v59;
	v12 =	vadd.s32 v56, v12;
	s5 =	spop (v2sf)  }
0x143: {  	v12 =	vadd.s32 $0xFFFFFFFF, v12;
	v14 =	vadd.s32 v57, v14;
	p2 =	slt.u32 @!p1 s5, $0x80000020  }
0x144: {  	s26 =	sadd.s32 $0xFFFFFFD0, s15;
	v14 =	vadd.s32 $0xFFFFFFFF, v14;
	p1 =	por p1, !p2  }
.Ltmp4:
0x145: {  	v60 =	vor.u32 s26, v2;
	(pc) =	sbr.rel @!p1 .LBB2_9-.Ltmp4, $4  }
0x146: {  	s26 =	sadd.s32 $0xFFFFFFF0, s15;
	[tilespmem:v13+s25+$0x0] =	vst.idx.msk vm15, v60  }
0x147: {  	v62 =	vor.u32 s26, v2;
	[tilespmem:v15+s25+$0x0] =	vst.idx.msk vm3, v61  }
0x148: {  	s14 =	sadd.s32 $0x8, s14;
	v63 =	vor.u32 s15, v2;
	s15 =	sadd.s32 $0x80, s15;
	s9 =	sadd.s32 $0x80, s9;
	[tilespmem:v12+s25+$0x0] =	vst.idx.msk vm2, v62  }
0x149: {  	s10 =	sadd.s32 $0x80, s10;
	s11 =	sadd.s32 $0x80, s11;
	s13 =	sadd.s32 $0x80, s13;
	[tilespmem:v14+s25+$0x0] =	vst.idx.msk vm1, v63  }
.LBB2_10:
0x14a: {  	v7 =	vld [tilespmem:$0x4800];
	_ =	sdelay $0x4  }
0x14b: {  	[tilespmem:$0x4A00] =	vst v7  }
0x14c: {  	v7 =	vld [tilespmem:$0x4A00];
	_ =	sdelay $0x2  }
0x14d: {  	v0 =	vld [tilespmem:$0x1FFF0];
	_ =	sdelay $0x1  }
0x14e: {  	v8 =	vshll.u32 v7, $0x1  }
0x14f: {  	v7 =	vand.u32 $0x7, v7;
	v8 =	vand.u32 $0xFFFFFFF0, v8  }
0x150: {  	v7 =	vor.u32 v7, v8  }
0x151: {  	v8 =	vperm.xlane v7, v0  }
0x152: {  	v9 =	vld [tilespmem:$0x4810]  }
0x153: {  	v7 =	vperm.xlane v7, v6;
	v8 =	vadd.s32 v5, v8;
	_ =	sdelay $0x1  }
0x154: {  	v7 =	vadd.s32 v5, v7;
	_ =	sdelay $0x1  }
0x155: {  	[tilespmem:$0x4A80] =	vst v9  }
0x156: {  	[tilespmem:s31], [sflag:$0x2] =	stream.indirect_vreg.gather [hbm4b:s3+s1], $0x80, v8, vm0, $0xb8;
	[tilespmem:$0x10B00] =	vst v63  }
0x157: {  	_ = 	snop  }
0x158: {  	[tilespmem:s0], [sflag:$0x2] =	stream.indirect_vreg.gather [hbm4b:s3+s1], $0x80, v7, vm0, $0xb8;
	[tilespmem:$0x10B00] =	vst v63  }
0x159: {  	v7 =	vld [tilespmem:$0x4A80];
	_ =	sdelay $0x4  }
0x15a: {  	v8 =	vshll.u32 v7, $0x1  }
0x15b: {  	v7 =	vand.u32 $0x7, v7;
	v8 =	vand.u32 $0xFFFFFFF0, v8  }
0x15c: {  	v7 =	vor.u32 v7, v8  }
0x15d: {  	v8 =	vperm.xlane v7, v0;
	_ =	sdelay $0x1  }
0x15e: {  	v7 =	vperm.xlane v7, v6;
	v8 =	vadd.s32 v5, v8;
	_ =	sdelay $0x1  }
0x15f: {  	v7 =	vadd.s32 v5, v7;
	_ =	sdelay $0x2  }
0x160: {  	[tilespmem:s2], [sflag:$0x2] =	stream.indirect_vreg.gather [hbm4b:s3+s1], $0x80, v8, vm0, $0xb8;
	[tilespmem:$0x10B00] =	vst v63  }
0x161: {  	_ = 	snop  }
0x162: {  	[tilespmem:s19], [sflag:$0x2] =	stream.indirect_vreg.gather [hbm4b:s3+s1], $0x80, v7, vm0, $0xb8;
	[tilespmem:$0x10B00] =	vst v63  }
0x163: {  	_ =	swait.ge [sflag:s20], $0x1000  }
0x164: {  	[sflag:s20] =	ssyncset.done $0x0  }
0x165: {  	[sflag:s20] =	ssyncadd.s32 $0xFFFFF000  }
0x166: {  	_ =	swait.ge [sflag:s20], $0x1000  }
0x167: {  	[sflag:s20] =	ssyncset.done $0x0  }
0x168: {  	[sflag:s20] =	ssyncadd.s32 $0xFFFFF000  }
0x169: {  	v12 =	vld [tilespmem:$0x4B00]  }
0x16a: {  	v13 =	vld [tilespmem:$0x5B00]  }
0x16b: {  	v14 =	vld [tilespmem:$0x4B10]  }
0x16c: {  	v15 =	vld [tilespmem:$0x5B10]  }
0x16d: {  	v16 =	vld [tilespmem:$0x4B20]  }
0x16e: {  	v17 =	vld [tilespmem:$0x5B20]  }
0x16f: {  	v21 =	vld [tilespmem:$0x4B30]  }
0x170: {  	v22 =	vld [tilespmem:$0x5B30]  }
0x171: {  	v23 =	vld [tilespmem:$0x4B40]  }
0x172: {  	v24 =	vld [tilespmem:$0x5B40]  }
0x173: {  	v26 =	vld [tilespmem:$0x4B50]  }
0x174: {  	v30 =	vld [tilespmem:$0x5B50]  }
0x175: {  	v31 =	vld [tilespmem:$0x4B60]  }
0x176: {  	v32 =	vld [tilespmem:$0x5B60]  }
0x177: {  	v33 =	vld [tilespmem:$0x4B70]  }
0x178: {  	v34 =	vld [tilespmem:$0x5B70]  }
0x179: {  	v36 =	vld [tilespmem:$0x4F00]  }
0x17a: {  	v37 =	vld [tilespmem:$0x5F00]  }
0x17b: {  	v38 =	vld [tilespmem:$0x4F10]  }
0x17c: {  	v39 =	vld [tilespmem:$0x5F10]  }
0x17d: {  	v42 =	vld [tilespmem:$0x4F20]  }
0x17e: {  	v44 =	vld [tilespmem:$0x5F20]  }
0x17f: {  	v45 =	vld [tilespmem:$0x4F30]  }
0x180: {  	v46 =	vld [tilespmem:$0x5F30]  }
0x181: {  	v47 =	vld [tilespmem:$0x4F40]  }
0x182: {  	v48 =	vld [tilespmem:$0x5F40]  }
0x183: {  	v49 =	vld [tilespmem:$0x4F50]  }
0x184: {  	v50 =	vld [tilespmem:$0x5F50]  }
0x185: {  	v51 =	vld [tilespmem:$0x4F60]  }
0x186: {  	s5 =	simm.s32 $0x100;
	s9 =	simm.s32 $0x80;
	v52 =	vld [tilespmem:$0x5F60]  }
0x187: {  	s5 =	sand.u32 $0x800, s5;
	s10 =	sand.u32 $0x380, s9;
	v53 =	vld [tilespmem:$0x4F70]  }
0x188: {  	s10 =	sor.u32 s10, s5;
	v54 =	vld [tilespmem:$0x5F70]  }
0x189: {  	v55 =	vld [tilespmem:s10+$0x5B00]  }
0x18a: {  	v56 =	vld [tilespmem:s10+$0x5B10]  }
0x18b: {  	v57 =	vld [tilespmem:s10+$0x5B20]  }
0x18c: {  	v58 =	vld [tilespmem:s10+$0x5B30]  }
0x18d: {  	v25 =	vld [tilespmem:s10+$0x5B40]  }
0x18e: {  	v28 =	vld [tilespmem:s10+$0x5B50]  }
0x18f: {  	v29 =	vld [tilespmem:s10+$0x5B60]  }
0x190: {  	v20 =	vld [tilespmem:s10+$0x5B70]  }
0x191: {  	v18 =	vld [tilespmem:s10+$0x5F00]  }
0x192: {  	v19 =	vld [tilespmem:s10+$0x5F10]  }
0x193: {  	v11 =	vld [tilespmem:s10+$0x5F20]  }
0x194: {  	v9 =	vld [tilespmem:s10+$0x5F30]  }
0x195: {  	v10 =	vld [tilespmem:s10+$0x5F40]  }
0x196: {  	v8 =	vld [tilespmem:s10+$0x5F50]  }
0x197: {  	v7 =	vld [tilespmem:s10+$0x5F60]  }
0x198: {  	v59 =	vld [tilespmem:s10+$0x4B00]  }
0x199: {  	v60 =	vld [tilespmem:s10+$0x4B10]  }
0x19a: {  	v61 =	vld [tilespmem:s10+$0x4B20]  }
0x19b: {  	v62 =	vld [tilespmem:s10+$0x4B30]  }
0x19c: {  	v40 =	vld [tilespmem:s10+$0x4B40]  }
0x19d: {  	v41 =	vld [tilespmem:s10+$0x4B50]  }
0x19e: {  	v43 =	vld [tilespmem:s10+$0x4B60];
	v12 =	vmax.f32 v12, v13;
	v63 =	vmax.f32 v14, v15;
	v1 =	vmax.f32 v16, v17  }
0x19f: {  	v35 =	vld [tilespmem:s10+$0x4B70];
	v0 =	vmax.f32 v21, v22;
	v27 =	vmax.f32 v23, v24;
	v26 =	vmax.f32 v26, v30  }
0x1a0: {  	v24 =	vmax.f32 v31, v32;
	v23 =	vmax.f32 v33, v34;
	v22 =	vmax.f32 v36, v37;
	v37 =	vld [tilespmem:s10+$0x4F00]  }
0x1a1: {  	v21 =	vmax.f32 v38, v39;
	v17 =	vmax.f32 v42, v44;
	v16 =	vmax.f32 v45, v46;
	v39 =	vld [tilespmem:s10+$0x4F10]  }
0x1a2: {  	v15 =	vmax.f32 v47, v48;
	v13 =	vmax.f32 v49, v50;
	v34 =	vld [tilespmem:s10+$0x4F20];
	v14 =	vmax.f32 v51, v52  }
0x1a3: {  	v36 =	vld [tilespmem:s10+$0x4F30];
	v30 =	vmax.f32 v12, v59;
	v12 =	vmax.f32 v53, v54;
	v31 =	vmax.f32 v63, v60  }
0x1a4: {  	v42 =	vld [tilespmem:s10+$0x4F40];
	v1 =	vmax.f32 v1, v61;
	v0 =	vmax.f32 v0, v62;
	v30 =	vmax.f32 v30, v55  }
0x1a5: {  	s11 =	simm.s32 $0x200;
	v38 =	vld [tilespmem:s10+$0x4F50];
	v33 =	vmax.f32 v31, v56;
	v32 =	vmax.f32 v1, v57;
	v31 =	vmax.f32 v0, v58  }
.LBB2_11:
0x1a6: {  	p1 =	sne.s32 s11, $0xF00;
	v0 =	vmax.f32 v27, v40;
	v1 =	vmax.f32 v26, v41;
	v24 =	vmax.f32 v24, v43;
	v40 =	vld [tilespmem:s10+$0x4F60];
	s9 =	sadd.s32 $0x80, s9  }
0x1a7: {  	s5 =	sand.u32 $0x800, s11;
	s13 =	sand.u32 $0x380, s9;
	v27 =	vmax.f32 v0, v25;
	v26 =	vmax.f32 v1, v28;
	v24 =	vmax.f32 v24, v29;
	v0 =	vld [tilespmem:s10+$0x4F70]  }
0x1a8: {  	v22 =	vmax.f32 v22, v37;
	v21 =	vmax.f32 v21, v39;
	v1 =	vmax.f32 v23, v35;
	v28 =	vld [tilespmem:s10+$0x5F70];
	s10 =	sor.u32 s13, s5  }
0x1a9: {  	v22 =	vmax.f32 v22, v18;
	v21 =	vmax.f32 v21, v19;
	v23 =	vmax.f32 v1, v20;
	v44 =	vld [tilespmem:s10+$0x5B00]  }
0x1aa: {  	v17 =	vmax.f32 v17, v34;
	v16 =	vmax.f32 v16, v36;
	v15 =	vmax.f32 v15, v42;
	v1 =	vld [tilespmem:s10+$0x5B10]  }
0x1ab: {  	v17 =	vmax.f32 v17, v11;
	v16 =	vmax.f32 v16, v9;
	v15 =	vmax.f32 v15, v10;
	v45 =	vld [tilespmem:s10+$0x5B20]  }
0x1ac: {  	v9 =	vmax.f32 v13, v38;
	v10 =	vmax.f32 v14, v40;
	v46 =	vld [tilespmem:s10+$0x5B30];
	v0 =	vmax.f32 v12, v0  }
0x1ad: {  	v13 =	vmax.f32 v9, v8;
	v14 =	vmax.f32 v10, v7;
	v25 =	vld [tilespmem:s10+$0x5B40];
	v12 =	vmax.f32 v0, v28  }
0x1ae: {  	v28 =	vld [tilespmem:s10+$0x5B50]  }
0x1af: {  	v29 =	vld [tilespmem:s10+$0x5B60]  }
0x1b0: {  	v20 =	vld [tilespmem:s10+$0x5B70]  }
0x1b1: {  	v18 =	vld [tilespmem:s10+$0x5F00]  }
0x1b2: {  	v19 =	vld [tilespmem:s10+$0x5F10]  }
0x1b3: {  	v11 =	vld [tilespmem:s10+$0x5F20]  }
0x1b4: {  	v9 =	vld [tilespmem:s10+$0x5F30]  }
0x1b5: {  	v10 =	vld [tilespmem:s10+$0x5F40]  }
0x1b6: {  	v8 =	vld [tilespmem:s10+$0x5F50]  }
0x1b7: {  	v7 =	vld [tilespmem:s10+$0x5F60]  }
0x1b8: {  	v0 =	vld [tilespmem:s10+$0x4B00]  }
0x1b9: {  	v38 =	vld [tilespmem:s10+$0x4B10]  }
0x1ba: {  	v42 =	vld [tilespmem:s10+$0x4B20]  }
0x1bb: {  	v47 =	vld [tilespmem:s10+$0x4B30]  }
0x1bc: {  	v40 =	vld [tilespmem:s10+$0x4B40]  }
0x1bd: {  	v41 =	vld [tilespmem:s10+$0x4B50]  }
0x1be: {  	v43 =	vld [tilespmem:s10+$0x4B60]  }
0x1bf: {  	v35 =	vld [tilespmem:s10+$0x4B70]  }
0x1c0: {  	v37 =	vld [tilespmem:s10+$0x4F00]  }
.Ltmp5:
0x1c1: {  	v39 =	vld [tilespmem:s10+$0x4F10];
	(pc) =	sbr.rel @p1 .LBB2_11-.Ltmp5, $4  }
0x1c2: {  	v0 =	vmax.f32 v30, v0;
	v34 =	vld [tilespmem:s10+$0x4F20]  }
0x1c3: {  	v30 =	vmax.f32 v0, v44;
	v36 =	vld [tilespmem:s10+$0x4F30]  }
0x1c4: {  	v0 =	vmax.f32 v33, v38;
	v32 =	vmax.f32 v32, v42;
	v31 =	vmax.f32 v31, v47;
	v42 =	vld [tilespmem:s10+$0x4F40]  }
0x1c5: {  	s11 =	sadd.s32 $0x100, s11;
	v33 =	vmax.f32 v0, v1;
	v32 =	vmax.f32 v32, v45;
	v31 =	vmax.f32 v31, v46;
	v38 =	vld [tilespmem:s10+$0x4F50]  }
0x1c6: {  	s5 =	sshll.u32 s7, $0x9  }
0x1c7: {  	s9 =	sshll.u32 s7, $0x8;
	s5 =	sand.u32 $0x7800, s5  }
0x1c8: {  	v0 =	vld [tilespmem:s10+$0x4F60];
	s11 =	sand.u32 $0x300, s9;
	s9 =	sadd.s32 $0x8B00, s5  }
0x1c9: {  	v1 =	vld [tilespmem:s10+$0x4F70];
	s5 =	sadd.s32 s11, s9  }
0x1ca: {  	v44 =	vld [tilespmem:s10+$0x5F70];
	[tilespmem:s5+$0x0] =	vst v30  }
0x1cb: {  	[tilespmem:s5+$0x10] =	vst v33  }
0x1cc: {  	v27 =	vmax.f32 v27, v40;
	[tilespmem:s5+$0x20] =	vst v32  }
0x1cd: {  	v26 =	vmax.f32 v26, v41;
	v25 =	vmax.f32 v27, v25;
	[tilespmem:s5+$0x30] =	vst v31  }
0x1ce: {  	v24 =	vmax.f32 v24, v43;
	v26 =	vmax.f32 v26, v28;
	[tilespmem:s5+$0x40] =	vst v25  }
0x1cf: {  	v23 =	vmax.f32 v23, v35;
	v24 =	vmax.f32 v24, v29;
	[tilespmem:s5+$0x50] =	vst v26  }
0x1d0: {  	v22 =	vmax.f32 v22, v37;
	v20 =	vmax.f32 v23, v20;
	[tilespmem:s5+$0x60] =	vst v24  }
0x1d1: {  	v21 =	vmax.f32 v21, v39;
	v18 =	vmax.f32 v22, v18;
	[tilespmem:s5+$0x70] =	vst v20  }
0x1d2: {  	v19 =	vmax.f32 v21, v19;
	v17 =	vmax.f32 v17, v34;
	[tilespmem:s5+$0x400] =	vst v18  }
0x1d3: {  	v16 =	vmax.f32 v16, v36;
	v11 =	vmax.f32 v17, v11;
	[tilespmem:s5+$0x410] =	vst v19  }
0x1d4: {  	p1 =	seq.s32 s7, $0x3F;
	v15 =	vmax.f32 v15, v42;
	v9 =	vmax.f32 v16, v9;
	[tilespmem:s5+$0x420] =	vst v11  }
.Ltmp6:
0x1d5: {  	v10 =	vmax.f32 v15, v10;
	v63 =	vmax.f32 v13, v38;
	[tilespmem:s5+$0x430] =	vst v9;
	(pc) =	sbr.rel @p1 .LBB2_17-.Ltmp6, $4  }
0x1d6: {  	v0 =	vmax.f32 v14, v0;
	v8 =	vmax.f32 v63, v8;
	[tilespmem:s5+$0x440] =	vst v10  }
0x1d7: {  	v1 =	vmax.f32 v12, v1;
	v0 =	vmax.f32 v0, v7;
	[tilespmem:s5+$0x450] =	vst v8  }
0x1d8: {  	v1 =	vmax.f32 v1, v44;
	[tilespmem:s5+$0x460] =	vst v0  }
0x1d9: {  	[tilespmem:s5+$0x470] =	vst v1  }
0x1da: {  	s5 =	sshll.u32 s7, $0x3  }
0x1db: {  	s5 =	sadd.s32 s12, s5  }
0x1dc: {  	v0 =	vmov s5  }
0x1dd: {  	v0 =	vand.u32 $0xFFFFFFFB, v0  }
0x1de: {  	v0 =	vbroadcast v0, $0x0;
	_ =	sdelay $0x5  }
0x1df: {  	v1 =	vld.idx.msk [tilespmem:v0+s24+$0x0], $0xffff  }
0x1e0: {  	v10 =	vld.idx.msk [tilespmem:v0+s21+$0x0], $0xffff  }
0x1e1: {  	v9 =	vld.idx.msk [tilespmem:v0+s22+$0x0], $0xffff  }
0x1e2: {  	v8 =	vld.idx.msk [tilespmem:v0+s23+$0x0], $0xffff  }
0x1e3: {  	v0 =	vld [tilespmem:$0x1FFD0];
	_ =	sdelay $0x3  }
.Ltmp7:
0x1e4: {  	_ = 	snop;
	(pc) =	sbr.rel @p0 .LBB2_16-.Ltmp7, $4  }
0x1e5: {  	v0 =	vadd.s32 v0, v1  }
0x1e6: {  	[tilespmem:$0x4800] =	vst v0  }
0x1e7: {  	[tilespmem:$0x4810] =	vst v0  }
0x1e8: {  	[tilespmem:$0x4820] =	vst v0  }
0x1e9: {  	v0 =	vmul.f32 v10, v10;
	v1 =	vmul.f32 v9, v9;
	_ =	sdelay $0x1  }
0x1ea: {  	v0 =	vadd.f32 v1, v0;
	v1 =	vmul.f32 v8, v8;
	_ =	sdelay $0x1  }
0x1eb: {  	v7 =	vadd.f32 v1, v0;
	v0 =	vshrl.u32 v10, $0x10  }
0x1ec: {  	v11 =	vshrl.u32 v8, $0x10;
	v1 =	vshrl.u32 v9, $0x10;
	v0 =	vand.u32 $0x1, v0  }
0x1ed: {  	v1 =	vand.u32 $0x1, v1;
	v0 =	vadd.s32 v0, v10;
	v10 =	vand.u32 $0x1, v11  }
0x1ee: {  	v1 =	vadd.s32 v1, v9;
	v0 =	vadd.s32 $0x7FFF, v0;
	v9 =	vadd.s32 v10, v8  }
0x1ef: {  	s17 =	simm.s32 $0x0;
	s10 =	simm.s32 $0x3040;
	s11 =	simm.s32 $0x2040;
	v8 =	vand.u32 $0xFFFF0000, v0;
	v0 =	vadd.s32 $0x7FFF, v1;
	v1 =	vadd.s32 $0x7FFF, v9  }
0x1f0: {  	s13 =	simm.s32 $0x1040;
	s15 =	simm.s32 $0x40;
	s14 =	smov.u32 s16;
	v11 =	vimm.s32 $0x0;
	v9 =	vand.u32 $0xFFFF0000, v0;
	v10 =	vand.u32 $0xFFFF0000, v1  }
.LBB2_15:
0x1f1: {  	v0 =	vld [tilespmem:s15+$0xFFFFFFC0]  }
0x1f2: {  	v1 =	vld [tilespmem:s15+$0xFFFFFFD0]  }
0x1f3: {  	v12 =	vld [tilespmem:s15+$0xFFFFFFE0]  }
0x1f4: {  	v13 =	vld [tilespmem:s15+$0xFFFFFFF0]  }
0x1f5: {  	v14 =	vld [tilespmem:s13+$0xFFFFFFC0]  }
0x1f6: {  	v15 =	vld [tilespmem:s13+$0xFFFFFFD0]  }
0x1f7: {  	v16 =	vld [tilespmem:s13+$0xFFFFFFE0]  }
0x1f8: {  	v17 =	vld [tilespmem:s13+$0xFFFFFFF0]  }
0x1f9: {  	v18 =	vld [tilespmem:s11+$0xFFFFFFC0]  }
0x1fa: {  	v19 =	vld [tilespmem:s11+$0xFFFFFFD0]  }
0x1fb: {  	v20 =	vld [tilespmem:s11+$0xFFFFFFE0];
	v0 =	vmul.f32 v8, v0;
	v1 =	vmul.f32 v8, v1  }
0x1fc: {  	v21 =	vld [tilespmem:s11+$0xFFFFFFF0];
	v12 =	vmul.f32 v8, v12;
	v14 =	vmul.f32 v9, v14  }
0x1fd: {  	v13 =	vmul.f32 v8, v13;
	v15 =	vmul.f32 v9, v15  }
0x1fe: {  	v16 =	vmul.f32 v9, v16;
	v18 =	vmul.f32 v10, v18;
	v0 =	vadd.f32 v14, v0  }
0x1ff: {  	v60 =	vmul.f32 v9, v17;
	v61 =	vmul.f32 v10, v19;
	v1 =	vadd.f32 v15, v1  }
0x200: {  	v62 =	vmul.f32 v10, v20;
	v12 =	vadd.f32 v16, v12;
	v0 =	vadd.f32 v18, v0  }
0x201: {  	v63 =	vld [tilespmem:s10+$0xFFFFFFC0];
	v22 =	vmul.f32 v10, v21;
	v13 =	vadd.f32 v60, v13;
	v1 =	vadd.f32 v61, v1  }
0x202: {  	v23 =	vld [tilespmem:s10+$0xFFFFFFD0];
	v12 =	vadd.f32 v62, v12;
	v0 =	vadd.f32 v0, v0  }
0x203: {  	v24 =	vld [tilespmem:s10+$0xFFFFFFE0];
	v13 =	vadd.f32 v22, v13;
	v1 =	vadd.f32 v1, v1  }
0x204: {  	v25 =	vld [tilespmem:s10+$0xFFFFFFF0];
	v12 =	vadd.f32 v12, v12;
	v0 =	vsub.f32 v7, v0  }
0x205: {  	v13 =	vadd.f32 v13, v13;
	v1 =	vsub.f32 v7, v1  }
0x206: {  	v12 =	vsub.f32 v7, v12;
	v0 =	vadd.f32 v63, v0  }
0x207: {  	v13 =	vsub.f32 v7, v13;
	v1 =	vadd.f32 v23, v1  }
0x208: {  	v12 =	vadd.f32 v24, v12;
	vm4 =	vle.f32 v0, $3.999999910e-02  }
0x209: {  	v0 =	vadd.f32 v25, v13;
	vm3 =	vle.f32 v1, $3.999999910e-02;
	v1 =	vsel vm4, $0x1, v3  }
0x20a: {  	vm2 =	vle.f32 v12, $3.999999910e-02;
	(xrf0) =	vadd.scan.msk.s32 $0xffff, v1;
	v1 =	vsel vm3, $0x1, v3  }
0x20b: {  	vm1 =	vle.f32 v0, $3.999999910e-02;
	v0 =	vsel vm2, $0x1, v3;
	(xrf0) =	vadd.scan.msk.s32 $0xffff, v1  }
0x20c: {  	(xrf0) =	vadd.scan.msk.s32 $0xffff, v0;
	v0 =	vsel vm1, $0x1, v3  }
0x20d: {  	(xrf0) =	vadd.scan.msk.s32 $0xffff, v0;
	_ =	sdelay $0x1  }
0x20e: {  	v0 =	vmpcnt.ones.xlane vm4  }
0x20f: {  	v26 =	vmpcnt.ones.xlane vm3;
	v1, _, _ =	vpop (xrf0)  }
0x210: {  	v28 =	vmpcnt.ones.xlane vm2;
	v0 =	vadd.s32 v11, v0;
	v27, _, _ =	vpop (xrf0);
	v1 =	vadd.s32 v1, v11  }
0x211: {  	v12 =	vadd.s32 v26, v0;
	v11, _, _ =	vpop (xrf0);
	v1 =	vadd.s32 $0xFFFFFFFF, v1;
	v0 =	vadd.s32 v27, v0  }
0x212: {  	v14 =	vadd.s32 v28, v12;
	v29, _, _ =	vpop (xrf0);
	v0 =	vadd.s32 $0xFFFFFFFF, v0;
	v11 =	vadd.s32 v11, v12  }
0x213: {  	v11 =	vadd.s32 $0xFFFFFFFF, v11;
	v30 =	vadd.s32 v29, v14  }
0x214: {  	s5 =	sadd.s32 $0xFFFFFF90, s14;
	v12 =	vadd.s32 $0xFFFFFFFF, v30  }
0x215: {  	s26 =	sadd.s32 $0xFFFFFFA0, s14;
	v31 =	vor.u32 s5, v2  }
0x216: {  	[tilespmem:v1+s25+$0x0] =	vst.idx.msk vm4, v31;
	v1 =	vor.u32 s26, v2;
	s26 =	sadd.s32 $0xFFFFFFB0, s14  }
0x217: {  	[tilespmem:v0+s25+$0x0] =	vst.idx.msk vm3, v1;
	v0 =	vor.u32 s26, v2;
	s26 =	sadd.s32 $0xFFFFFFC0, s14  }
0x218: {  	[tilespmem:v11+s25+$0x0] =	vst.idx.msk vm2, v0;
	v0 =	vor.u32 s26, v2  }
0x219: {  	[tilespmem:v12+s25+$0x0] =	vst.idx.msk vm1, v0  }
0x21a: {  	v0 =	vld [tilespmem:s15+$0x0]  }
0x21b: {  	v1 =	vld [tilespmem:s15+$0x10]  }
0x21c: {  	v11 =	vld [tilespmem:s15+$0x20]  }
0x21d: {  	v12 =	vld [tilespmem:s15+$0x30]  }
0x21e: {  	v13 =	vld [tilespmem:s13+$0x0]  }
0x21f: {  	v32 =	vld [tilespmem:s13+$0x10]  }
0x220: {  	v33 =	vld [tilespmem:s13+$0x20]  }
0x221: {  	v34 =	vld [tilespmem:s13+$0x30]  }
0x222: {  	v35 =	vld [tilespmem:s11+$0x0]  }
0x223: {  	v36 =	vld [tilespmem:s11+$0x10]  }
0x224: {  	v37 =	vld [tilespmem:s11+$0x20];
	v0 =	vmul.f32 v8, v0;
	v1 =	vmul.f32 v8, v1  }
0x225: {  	v38 =	vld [tilespmem:s11+$0x30];
	v11 =	vmul.f32 v8, v11;
	v13 =	vmul.f32 v9, v13  }
0x226: {  	v12 =	vmul.f32 v8, v12;
	v15 =	vmul.f32 v9, v32  }
0x227: {  	v16 =	vmul.f32 v9, v33;
	v18 =	vmul.f32 v10, v35  }
0x228: {  	v39 =	vmul.f32 v9, v34;
	v40 =	vmul.f32 v10, v36;
	v0 =	vadd.f32 v13, v0  }
0x229: {  	v41 =	vmul.f32 v10, v37;
	v1 =	vadd.f32 v15, v1;
	v11 =	vadd.f32 v16, v11  }
0x22a: {  	v42 =	vld [tilespmem:s10+$0x0];
	v43 =	vmul.f32 v10, v38;
	v12 =	vadd.f32 v39, v12;
	v0 =	vadd.f32 v18, v0  }
0x22b: {  	v44 =	vld [tilespmem:s10+$0x10];
	v1 =	vadd.f32 v40, v1;
	v11 =	vadd.f32 v41, v11  }
0x22c: {  	v45 =	vld [tilespmem:s10+$0x20];
	v12 =	vadd.f32 v43, v12;
	v0 =	vadd.f32 v0, v0  }
0x22d: {  	v46 =	vld [tilespmem:s10+$0x30];
	v1 =	vadd.f32 v1, v1;
	v11 =	vadd.f32 v11, v11  }
0x22e: {  	v12 =	vadd.f32 v12, v12;
	v0 =	vsub.f32 v7, v0  }
0x22f: {  	v1 =	vsub.f32 v7, v1;
	v11 =	vsub.f32 v7, v11  }
0x230: {  	v12 =	vsub.f32 v7, v12;
	v0 =	vadd.f32 v42, v0  }
0x231: {  	v47 =	vmpcnt.ones.xlane vm1;
	v1 =	vadd.f32 v44, v1  }
0x232: {  	v11 =	vadd.f32 v45, v11;
	v12 =	vadd.f32 v46, v12;
	vm15 =	vle.f32 v0, $3.999999910e-02  }
0x233: {  	v0 =	vadd.s32 v47, v14;
	vm3 =	vle.f32 v1, $3.999999910e-02;
	v1 =	vmpcnt.ones.xlane vm15  }
0x234: {  	vm2 =	vle.f32 v11, $3.999999910e-02;
	vm1 =	vle.f32 v12, $3.999999910e-02;
	v11 =	vmpcnt.ones.xlane vm3  }
0x235: {  	v48 =	vsel vm15, $0x1, v3;
	v49 =	vmpcnt.ones.xlane vm2;
	v1 =	vadd.s32 v0, v1  }
0x236: {  	v50 =	vsel vm3, $0x1, v3;
	v51 =	vmpcnt.ones.xlane vm1;
	(xrf0) =	vadd.scan.msk.s32 $0xffff, v48;
	v52 =	vadd.s32 v11, v1  }
0x237: {  	(xrf0) =	vadd.scan.msk.s32 $0xffff, v50;
	v11 =	vsel vm2, $0x1, v3;
	v53 =	vadd.s32 v49, v52  }
0x238: {  	v54 =	vsel vm1, $0x1, v3;
	(xrf0) =	vadd.scan.msk.s32 $0xffff, v11;
	v11 =	vadd.s32 v51, v53  }
0x239: {  	(xrf0) =	vadd.scan.msk.s32 $0xffff, v54;
	v55 =	vxor.u32 $0x80000000, v11  }
0x23a: {  	(xrf0) =	vmax.scan.msk.u32 $0xffff, v55;
	_ =	sdelay $0x1  }
0x23b: {  	v56, _, _ =	vpop (xrf0)  }
0x23c: {  	v57, _, _ =	vpop (xrf0)  }
0x23d: {  	v58, _, _ =	vpop (xrf0)  }
0x23e: {  	v59, _, _ =	vpop (xrf0)  }
0x23f: {  	v60, _, _ =	vpop (xrf0)  }
0x240: {  	(v2sf) =	vpush v60, $0xF;
	_ =	sdelay $0x8  }
0x241: {  	v0 =	vadd.s32 v56, v0  }
0x242: {  	v0 =	vadd.s32 $0xFFFFFFFF, v0;
	_ =	sdelay $0x2  }
0x243: {  	s26 =	sadd.s32 $0xFFFFFFD0, s14  }
0x244: {  	v62 =	vor.u32 s26, v2;
	s26 =	sadd.s32 $0xFFFFFFE0, s14;
	v1 =	vadd.s32 v57, v1  }
0x245: {  	p1 =	sgt.u32 s17, $0xF7;
	v1 =	vadd.s32 $0xFFFFFFFF, v1;
	v61 =	vadd.s32 v58, v52;
	[tilespmem:v0+s25+$0x0] =	vst.idx.msk vm15, v62;
	v0 =	vor.u32 s26, v2;
	s26 =	spop (v2sf)  }
0x246: {  	v13 =	vadd.s32 $0xFFFFFFFF, v61;
	v12 =	vadd.s32 v59, v53;
	p2 =	slt.u32 @!p1 s26, $0x80000020  }
0x247: {  	v12 =	vadd.s32 $0xFFFFFFFF, v12;
	p1 =	por p1, !p2  }
.Ltmp8:
0x248: {  	_ = 	snop;
	(pc) =	sbr.rel @!p1 .LBB2_15-.Ltmp8, $4  }
0x249: {  	s5 =	sadd.s32 $0xFFFFFFF0, s14  }
0x24a: {  	v63 =	vor.u32 s5, v2;
	[tilespmem:v1+s25+$0x0] =	vst.idx.msk vm3, v0  }
0x24b: {  	s17 =	sadd.s32 $0x8, s17;
	s10 =	sadd.s32 $0x80, s10;
	s11 =	sadd.s32 $0x80, s11;
	v0 =	vor.u32 s14, v2;
	[tilespmem:v13+s25+$0x0] =	vst.idx.msk vm2, v63  }
0x24c: {  	s13 =	sadd.s32 $0x80, s13;
	s15 =	sadd.s32 $0x80, s15;
	s14 =	sadd.s32 $0x80, s14;
	[tilespmem:v12+s25+$0x0] =	vst.idx.msk vm1, v0  }
.LBB2_16:
0x24d: {  	v0 =	vld [tilespmem:$0x4800];
	_ =	sdelay $0x4  }
0x24e: {  	[tilespmem:$0x4900] =	vst v0  }
0x24f: {  	v0 =	vld [tilespmem:$0x4900];
	_ =	sdelay $0x2  }
0x250: {  	v4 =	vld [tilespmem:$0x1FFF0];
	_ =	sdelay $0x1  }
0x251: {  	v1 =	vshll.u32 v0, $0x1  }
0x252: {  	v0 =	vand.u32 $0x7, v0;
	v1 =	vand.u32 $0xFFFFFFF0, v1  }
0x253: {  	v0 =	vor.u32 v0, v1  }
0x254: {  	v1 =	vperm.xlane v0, v4  }
0x255: {  	v7 =	vld [tilespmem:$0x4810]  }
0x256: {  	v0 =	vperm.xlane v0, v6;
	v1 =	vadd.s32 v5, v1;
	_ =	sdelay $0x1  }
0x257: {  	v0 =	vadd.s32 v5, v0;
	_ =	sdelay $0x1  }
0x258: {  	s5 =	simm.s32 $0x4B00;
	[tilespmem:$0x4980] =	vst v7  }
0x259: {  	[tilespmem:s5], [sflag:$0x1] =	stream.indirect_vreg.gather [hbm4b:s3+s1], $0x80, v1, vm0, $0xb8;
	[tilespmem:$0x10B00] =	vst v63  }
0x25a: {  	_ = 	snop  }
0x25b: {  	[tilespmem:s28], [sflag:$0x1] =	stream.indirect_vreg.gather [hbm4b:s3+s1], $0x80, v0, vm0, $0xb8;
	[tilespmem:$0x10B00] =	vst v63  }
0x25c: {  	v0 =	vld [tilespmem:$0x4980];
	_ =	sdelay $0x4  }
0x25d: {  	v1 =	vshll.u32 v0, $0x1  }
0x25e: {  	v0 =	vand.u32 $0x7, v0;
	v1 =	vand.u32 $0xFFFFFFF0, v1  }
0x25f: {  	v0 =	vor.u32 v0, v1  }
0x260: {  	v1 =	vperm.xlane v0, v4;
	_ =	sdelay $0x1  }
0x261: {  	v0 =	vperm.xlane v0, v6;
	v1 =	vadd.s32 v5, v1;
	_ =	sdelay $0x1  }
0x262: {  	v0 =	vadd.s32 v5, v0;
	_ =	sdelay $0x2  }
0x263: {  	[tilespmem:s29], [sflag:$0x1] =	stream.indirect_vreg.gather [hbm4b:s3+s1], $0x80, v1, vm0, $0xb8;
	[tilespmem:$0x10B00] =	vst v63  }
0x264: {  	_ = 	snop  }
0x265: {  	[tilespmem:s30], [sflag:$0x1] =	stream.indirect_vreg.gather [hbm4b:s3+s1], $0x80, v0, vm0, $0xb8;
	[tilespmem:$0x10B00] =	vst v63  }
.LBB2_17:
0x266: {  	_ =	swait.ge [sflag:s4], $0x1000  }
0x267: {  	[sflag:s4] =	ssyncset.done $0x0  }
0x268: {  	[sflag:s4] =	ssyncadd.s32 $0xFFFFF000  }
0x269: {  	_ =	swait.ge [sflag:s4], $0x1000  }
0x26a: {  	[sflag:s4] =	ssyncset.done $0x0  }
0x26b: {  	[sflag:s4] =	ssyncadd.s32 $0xFFFFF000  }
0x26c: {  	v0 =	vld [tilespmem:$0x6B00]  }
0x26d: {  	v1 =	vld [tilespmem:$0x7B00]  }
0x26e: {  	v12 =	vld [tilespmem:$0x6B10]  }
0x26f: {  	v13 =	vld [tilespmem:$0x7B10]  }
0x270: {  	v14 =	vld [tilespmem:$0x6B20]  }
0x271: {  	v15 =	vld [tilespmem:$0x7B20]  }
0x272: {  	v16 =	vld [tilespmem:$0x6B30]  }
0x273: {  	v17 =	vld [tilespmem:$0x7B30]  }
0x274: {  	v21 =	vld [tilespmem:$0x6B40]  }
0x275: {  	v22 =	vld [tilespmem:$0x7B40]  }
0x276: {  	v23 =	vld [tilespmem:$0x6B50]  }
0x277: {  	v24 =	vld [tilespmem:$0x7B50]  }
0x278: {  	v30 =	vld [tilespmem:$0x6B60]  }
0x279: {  	v31 =	vld [tilespmem:$0x7B60]  }
0x27a: {  	v32 =	vld [tilespmem:$0x6B70]  }
0x27b: {  	v33 =	vld [tilespmem:$0x7B70]  }
0x27c: {  	v34 =	vld [tilespmem:$0x6F00]  }
0x27d: {  	v36 =	vld [tilespmem:$0x7F00]  }
0x27e: {  	v38 =	vld [tilespmem:$0x6F10]  }
0x27f: {  	v39 =	vld [tilespmem:$0x7F10]  }
0x280: {  	v42 =	vld [tilespmem:$0x6F20]  }
0x281: {  	v44 =	vld [tilespmem:$0x7F20]  }
0x282: {  	v45 =	vld [tilespmem:$0x6F30]  }
0x283: {  	v46 =	vld [tilespmem:$0x7F30]  }
0x284: {  	v47 =	vld [tilespmem:$0x6F40]  }
0x285: {  	v48 =	vld [tilespmem:$0x7F40]  }
0x286: {  	v49 =	vld [tilespmem:$0x6F50]  }
0x287: {  	v50 =	vld [tilespmem:$0x7F50]  }
0x288: {  	v51 =	vld [tilespmem:$0x6F60]  }
0x289: {  	s5 =	simm.s32 $0x100;
	s10 =	simm.s32 $0x80;
	v52 =	vld [tilespmem:$0x7F60]  }
0x28a: {  	s5 =	sand.u32 $0x800, s5;
	s11 =	sand.u32 $0x380, s10;
	v53 =	vld [tilespmem:$0x6F70]  }
0x28b: {  	s11 =	sor.u32 s11, s5;
	v54 =	vld [tilespmem:$0x7F70]  }
0x28c: {  	v55 =	vld [tilespmem:s11+$0x7B00]  }
0x28d: {  	v56 =	vld [tilespmem:s11+$0x7B10]  }
0x28e: {  	v57 =	vld [tilespmem:s11+$0x7B20]  }
0x28f: {  	v58 =	vld [tilespmem:s11+$0x7B30]  }
0x290: {  	v25 =	vld [tilespmem:s11+$0x7B40]  }
0x291: {  	v28 =	vld [tilespmem:s11+$0x7B50]  }
0x292: {  	v29 =	vld [tilespmem:s11+$0x7B60]  }
0x293: {  	v20 =	vld [tilespmem:s11+$0x7B70]  }
0x294: {  	v18 =	vld [tilespmem:s11+$0x7F00]  }
0x295: {  	v19 =	vld [tilespmem:s11+$0x7F10]  }
0x296: {  	v11 =	vld [tilespmem:s11+$0x7F20]  }
0x297: {  	v9 =	vld [tilespmem:s11+$0x7F30]  }
0x298: {  	v10 =	vld [tilespmem:s11+$0x7F40]  }
0x299: {  	v8 =	vld [tilespmem:s11+$0x7F50]  }
0x29a: {  	v7 =	vld [tilespmem:s11+$0x7F60]  }
0x29b: {  	v59 =	vld [tilespmem:s11+$0x6B00]  }
0x29c: {  	v60 =	vld [tilespmem:s11+$0x6B10]  }
0x29d: {  	v61 =	vld [tilespmem:s11+$0x6B20]  }
0x29e: {  	v62 =	vld [tilespmem:s11+$0x6B30]  }
0x29f: {  	v40 =	vld [tilespmem:s11+$0x6B40]  }
0x2a0: {  	v41 =	vld [tilespmem:s11+$0x6B50]  }
0x2a1: {  	v43 =	vld [tilespmem:s11+$0x6B60];
	v0 =	vmax.f32 v0, v1;
	v1 =	vmax.f32 v12, v13;
	v63 =	vmax.f32 v14, v15  }
0x2a2: {  	v35 =	vld [tilespmem:s11+$0x6B70];
	v4 =	vmax.f32 v16, v17;
	v27 =	vmax.f32 v21, v22;
	v26 =	vmax.f32 v23, v24  }
0x2a3: {  	v37 =	vld [tilespmem:s11+$0x6F00];
	v24 =	vmax.f32 v30, v31;
	v23 =	vmax.f32 v32, v33;
	v22 =	vmax.f32 v34, v36  }
0x2a4: {  	v21 =	vmax.f32 v38, v39;
	v17 =	vmax.f32 v42, v44;
	v16 =	vmax.f32 v45, v46;
	v39 =	vld [tilespmem:s11+$0x6F10]  }
0x2a5: {  	v15 =	vmax.f32 v47, v48;
	v13 =	vmax.f32 v49, v50;
	v34 =	vld [tilespmem:s11+$0x6F20];
	v14 =	vmax.f32 v51, v52  }
0x2a6: {  	v12 =	vmax.f32 v53, v54;
	v36 =	vld [tilespmem:s11+$0x6F30];
	v0 =	vmax.f32 v0, v59;
	v4 =	vmax.f32 v4, v62  }
0x2a7: {  	v42 =	vld [tilespmem:s11+$0x6F40];
	v30 =	vmax.f32 v0, v55;
	v0 =	vmax.f32 v1, v60;
	v1 =	vmax.f32 v63, v61  }
0x2a8: {  	s13 =	simm.s32 $0x200;
	v38 =	vld [tilespmem:s11+$0x6F50];
	v31 =	vmax.f32 v4, v58;
	v33 =	vmax.f32 v0, v56;
	v32 =	vmax.f32 v1, v57  }
.LBB2_18:
0x2a9: {  	p1 =	sne.s32 s13, $0xF00;
	v0 =	vmax.f32 v27, v40;
	v1 =	vmax.f32 v26, v41;
	v4 =	vmax.f32 v24, v43;
	v40 =	vld [tilespmem:s11+$0x6F60];
	s10 =	sadd.s32 $0x80, s10  }
0x2aa: {  	s5 =	sand.u32 $0x800, s13;
	s14 =	sand.u32 $0x380, s10;
	v27 =	vmax.f32 v0, v25;
	v26 =	vmax.f32 v1, v28;
	v24 =	vmax.f32 v4, v29;
	v0 =	vld [tilespmem:s11+$0x6F70]  }
0x2ab: {  	v21 =	vmax.f32 v21, v39;
	v1 =	vmax.f32 v23, v35;
	v4 =	vmax.f32 v22, v37;
	v28 =	vld [tilespmem:s11+$0x7F70];
	s11 =	sor.u32 s14, s5  }
0x2ac: {  	v21 =	vmax.f32 v21, v19;
	v23 =	vmax.f32 v1, v20;
	v22 =	vmax.f32 v4, v18;
	v44 =	vld [tilespmem:s11+$0x7B00]  }
0x2ad: {  	v4 =	vmax.f32 v17, v34;
	v16 =	vmax.f32 v16, v36;
	v15 =	vmax.f32 v15, v42;
	v1 =	vld [tilespmem:s11+$0x7B10]  }
0x2ae: {  	v17 =	vmax.f32 v4, v11;
	v16 =	vmax.f32 v16, v9;
	v15 =	vmax.f32 v15, v10;
	v45 =	vld [tilespmem:s11+$0x7B20]  }
0x2af: {  	v9 =	vmax.f32 v13, v38;
	v10 =	vmax.f32 v14, v40;
	v4 =	vld [tilespmem:s11+$0x7B30];
	v0 =	vmax.f32 v12, v0  }
0x2b0: {  	v13 =	vmax.f32 v9, v8;
	v14 =	vmax.f32 v10, v7;
	v25 =	vld [tilespmem:s11+$0x7B40];
	v12 =	vmax.f32 v0, v28  }
0x2b1: {  	v28 =	vld [tilespmem:s11+$0x7B50]  }
0x2b2: {  	v29 =	vld [tilespmem:s11+$0x7B60]  }
0x2b3: {  	v20 =	vld [tilespmem:s11+$0x7B70]  }
0x2b4: {  	v18 =	vld [tilespmem:s11+$0x7F00]  }
0x2b5: {  	v19 =	vld [tilespmem:s11+$0x7F10]  }
0x2b6: {  	v11 =	vld [tilespmem:s11+$0x7F20]  }
0x2b7: {  	v9 =	vld [tilespmem:s11+$0x7F30]  }
0x2b8: {  	v10 =	vld [tilespmem:s11+$0x7F40]  }
0x2b9: {  	v8 =	vld [tilespmem:s11+$0x7F50]  }
0x2ba: {  	v7 =	vld [tilespmem:s11+$0x7F60]  }
0x2bb: {  	v0 =	vld [tilespmem:s11+$0x6B00]  }
0x2bc: {  	v38 =	vld [tilespmem:s11+$0x6B10]  }
0x2bd: {  	v42 =	vld [tilespmem:s11+$0x6B20]  }
0x2be: {  	v46 =	vld [tilespmem:s11+$0x6B30]  }
0x2bf: {  	v40 =	vld [tilespmem:s11+$0x6B40]  }
0x2c0: {  	v41 =	vld [tilespmem:s11+$0x6B50]  }
0x2c1: {  	v43 =	vld [tilespmem:s11+$0x6B60]  }
0x2c2: {  	v35 =	vld [tilespmem:s11+$0x6B70]  }
0x2c3: {  	v37 =	vld [tilespmem:s11+$0x6F00]  }
.Ltmp9:
0x2c4: {  	v39 =	vld [tilespmem:s11+$0x6F10];
	(pc) =	sbr.rel @p1 .LBB2_18-.Ltmp9, $4  }
0x2c5: {  	v0 =	vmax.f32 v30, v0;
	v34 =	vld [tilespmem:s11+$0x6F20]  }
0x2c6: {  	v30 =	vmax.f32 v0, v44;
	v36 =	vld [tilespmem:s11+$0x6F30]  }
0x2c7: {  	v0 =	vmax.f32 v33, v38;
	v32 =	vmax.f32 v32, v42;
	v31 =	vmax.f32 v31, v46;
	v42 =	vld [tilespmem:s11+$0x6F40]  }
0x2c8: {  	s13 =	sadd.s32 $0x100, s13;
	v33 =	vmax.f32 v0, v1;
	v32 =	vmax.f32 v32, v45;
	v31 =	vmax.f32 v31, v4;
	v38 =	vld [tilespmem:s11+$0x6F50]  }
0x2c9: {  	s5 =	sshll.u32 s8, $0x7  }
0x2ca: {  	v0 =	vld [tilespmem:s11+$0x6F60];
	s5 =	sand.u32 $0x380, s5  }
0x2cb: {  	v1 =	vld [tilespmem:s11+$0x6F70];
	s5 =	sadd.s32 s5, s9  }
0x2cc: {  	v4 =	vld [tilespmem:s11+$0x7F70];
	[tilespmem:s5+$0x0] =	vst v30  }
0x2cd: {  	[tilespmem:s5+$0x10] =	vst v33  }
0x2ce: {  	v27 =	vmax.f32 v27, v40;
	[tilespmem:s5+$0x20] =	vst v32  }
0x2cf: {  	v26 =	vmax.f32 v26, v41;
	v25 =	vmax.f32 v27, v25;
	[tilespmem:s5+$0x30] =	vst v31  }
0x2d0: {  	v24 =	vmax.f32 v24, v43;
	v26 =	vmax.f32 v26, v28;
	[tilespmem:s5+$0x40] =	vst v25  }
0x2d1: {  	v23 =	vmax.f32 v23, v35;
	v24 =	vmax.f32 v24, v29;
	[tilespmem:s5+$0x50] =	vst v26  }
0x2d2: {  	v22 =	vmax.f32 v22, v37;
	v20 =	vmax.f32 v23, v20;
	[tilespmem:s5+$0x60] =	vst v24  }
0x2d3: {  	v21 =	vmax.f32 v21, v39;
	v18 =	vmax.f32 v22, v18;
	[tilespmem:s5+$0x70] =	vst v20  }
0x2d4: {  	v19 =	vmax.f32 v21, v19;
	v17 =	vmax.f32 v17, v34;
	[tilespmem:s5+$0x400] =	vst v18  }
0x2d5: {  	s7 =	sadd.s32 $0x1, s7;
	v16 =	vmax.f32 v16, v36;
	v11 =	vmax.f32 v17, v11;
	[tilespmem:s5+$0x410] =	vst v19  }
0x2d6: {  	p1 =	sne.s32 s7, $0x40;
	v15 =	vmax.f32 v15, v42;
	v9 =	vmax.f32 v16, v9;
	[tilespmem:s5+$0x420] =	vst v11  }
.Ltmp10:
0x2d7: {  	v10 =	vmax.f32 v15, v10;
	v63 =	vmax.f32 v13, v38;
	[tilespmem:s5+$0x430] =	vst v9;
	(pc) =	sbr.rel @p1 .LBB2_7-.Ltmp10, $4  }
0x2d8: {  	v0 =	vmax.f32 v14, v0;
	v8 =	vmax.f32 v63, v8;
	[tilespmem:s5+$0x440] =	vst v10  }
0x2d9: {  	v1 =	vmax.f32 v12, v1;
	v0 =	vmax.f32 v0, v7;
	[tilespmem:s5+$0x450] =	vst v8  }
0x2da: {  	v1 =	vmax.f32 v1, v4;
	[tilespmem:s5+$0x460] =	vst v0  }
0x2db: {  	[tilespmem:s5+$0x470] =	vst v1  }
0x2dc: {  	s5 =	rddreg [dreg:$0xa];
	s7 =	simm.s32 $0x8B00  }
0x2dd: {  	[hbm4b:s5+s1] =	stream.linear.scatter [tilespmem:s7], [sflag:$0x3], $0x8000, $0x38;
	[tilespmem:$0x10B00] =	vst v63  }
0x2de: {  	_ =	swait.ge [sflag:s18], $0x8000  }
0x2df: {  	s17 =	rddreg [dreg:$0xc]  }
0x2e0: {  	s26 =	rddreg [dreg:$0xb];
	s7 =	sadd.s32 $0x1, s17  }
0x2e1: {  	p1 =	sne.s32 s7, s26  }
.Ltmp11:
0x2e2: {  	_ = 	snop;
	(pc) =	sbr.rel @p1 .LBB2_1-.Ltmp11, $3  }
0x2e3: {  	_ =	sdelay $0x1  }
0x2e4: {  	[sflag:s18] =	ssyncset.done $0x0  }
0x2e5: {  	[sflag:s18] =	ssyncadd.s32 $0xFFFF8000  }
0x2e6: {  	_ =	sfence.sel $0x180000  }
0x2e7: {  	[bflag:$0x0] =	sbarrier.arrive $0xFFFF  }
0x2e8: {  	_ =	strace $0x9000004A  }
0x2e9: {  	s0 =	stileid.u32;
	[bflag:$0x2] =	sbarrier.arrive $0xFFFF  }
0x2ea: {  	p0 =	sne.s32 s0, $0x0;
	s0 =	rddreg [dreg:$0x2]  }
0x2eb: {  	s0 =	sadd.s32 @!p0 $0x100000, s0  }
0x2ec: {  	[sflag:s0] =	ssyncadd.tile.s32 @!p0 $0x1;
	_ =	shalt  }
.Lfunc_end2:
_tile_overlayer_lowered:
.L_overlay_start_2:
0x2ed: {  	(tag) =	ssettag $0x2  }
0x2ee: {  	s0 =	rddreg [dreg:$0x0];
	s2 =	stileid.u32  }
0x2ef: {  	s1 =	rddreg [dreg:$0x1];
	p0 =	sne.s32 s2, $0x0  }
0x2f0: {  	s3 =	rddreg [dreg:$0x2];
	[bflag:$0x3] =	sbarrier.arrive $0xFFFF;
	s2 =	simm.s32 @!p0 $0x1C03  }
0x2f1: {  	[timem:s3], [sflag:s2] =	dma.local @!p0 [hbm:s0], s1  }
0x2f2: {  	s0 =	simm.s32 @!p0 $0x3  }
0x2f3: {  	_ =	swait.ge @!p0 [sflag:s0], s1  }
0x2f4: {  	s1 =	ssub.s32 @!p0 $0x0, s1;
	[sflag:s0] =	ssyncset.done @!p0 $0x0  }
0x2f5: {  	[sflag:s0] =	ssyncadd.s32 @!p0 s1  }
0x2f6: {  	[bflag:$0x3] =	sbarrier.arrive $0xFFFF  }
0x2f7: {  	_ =	shalt  }

// kernel: sparse-core-data-format-call.cloned.1.call-start
scs
called_computation_lowered:
.L_overlay_start_0:
0x0: {  	s2 =	sld [smem:$0x3FD9]  }
0x1: {  	s3 =	sld [smem:$0x3FFE];
	_ =	sdelay $0x1  }
0x2: {  	s1 =	srdreg.scid  }
0x3: {  	s0 =	sand.u32 $0x1, s1  }
0x4: {  	s18 =	sshll.u32 s0, $0xA;
	s2 =	sadd.s32 s3, s2  }
0x5: {  	s2 =	sadd.s32 s2, s18  }
0x6: {  	[smem:$0x3FC6] =	sst s2  }
0x7: {  	_ = 	snop  }
0x8: {  	s2 =	sld [smem:$0x3FC8];
	(tm) =	ssettm $0x1  }
0x9: {  	s19 =	sld [smem:$0x3FFB];
	_ =	sdelay $0x3  }
0xa: {  	_ =	strace s19  }
0xb: {  	s3 =	sld [smem:$0x3FFC];
	_ =	sdelay $0x3  }
0xc: {  	_ =	strace s3  }
0xd: {  	s3 =	sld [smem:$0x3FFD];
	_ =	sdelay $0x3  }
0xe: {  	_ =	strace s3  }
0xf: {  	_ =	strace $0x8FFFFFFF  }
0x10: {  	s20 =	sld [smem:$0x3FDB];
	_ =	sdelay $0x1  }
0x11: {  	s4 =	simm.s32 $_scs_section_size  }
0x12: {  	s5 =	simm.s32 $_size__tile_overlayer_lowered;
	s6 =	simm.s32 $_tile_overlayer_lowered  }
0x13: {  	s23 =	simm.s32 $0x1BFF;
	s22 =	sshll.u32 s6, $0x1;
	s3 =	sadd.s32 s4, s20  }
0x14: {  	s7 =	simm.s32 $0x0;
	s21 =	sshll.u32 s5, $0x1;
	s5 =	sadd.s32 s22, s3  }
0x15: {  	[timem:s7], [sflag:s23] =	dma.local [hbm:s5], s21  }
0x16: {  	_ =	swait.ge [sflag:s23], s21  }
0x17: {  	s4 =	ssub.s32 $0x0, s21;
	[sflag:s23] =	ssyncset.done $0x0  }
0x18: {  	[sflag:s23] =	ssyncadd.s32 s4;
	_ =	sdelay $0x1  }
0x19: {  	s24 =	simm.s32 $0x1B8B  }
0x1a: {  	_ =	swait.ge [sflag:s24], $0x1  }
0x1b: {  	[sflag:s24] =	ssyncset.done $0x0  }
0x1c: {  	s26 =	simm.s32 $0x1B8E;
	s25 =	sld [smem:$0x3FFE];
	[sflag:s24] =	ssyncadd.s32 $0xFFFFFFFF  }
0x1d: {  	s27 =	simm.s32 $execute0_lowered;
	[smem:$0x3FD2] =	sst s26  }
0x1e: {  	s5 =	sshll.u32 s27, $0x1;
	_ =	strace $0x80000046;
	[dreg:$0x1] =	wrdreg $0xFFFFFFFF  }
0x1f: {  	s28 =	simm.s32 $_size_execute0_lowered;
	s3 =	sadd.s32 s3, s5;
	[dreg:$0x0] =	wrdreg $0x0  }
0x20: {  	s5 =	sshll.u32 s28, $0x1;
	[dreg:$0x2] =	wrdreg s3  }
0x21: {  	[dreg:$0x3] =	wrdreg s5  }
0x22: {  	[dreg:$0x4] =	wrdreg $0xC0  }
0x23: {  	_ =	task [dreg:s7], $0x5FFFF  }
0x24: {  	[dreg:$0x1] =	wrdreg $0xFFFFFFFF  }
0x25: {  	[dreg:$0x0] =	wrdreg $0x60  }
0x26: {  	[dreg:$0x2] =	wrdreg s2  }
0x27: {  	[dreg:$0x3] =	wrdreg s25  }
0x28: {  	[dreg:$0x4] =	wrdreg $0x9  }
0x29: {  	_ =	task.clear_ibuf [dreg:s7], $0x5FFFF;
	_ =	strace $0x90000046  }
0x2a: {  	s29 =	simm.s32 $0x9;
	_ =	strace $0x80000048  }
0x2b: {  	_ =	swait.ge [sflag:s29], $0x1  }
0x2c: {  	[sflag:s29] =	ssyncadd.s32 $0xFFFFFFFF  }
0x2d: {  	_ =	strace $0x90000048  }
0x2e: {  	_ =	sfence  }
0x2f: {  	s30 =	sld [smem:$0x0];
	_ =	sdelay $0x2  }
0x30: {  	s31 =	sshll.u32 s1, $0xD;
	s1 =	sshrl.u32 s1, $0x2  }
0x31: {  	s3 =	sand.u32 $0x4000, s31;
	s1 =	sadd.s32 s1, s30  }
0x32: {  	s0 =	sor.u32 s3, s0;
	s1 =	sshll.u32 s1, $0x11  }
0x33: {  	s0 =	sor.u32 s1, s0  }
0x34: {  	s0 =	sadd.s32 $0x8F2B, s0  }
0x35: {  	[sflag:s0] =	ssyncadd.remote.s32 $0x1  }
0x36: {  	_ =	sfence.sel $0xFFFF  }
0x37: {  	[dreg:$0x0] =	wrdreg $0xFFFFFFFF;
	(pc) =	sbr.abs _section_cstart, $3  }
0x38: {  	[dreg:$0x1] =	wrdreg $0xFFFFFFFF  }
0x39: {  	_ =	task.clear_ibuf [dreg:s7], $0x2FFFF;
	_ =	strace $0x9FFFFFFF  }
0x3a: {  	(tm) =	ssettm $0x7FFFFFFF  }
0x3b: {  	_ =	shalt  }
tec
execute0_lowered:
.L_overlay_start_1:
0x0: {  	(tag) =	ssettag $0x1  }
0x1: {  	s0 =	stileid.u32;
	s1 =	srdreg.scid  }
0x2: {  	s7 =	rddreg [dreg:$0x1];
	s31 =	simm.s32 $0x2;
	s17 =	simm.s32 $0x0  }
0x3: {  	p0 =	por $0x0, $0x0;
	s10 =	simm.s32 $0x800;
	s15 =	simm.s32 $0x0  }
0x4: {  	s16 =	simm.s32 $0x0;
	s14 =	simm.s32 $0x0;
	s2 =	sshll.u32 s0, $0x4  }
0x5: {  	s3 =	sshll.u32 s1, $0x7;
	s1 =	rddreg [dreg:$0x0];
	s2 =	sand.u32 $0x80, s2  }
0x6: {  	s7 =	sadd.s32 $0xE00, s7;
	s4 =	sand.u32 $0x80, s3;
	s30 =	ssub.s32 $0x100, s2  }
0x7: {  	s5 =	ssub.s32 $0x1000, s4;
	s11 =	smov.u32 s4;
	s6 =	sshrl.u32 s30, $0x8  }
0x8: {  	s3 =	sshrl.u32 s30, $0x7;
	s8 =	sshrl.u32 s5, $0x7;
	s5 =	sshrl.u32 s5, $0x8  }
.Ltmp0:
0x9: {  	s9 =	sand.u32 $0x1, s3;
	s8 =	sand.u32 $0x1, s8;
	(pc) =	sbr.rel .LBB1_1-.Ltmp0, $4  }
0xa: {  	s3 =	rddreg [dreg:$0x2];
	s6 =	sadd.s32 s6, s9;
	s8 =	sadd.s32 s5, s8  }
0xb: {  	_ =	strace $0x80000047;
	s5 =	simm.s32 $0x1;
	s6 =	smul.u32 s6, s8  }
0xc: {  	s12 =	smov.u32 s2;
	[sflag:s5] =	ssyncpa.u1 $0x0;
	s8 =	sand.u32 $0x7, s0  }
0xd: {  	[sflag:s31] =	ssyncpa.u1 $0x0;
	s13 =	smov.u32 s8;
	s9 =	sadd.s32 $0x1, s6  }
.LBB1_4:
0xe: {  	v5 =	vld [tilespmem:s20+$0xFFFFFFD0];
	[tilespmem:s21+$0x2040 ss:$0x81] =	vst.msk $0xffff, v1  }
0xf: {  	v58 =	vld [tilespmem:s20+$0xFFFFFFE0];
	[tilespmem:s21+$0x2850 ss:$0x81] =	vst.msk $0xffff, v2  }
0x10: {  	s22 =	sshra.s32 s22, $0x2;
	v59 =	vld [tilespmem:s20+$0xFFFFFFF0];
	[tilespmem:s21+$0x3060 ss:$0x81] =	vst.msk $0xffff, v3  }
0x11: {  	v60 =	vld [tilespmem:s20+$0x0];
	[tilespmem:s21+$0x0 ss:$0x81] =	vst.msk $0xffff, v0;
	s19 =	sadd.s32 s22, s19  }
0x12: {  	v61 =	vld [tilespmem:s20+$0x10];
	s25 =	sshll.u32 s17, $0x8;
	[tilespmem:s19+$0x3870 ss:$0x81] =	vst.msk $0xffff, v4  }
0x13: {  	s26 =	sshll.u32 s15, $0x3;
	v62 =	vld [tilespmem:s20+$0x20];
	s27 =	sshll.u32 s17, $0x7;
	s30 =	sand.u32 $0x78, s15;
	[tilespmem:s19+$0x810 ss:$0x81] =	vst.msk $0xffff, v5  }
0x14: {  	v63 =	vld [tilespmem:s20+$0xFFFFFFC0];
	s16 =	sshll.u32 s16, $0x11;
	s21 =	sand.u32 $0xFF800, s25;
	s22 =	sand.u32 $0xFFC00, s26;
	[tilespmem:s19+$0x1020 ss:$0x81] =	vst.msk $0xffff, v58  }
0x15: {  	s29 =	sand.u32 $0x300, s27;
	s17 =	sand.u32 $0x80, s27;
	s28 =	sadd.s32 s22, s21;
	[tilespmem:s19+$0x1830 ss:$0x81] =	vst.msk $0xffff, v59  }
0x16: {  	s31 =	sand.u32 $0x7, s15;
	s17 =	sor.u32 s30, s17;
	s20 =	sor.u32 s29, s28;
	[tilespmem:s19+$0x2040 ss:$0x81] =	vst.msk $0xffff, v60  }
0x17: {  	s16 =	sadd.s32 s7, s16;
	s17 =	sshrl.u32 s17, $0x3;
	s20 =	sshrl.u32 s20, $0x3;
	[tilespmem:s19+$0x2850 ss:$0x81] =	vst.msk $0xffff, v61  }
0x18: {  	s15 =	sshll.u32 s31, $0x12;
	s16 =	sadd.s32 s17, s16;
	[tilespmem:s19+$0x3060 ss:$0x81] =	vst.msk $0xffff, v62;
	s20 =	sand.u32 $0x1FFE0, s20  }
0x19: {  	s15 =	sor.u32 $0x400, s15;
	[tilespmem:s19+$0x0 ss:$0x81] =	vst.msk $0xffff, v63;
	s16 =	sadd.s32 s20, s16  }
0x1a: {  	[hbm4b:s16+s15] =	stream.strided.scatter [tilespmem:s18], [sflag:$0x2], $0x4000, s10, s15, $0x20;
	[tilespmem:$0x10100] =	vst v63  }
.LBB1_5:
0x1b: {  	s18 =	sadd.s32 $0x100, s11  }
0x1c: {  	s15 =	sadd.s32 $0x100, s12;
	s19 =	smov.u32 s12;
	p2 =	sgt.s32 s18, $0xFFF  }
0x1d: {  	s19 =	smov.u32 @p2 s15  }
0x1e: {  	s21 =	smov.u32 s13;
	s15 =	sadd.s32 $0x8, s13;
	p3 =	sgt.s32 s19, $0xFF  }
0x1f: {  	s21 =	smov.u32 @p3 s15  }
0x20: {  	s18 =	smov.u32 @p2 s4;
	p2 =	sgt.s32 s21, $0x7  }
0x21: {  	p1 =	slt.u32 s14, $0x2;
	s21 =	smov.u32 @p2 s8;
	p2 =	sne.s32 s14, s9  }
.Ltmp1:
0x22: {  	s20 =	simm.s32 @!p1 $0x2;
	(pc) =	sbr.rel @!p2 .LBB1_6-.Ltmp1, $4  }
0x23: {  	s17 =	smov.u32 s11;
	s16 =	smov.u32 s13;
	_ =	swait.ge @!p1 [sflag:s20], $0x4000  }
0x24: {  	p0 =	por !p0, !p0;
	[sflag:s20] =	ssyncset.done @!p1 $0x0;
	s11 =	smov.u32 s18  }
0x25: {  	s19 =	smov.u32 @p3 s2;
	s15 =	smov.u32 s12;
	[sflag:s20] =	ssyncadd.s32 @!p1 $0xFFFFC000  }
0x26: {  	s12 =	smov.u32 s19;
	s14 =	sadd.s32 $0x1, s14;
	s13 =	smov.u32 s21  }
.LBB1_1:
0x27: {  	p1 =	sge.u32 s14, s6;
	s31 =	sadd.s32 $0xFFFFFFFF, s14  }
0x28: {  	s18 =	sxor.u32 @!p1 $0xFFFFFFFF, s14;
	s19 =	sand.u32 @!p1 $0x78, s11;
	s20 =	sshll.u32 @!p1 s12, $0xC  }
0x29: {  	s21 =	sshll.u32 @!p1 s12, $0x7;
	s22 =	sshll.u32 @!p1 s11, $0x3;
	s18 =	sshll.u32 @!p1 s18, $0xE  }
0x2a: {  	s20 =	sand.u32 @!p1 $0xF8000, s20;
	s21 =	sand.u32 @!p1 $0x380, s21;
	s18 =	sand.u32 @!p1 $0x4000, s18  }
0x2b: {  	s20 =	sadd.s32 @!p1 s20, s22;
	s22 =	sand.u32 @!p1 $0xC00, s22;
	s19 =	sor.u32 @!p1 s21, s19  }
0x2c: {  	s21 =	sshll.u32 @!p1 s13, $0x11;
	s19 =	sor.u32 @!p1 s22, s19;
	s20 =	sshrl.u32 @!p1 s20, $0x3  }
0x2d: {  	s21 =	sadd.s32 @!p1 s1, s21;
	s22 =	sand.u32 @!p1 $0x7, s11;
	s20 =	sand.u32 @!p1 $0x1FE00, s20  }
0x2e: {  	s19 =	sshrl.u32 @!p1 s19, $0x3;
	s20 =	sadd.s32 @!p1 s20, s21;
	s21 =	sshll.u32 @!p1 s22, $0x12  }
0x2f: {  	s19 =	sadd.s32 @!p1 s19, s20;
	s20 =	sor.u32 @!p1 $0x400, s21;
	s21 =	simm.s32 @!p1 $0x8000  }
0x30: {  	[tilespmem:s18], [sflag:$0x1] =	stream.strided.gather @!p1 [hbm4b:s19+s20], $0x4000, s21, s20, $0x38;
	[tilespmem:$0x10100] =	vst v63  }
0x31: {  	p1 =	sge.u32 s31, s6  }
.Ltmp2:
0x32: {  	_ = 	snop;
	(pc) =	sbr.rel @p1 .LBB1_5-.Ltmp2, $1  }
0x33: {  	_ =	sdelay $0x3  }
0x34: {  	s18 =	simm.s32 $0x1  }
0x35: {  	_ =	swait.ge [sflag:s5], $0x4000;
	s18 =	simm.s32 @!p0 $0x0  }
0x36: {  	[sflag:s5] =	ssyncset.done $0x0;
	s19 =	sshll.u32 s18, $0xE  }
0x37: {  	[sflag:s5] =	ssyncadd.s32 $0xFFFFC000;
	s20 =	sor.u32 $0x40, s19  }
0x38: {  	s18 =	smul.u32 $0x10200, s18;
	v0 =	vld [tilespmem:s20+$0x30]  }
0x39: {  	v3 =	vld [tilespmem:s20+$0xFFFFFFD0]  }
0x3a: {  	s18 =	sshrl.u32 s18, $0x2;
	v4 =	vld [tilespmem:s20+$0xFFFFFFE0]  }
0x3b: {  	v5 =	vld [tilespmem:s20+$0xFFFFFFF0];
	s19 =	sor.u32 $0x8000, s18  }
0x3c: {  	s31 =	sand.u32 $0x1, s14;
	v1 =	vld [tilespmem:s20+$0x0];
	s21 =	sadd.s32 $0x0, s19  }
0x3d: {  	v2 =	vld [tilespmem:s20+$0x10];
	s18 =	smul.u32 $0x10200, s31;
	[tilespmem:s21+$0x3870 ss:$0x81] =	vst.msk $0xffff, v0  }
0x3e: {  	[tilespmem:s21+$0x810 ss:$0x81] =	vst.msk $0xffff, v3;
	v3 =	vld [tilespmem:s20+$0x20]  }
0x3f: {  	s18 =	sshrl.u32 s18, $0x2;
	v0 =	vld [tilespmem:s20+$0xFFFFFFC0];
	[tilespmem:s21+$0x1020 ss:$0x81] =	vst.msk $0xffff, v4;
	s20 =	sadd.s32 $0x80, s20  }
0x40: {  	s22 =	simm.s32 $0x4;
	s23 =	simm.s32 $0x8;
	s18 =	sor.u32 $0x8000, s18;
	[tilespmem:s21+$0x1830 ss:$0x81] =	vst.msk $0xffff, v5;
	v4 =	vld [tilespmem:s20+$0x30]  }
.LBB1_3:
0x41: {  	p1 =	sne.s32 s23, $0x1FC;
	v5 =	vld [tilespmem:s20+$0xFFFFFFD0];
	[tilespmem:s21+$0x2040 ss:$0x81] =	vst.msk $0xffff, v1  }
0x42: {  	v6 =	vld [tilespmem:s20+$0xFFFFFFE0];
	[tilespmem:s21+$0x2850 ss:$0x81] =	vst.msk $0xffff, v2  }
0x43: {  	s24 =	sshra.s32 s22, $0x2;
	s22 =	smov.u32 s23;
	v7 =	vld [tilespmem:s20+$0xFFFFFFF0];
	[tilespmem:s21+$0x3060 ss:$0x81] =	vst.msk $0xffff, v3  }
.Ltmp3:
0x44: {  	v1 =	vld [tilespmem:s20+$0x0];
	[tilespmem:s21+$0x0 ss:$0x81] =	vst.msk $0xffff, v0;
	s21 =	sadd.s32 s24, s19;
	(pc) =	sbr.rel @p1 .LBB1_3-.Ltmp3, $4  }
0x45: {  	v2 =	vld [tilespmem:s20+$0x10];
	[tilespmem:s21+$0x3870 ss:$0x81] =	vst.msk $0xffff, v4  }
0x46: {  	[tilespmem:s21+$0x810 ss:$0x81] =	vst.msk $0xffff, v5;
	v3 =	vld [tilespmem:s20+$0x20]  }
0x47: {  	v0 =	vld [tilespmem:s20+$0xFFFFFFC0];
	[tilespmem:s21+$0x1020 ss:$0x81] =	vst.msk $0xffff, v6;
	s20 =	sadd.s32 $0x80, s20  }
0x48: {  	s23 =	sadd.s32 $0x4, s23;
	v4 =	vld [tilespmem:s20+$0x30];
	[tilespmem:s21+$0x1830 ss:$0x81] =	vst.msk $0xffff, v7  }
.Ltmp4:
0x49: {  	_ = 	snop;
	(pc) =	sbr.rel .LBB1_4-.Ltmp4, $1  }
0x4a: {  	_ =	sdelay $0x3  }
.LBB1_6:
0x4b: {  	_ =	sfence.sel $0x180000  }
0x4c: {  	s1 =	simm.s32 $0x1;
	[bflag:$0x0] =	sbarrier.arrive $0xFFFF  }
0x4d: {  	s31 =	simm.s32 $0x2;
	[sflag:s1] =	ssyncpa.u1 $0x1  }
0x4e: {  	[sflag:s31] =	ssyncpa.u1 $0x1  }
0x4f: {  	p0 =	sne.s32 s0, $0x0;
	_ =	strace $0x90000047  }
0x50: {  	s0 =	sadd.s32 @!p0 $0x100000, s3;
	[bflag:$0x2] =	sbarrier.arrive $0xFFFF  }
0x51: {  	[sflag:s0] =	ssyncadd.tile.s32 @!p0 $0x1;
	_ =	shalt  }
.Lfunc_end1:
_tile_overlayer_lowered:
.L_overlay_start_2:
0x52: {  	(tag) =	ssettag $0x2  }
0x53: {  	s0 =	rddreg [dreg:$0x0];
	s2 =	stileid.u32  }
0x54: {  	s1 =	rddreg [dreg:$0x1];
	p0 =	sne.s32 s2, $0x0  }
0x55: {  	s3 =	rddreg [dreg:$0x2];
	[bflag:$0x3] =	sbarrier.arrive $0xFFFF;
	s2 =	simm.s32 @!p0 $0x1C01  }
0x56: {  	[timem:s3], [sflag:s2] =	dma.local @!p0 [hbm:s0], s1  }
0x57: {  	s0 =	simm.s32 @!p0 $0x1  }
0x58: {  	_ =	swait.ge @!p0 [sflag:s0], s1  }
0x59: {  	s1 =	ssub.s32 @!p0 $0x0, s1;
	[sflag:s0] =	ssyncset.done @!p0 $0x0  }
0x5a: {  	[sflag:s0] =	ssyncadd.s32 @!p0 s1  }
0x5b: {  	[bflag:$0x3] =	sbarrier.arrive $0xFFFF  }
0x5c: {  	_ =	shalt  }

</sc_bundles>
